<compile_context>
chip_gen: v7x
topology: tpu7x:2x2x1
jax: 0.10.2.dev20260603
libtpu: 0.0.44.dev20260713+nightly
codegen_flags: <defaults>
</compile_context>

<pallas_src>
import functools

import jax
import jax.numpy as jnp
from jax import lax
from jax.experimental import pallas as pl
from jax.experimental.pallas import tpu as pltpu
from jax.experimental.pallas import tpu_sc as plsc

N = 10000
F0 = 128
F1 = 16
F2 = 2
E = 320000

NPAD = 10240
EW = 125
ROWS = E // EW

_NC = 2
_NS = 16
_RPT = ROWS // (_NC * _NS)
_SL = NPAD // _NS

_BR = 1024
_NB = 8



_MESH = plsc.VectorSubcoreMesh(core_axis_name="c", subcore_axis_name="s")
_SC_PARAMS = pltpu.CompilerParams(use_tc_tiling_on_sc=False)


def _make_segsum():

    @functools.partial(
        pl.kernel,
        out_type=jax.ShapeDtypeStruct((_NC, NPAD, F1), jnp.float32),
        mesh=_MESH,
        compiler_params=_SC_PARAMS,
        scratch_types=[
            pltpu.VMEM((_RPT, EW), jnp.int32),
            pltpu.VMEM((_RPT, EW), jnp.int32),
            pltpu.VMEM((_NB, EW, F1), jnp.float32),
            pltpu.VMEM_SHARED((NPAD, F1), jnp.float32),
            pltpu.VMEM_SHARED((NPAD, F1), jnp.float32),
            pltpu.SemaphoreType.DMA,
            pltpu.SemaphoreType.DMA,
        ],
    )
    def segsum(vals_hbm, src_hbm, dst_hbm, zeros_hbm, out_hbm,
               src_v, dst_v, rows_v, vals_sh, acc_sh, gsem, ssem):
        c = lax.axis_index("c")
        s = lax.axis_index("s")
        wid = s * _NC + c
        pltpu.sync_copy(src_hbm.at[pl.ds(wid * _RPT, _RPT)], src_v)
        pltpu.sync_copy(dst_hbm.at[pl.ds(wid * _RPT, _RPT)], dst_v)
        pltpu.sync_copy(vals_hbm.at[pl.ds(s * _SL, _SL)],
                        vals_sh.at[pl.ds(s * _SL, _SL)])
        pltpu.sync_copy(zeros_hbm.at[pl.ds(s * _SL, _SL)],
                        acc_sh.at[pl.ds(s * _SL, _SL)])
        plsc.subcore_barrier()

        @pl.loop(0, _RPT, step=_NB)
        def _(j0):
            gs = [pltpu.async_copy(vals_sh.at[src_v.at[j0 + b]],
                                   rows_v.at[b], gsem)
                  for b in range(_NB)]
            ss = []
            for b in range(_NB):
                gs[b].wait()
                ss.append(pltpu.async_copy(rows_v.at[b],
                                           acc_sh.at[dst_v.at[j0 + b]],
                                           ssem, add=True))
            for h in ss:
                h.wait()

        plsc.subcore_barrier()
        pltpu.sync_copy(acc_sh.at[pl.ds(s * _SL, _SL)],
                        out_hbm.at[c, pl.ds(s * _SL, _SL)])

    return segsum


def _make_degree():

    @functools.partial(
        pl.kernel,
        out_type=jax.ShapeDtypeStruct((_NC, NPAD, F1), jnp.float32),
        mesh=_MESH,
        compiler_params=_SC_PARAMS,
        scratch_types=[
            pltpu.VMEM((_RPT, EW), jnp.int32),
            pltpu.VMEM((EW, F1), jnp.float32),
            pltpu.VMEM_SHARED((NPAD, F1), jnp.float32),
            pltpu.SemaphoreType.DMA,
        ],
    )
    def degree(ones_hbm, dst_hbm, zeros_hbm, out_hbm,
               dst_v, ones_v, acc_sh, ssem):
        c = lax.axis_index("c")
        s = lax.axis_index("s")
        wid = s * _NC + c
        pltpu.sync_copy(dst_hbm.at[pl.ds(wid * _RPT, _RPT)], dst_v)
        pltpu.sync_copy(ones_hbm.at[pl.ds(0, EW)], ones_v)
        pltpu.sync_copy(zeros_hbm.at[pl.ds(s * _SL, _SL)],
                        acc_sh.at[pl.ds(s * _SL, _SL)])
        plsc.subcore_barrier()

        @pl.loop(0, _RPT, step=_NB)
        def _(j0):
            ss = [pltpu.async_copy(ones_v, acc_sh.at[dst_v.at[j0 + b]],
                                   ssem, add=True)
                  for b in range(_NB)]
            for h in ss:
                h.wait()

        plsc.subcore_barrier()
        pltpu.sync_copy(acc_sh.at[pl.ds(s * _SL, _SL)],
                        out_hbm.at[c, pl.ds(s * _SL, _SL)])

    return degree


_segsum = _make_segsum()
_degree = _make_degree()



_FR = NPAD * F1 // 128
_FBR = 256
_FGRID = (_FR // _FBR,)


def _mm1_body(x_ref, w_ref, o_ref):
    o_ref[...] = jnp.dot(x_ref[...], w_ref[...],
                         preferred_element_type=jnp.float32)


def _scale_body(p_ref, h1_ref, dis_ref, h1s_ref):
    deg = p_ref[0] + p_ref[1] + 1.0
    dis = lax.rsqrt(deg)
    dis_ref[...] = dis
    h1s_ref[...] = h1_ref[...] * dis


def _layer1_body(p_ref, h1s_ref, dis_ref, b1_ref, r_ref):
    dis = dis_ref[...]
    o1 = dis * (p_ref[0] + p_ref[1] + h1s_ref[...]) + b1_ref[...]
    r_ref[...] = dis * jnp.maximum(o1, 0.0)


def _layer2_body(p_ref, r_ref, dis_ref, bd2_ref, b2_ref, kp_ref, kd_ref, o_ref):
    t = dis_ref[...] * (p_ref[0] + p_ref[1] + r_ref[...])
    o2 = jnp.dot(t, bd2_ref[...], preferred_element_type=jnp.float32) + b2_ref[...]
    ps = jnp.dot(o2, kp_ref[...], preferred_element_type=jnp.float32)
    pd = jnp.dot(o2, kd_ref[...], preferred_element_type=jnp.float32)
    m = 0.5 * (ps + jnp.abs(pd))
    es = jnp.dot(jnp.exp(o2 - m), kp_ref[...], preferred_element_type=jnp.float32)
    o_ref[...] = o2 - (m + jnp.log(es))


def _flat_spec(width=128):
    return pl.BlockSpec((_FBR, width), lambda i: (i, 0))


def _pairflat_spec():
    return pl.BlockSpec((_NC, _FBR, 128), lambda i: (0, i, 0))


def _const_spec(shape):
    return pl.BlockSpec(shape, lambda i: tuple(0 for _ in shape))


_FLAT_SDS = jax.ShapeDtypeStruct((_FR, 128), jnp.float32)


def kernel(x, edge_index, W1, b1, W2, b2):
    ei = edge_index.astype(jnp.int32)
    src = ei[0].reshape(ROWS, EW)
    dst = ei[1].reshape(ROWS, EW)
    x_pad = jnp.pad(x, ((0, NPAD - N), (0, 0)))
    zeros = jnp.zeros((NPAD, F1), jnp.float32)
    ones = jnp.ones((NPAD, F1), jnp.float32)

    eye8 = jnp.eye(8, dtype=jnp.float32)
    bd1 = jnp.kron(eye8, W1)
    bd2 = jnp.kron(eye8, W2.astype(jnp.float32))
    kp = jnp.kron(eye8, jnp.ones((F2, F2), jnp.float32))
    kd = jnp.kron(eye8, jnp.array([[1., -1.], [-1., 1.]], jnp.float32))
    b1t = jnp.tile(b1, 8).reshape(1, 128)
    b2t = jnp.tile(b2, 8).reshape(1, F1)

    degp = _degree(ones, dst, zeros)
    degp_f = degp.reshape(_NC, _FR, 128)

    h1_f = pl.pallas_call(
        _mm1_body,
        grid=_FGRID,
        in_specs=[pl.BlockSpec((_FBR, 8 * F0), lambda i: (i, 0)),
                  _const_spec((8 * F0, 128))],
        out_specs=_flat_spec(),
        out_shape=_FLAT_SDS,
    )(x_pad.reshape(_FR, 8 * F0), bd1)

    dis_f, h1s_f = pl.pallas_call(
        _scale_body,
        grid=_FGRID,
        in_specs=[_pairflat_spec(), _flat_spec()],
        out_specs=[_flat_spec(), _flat_spec()],
        out_shape=[_FLAT_SDS, _FLAT_SDS],
    )(degp_f, h1_f)

    a1p = _segsum(h1s_f.reshape(NPAD, F1), src, dst, zeros)

    r_f = pl.pallas_call(
        _layer1_body,
        grid=_FGRID,
        in_specs=[_pairflat_spec(), _flat_spec(), _flat_spec(),
                  _const_spec((1, 128))],
        out_specs=_flat_spec(),
        out_shape=_FLAT_SDS,
    )(a1p.reshape(_NC, _FR, 128), h1s_f, dis_f, b1t)

    a2p = _segsum(r_f.reshape(NPAD, F1), src, dst, zeros)

    out_f = pl.pallas_call(
        _layer2_body,
        grid=_FGRID,
        in_specs=[_pairflat_spec(), _flat_spec(), _flat_spec(),
                  _const_spec((128, F1)), _const_spec((1, F1)),
                  _const_spec((F1, F1)), _const_spec((F1, F1))],
        out_specs=pl.BlockSpec((_FBR, F1), lambda i: (i, 0)),
        out_shape=jax.ShapeDtypeStruct((_FR, F1), jnp.float32),
    )(a2p.reshape(_NC, _FR, 128), r_f, dis_f, bd2, b2t, kp, kd)

    return out_f.reshape(NPAD, F2)[:N]

# --- scband reference (transcript-rebuilt; emitter-appended) ---
"""Pipeline reference for scband-gcn-30382598652233 (READ-ONLY COPY).

The authoritative reference and input builder live on the scoring server;
editing this copy changes nothing except your own understanding.
"""

import jax, jax.numpy as jnp
import numpy as np

N_NODES = 10000

def setup_inputs(seed: int = 0) -> dict:
    key = jax.random.key(seed)
    k1, k2, k3, k4, k5, k6 = jax.random.split(key, 6)
    x = jax.random.normal(k1, (N_NODES, 128), dtype=jnp.float32)
    edge_index = jax.random.randint(k2, (2, 320000), 0, N_NODES, dtype=jnp.int64)
    # GCNConv weights: conv1 (128 -> 16), conv2 (16 -> 2)
    W1 = jax.random.normal(k3, (128, 16), dtype=jnp.float32) * (1.0 / np.sqrt(128.0))
    b1 = jnp.zeros((16,), dtype=jnp.float32)
    W2 = jax.random.normal(k4, (16, 2), dtype=jnp.float32) * (1.0 / np.sqrt(16.0))
    b2 = jnp.zeros((2,), dtype=jnp.float32)
    return {"x": x, "edge_index": edge_index, "W1": W1, "b1": b1, "W2": W2, "b2": b2}


def _gcn_conv(x, src, dst, W, b, num_nodes):
    # Faithful PyG GCNConv: add self-loops, symmetric normalization, scatter-add aggregation.
    h = x @ W
    deg = jnp.zeros((num_nodes,), dtype=h.dtype).at[dst].add(1.0)
    deg_inv_sqrt = jnp.where(deg > 0, jax.lax.rsqrt(jnp.maximum(deg, 1e-12)), 0.0)
    norm = deg_inv_sqrt[src] * deg_inv_sqrt[dst]
    msg = h[src] * norm[:, None]
    out = jnp.zeros((num_nodes, h.shape[1]), dtype=h.dtype).at[dst].add(msg)
    return out + b


def reference(x, edge_index, W1, b1, W2, b2):
    num_nodes = x.shape[0]
    loop = jnp.arange(num_nodes, dtype=edge_index.dtype)
    src = jnp.concatenate([edge_index[0], loop])
    dst = jnp.concatenate([edge_index[1], loop])
    h = _gcn_conv(x, src, dst, W1, b1, num_nodes)
    h = jax.nn.relu(h)
    # F.dropout with training=self.training: identity in eval mode
    h = _gcn_conv(h, src, dst, W2, b2, num_nodes)
    return jax.nn.log_softmax(h, axis=1)

if __name__ == "__main__":
    import jax
    _d = setup_inputs()
    print(jax.jit(kernel)(*tuple(_d.values())))

</pallas_src>

<mosaic_0001>
#map = affine_map<(d0, d1) -> (0, 0)>
#map1 = affine_map<(d0, d1) -> (0, 0, 0)>
module attributes {stable_mosaic.version = 14 : i64} {
  func.func @degree(%arg0: i32, %arg1: i32, %arg2: memref<10240x16xf32, #tpu.memory_space<hbm>>, %arg3: memref<2560x125xi32, #tpu.memory_space<hbm>>, %arg4: memref<10240x16xf32, #tpu.memory_space<hbm>>, %arg5: memref<2x10240x16xf32, #tpu.memory_space<hbm>>, %arg6: memref<80x125xi32, #tpu.memory_space<vmem>>, %arg7: memref<125x16xf32, #tpu.memory_space<vmem>>, %arg8: memref<10240x16xf32, #tpu.memory_space<vmem_shared>>, %arg9: memref<!tpu.dma_semaphore, #tpu.memory_space<semaphore_mem>>) attributes {dimension_semantics = [#tpu.dimension_semantics<core_parallel>, #tpu.dimension_semantics<subcore_parallel>], iteration_bounds = array<i64: 2, 16>, scalar_prefetch = 0 : i64, scratch_operands = 4 : i64, tpu.core_type = #tpu.core_type<sc_vector_subcore>, window_params = [{transform_indices = #map}, {transform_indices = #map}, {transform_indices = #map}, {transform_indices = #map1}]} {
    %mul3A = arith.constant 2 : i32
    %mul3A_0 = arith.muli %arg1, %mul3A : i32
    %add3A = arith.addi %mul3A_0, %arg0 : i32
    %mul3A_1 = arith.constant 80 : i32
    %mul3A_2 = arith.muli %add3A, %mul3A_1 : i32
    "tpu.region"() ({
      %run_scoped3A = tpu.sem_alloc : memref<!tpu.dma_semaphore, #tpu.memory_space<semaphore_mem>>
      %dma_start3A = arith.constant 0 : i32
      %dma_start3A_16 = tpu.memref_slice %arg3[%mul3A_2, %dma_start3A] : memref<2560x125xi32, #tpu.memory_space<hbm>> -> memref<80x125xi32, #tpu.memory_space<hbm>>
      %dma_start3A_17 = arith.constant 0 : i32
      %dma_start3A_18 = tpu.memref_slice %arg3[%mul3A_2, %dma_start3A_17] : memref<2560x125xi32, #tpu.memory_space<hbm>> -> memref<80x125xi32, #tpu.memory_space<hbm>>
      tpu.enqueue_dma source(%dma_start3A_18 : memref<80x125xi32, #tpu.memory_space<hbm>>) target(%arg6 : memref<80x125xi32, #tpu.memory_space<vmem>>) target_semaphore(%run_scoped3A : memref<!tpu.dma_semaphore, #tpu.memory_space<semaphore_mem>>)
      %dma_wait3A = arith.constant 0 : i32
      %dma_wait3A_19 = tpu.memref_slice %arg3[%mul3A_2, %dma_wait3A] : memref<2560x125xi32, #tpu.memory_space<hbm>> -> memref<80x125xi32, #tpu.memory_space<hbm>>
      %dma_wait3A_20 = arith.constant 0 : i32
      %dma_wait3A_21 = tpu.memref_slice %arg3[%mul3A_2, %dma_wait3A_20] : memref<2560x125xi32, #tpu.memory_space<hbm>> -> memref<80x125xi32, #tpu.memory_space<hbm>>
      tpu.wait_dma2 semaphore(%run_scoped3A : memref<!tpu.dma_semaphore, #tpu.memory_space<semaphore_mem>>) src(%dma_wait3A_21 : memref<80x125xi32, #tpu.memory_space<hbm>>) dst(%arg6 : memref<80x125xi32, #tpu.memory_space<vmem>>)
      tpu.yield
    }) : () -> ()
    "tpu.region"() ({
      %run_scoped3A = tpu.sem_alloc : memref<!tpu.dma_semaphore, #tpu.memory_space<semaphore_mem>>
      %dma_start3A = arith.constant 0 : i32
      %dma_start3A_16 = arith.constant 0 : i32
      %dma_start3A_17 = tpu.memref_slice %arg2[%dma_start3A, %dma_start3A_16] : memref<10240x16xf32, #tpu.memory_space<hbm>> -> memref<125x16xf32, #tpu.memory_space<hbm>>
      %dma_start3A_18 = arith.constant 0 : i32
      %dma_start3A_19 = arith.constant 0 : i32
      %dma_start3A_20 = tpu.memref_slice %arg2[%dma_start3A_18, %dma_start3A_19] : memref<10240x16xf32, #tpu.memory_space<hbm>> -> memref<125x16xf32, #tpu.memory_space<hbm>>
      tpu.enqueue_dma source(%dma_start3A_20 : memref<125x16xf32, #tpu.memory_space<hbm>>) target(%arg7 : memref<125x16xf32, #tpu.memory_space<vmem>>) target_semaphore(%run_scoped3A : memref<!tpu.dma_semaphore, #tpu.memory_space<semaphore_mem>>)
      %dma_wait3A = arith.constant 0 : i32
      %dma_wait3A_21 = arith.constant 0 : i32
      %dma_wait3A_22 = tpu.memref_slice %arg2[%dma_wait3A, %dma_wait3A_21] : memref<10240x16xf32, #tpu.memory_space<hbm>> -> memref<125x16xf32, #tpu.memory_space<hbm>>
      %dma_wait3A_23 = arith.constant 0 : i32
      %dma_wait3A_24 = arith.constant 0 : i32
      %dma_wait3A_25 = tpu.memref_slice %arg2[%dma_wait3A_23, %dma_wait3A_24] : memref<10240x16xf32, #tpu.memory_space<hbm>> -> memref<125x16xf32, #tpu.memory_space<hbm>>
      tpu.wait_dma2 semaphore(%run_scoped3A : memref<!tpu.dma_semaphore, #tpu.memory_space<semaphore_mem>>) src(%dma_wait3A_25 : memref<125x16xf32, #tpu.memory_space<hbm>>) dst(%arg7 : memref<125x16xf32, #tpu.memory_space<vmem>>)
      tpu.yield
    }) : () -> ()
    %mul3A_3 = arith.constant 640 : i32
    %mul3A_4 = arith.muli %arg1, %mul3A_3 : i32
    %mul3A_5 = arith.constant 640 : i32
    %mul3A_6 = arith.muli %arg1, %mul3A_5 : i32
    "tpu.region"() ({
      %run_scoped3A = tpu.sem_alloc : memref<!tpu.dma_semaphore, #tpu.memory_space<semaphore_mem>>
      %dma_start3A = arith.constant 0 : i32
      %dma_start3A_16 = tpu.memref_slice %arg8[%mul3A_6, %dma_start3A] : memref<10240x16xf32, #tpu.memory_space<vmem_shared>> -> memref<640x16xf32, #tpu.memory_space<vmem_shared>>
      %dma_start3A_17 = arith.constant 0 : i32
      %dma_start3A_18 = tpu.memref_slice %arg4[%mul3A_4, %dma_start3A_17] : memref<10240x16xf32, #tpu.memory_space<hbm>> -> memref<640x16xf32, #tpu.memory_space<hbm>>
      tpu.enqueue_dma source(%dma_start3A_18 : memref<640x16xf32, #tpu.memory_space<hbm>>) target(%dma_start3A_16 : memref<640x16xf32, #tpu.memory_space<vmem_shared>>) target_semaphore(%run_scoped3A : memref<!tpu.dma_semaphore, #tpu.memory_space<semaphore_mem>>)
      %dma_wait3A = arith.constant 0 : i32
      %dma_wait3A_19 = tpu.memref_slice %arg8[%mul3A_6, %dma_wait3A] : memref<10240x16xf32, #tpu.memory_space<vmem_shared>> -> memref<640x16xf32, #tpu.memory_space<vmem_shared>>
      %dma_wait3A_20 = arith.constant 0 : i32
      %dma_wait3A_21 = tpu.memref_slice %arg4[%mul3A_4, %dma_wait3A_20] : memref<10240x16xf32, #tpu.memory_space<hbm>> -> memref<640x16xf32, #tpu.memory_space<hbm>>
      tpu.wait_dma2 semaphore(%run_scoped3A : memref<!tpu.dma_semaphore, #tpu.memory_space<semaphore_mem>>) src(%dma_wait3A_21 : memref<640x16xf32, #tpu.memory_space<hbm>>) dst(%dma_wait3A_19 : memref<640x16xf32, #tpu.memory_space<vmem_shared>>)
      tpu.yield
    }) : () -> ()
    %barrier3A = arith.constant 0 : index
    tpu.barrier barrier_id(%barrier3A)
    %scan3A = arith.constant 0 : i32
    %scan3A_7 = arith.constant 10 : i32
    %scan3A_8 = arith.addi %scan3A, %scan3A_7 : i32
    %scan3A_9 = arith.constant 1 : i32
    scf.for %scan3A_16 = %scan3A to %scan3A_8 step %scan3A_9  : i32 {
      %mul3A_17 = arith.constant 8 : i32
      %mul3A_18 = arith.muli %scan3A_16, %mul3A_17 : i32
      %add3A_19 = arith.constant 0 : i32
      %add3A_20 = arith.addi %add3A_19, %mul3A_18 : i32
      %add3A_21 = arith.constant 0 : i32
      %add3A_22 = arith.addi %add3A_20, %add3A_21 : i32
      %dma_start3A = arith.constant 0 : i32
      %dma_start3A_23 = tpu.memref_slice %arg6[%add3A_22, %dma_start3A] : memref<80x125xi32, #tpu.memory_space<vmem>> -> memref<1x125xi32, #tpu.memory_space<vmem>>
      %dma_start3A_24 = tpu.memref_squeeze %dma_start3A_23 : memref<1x125xi32, #tpu.memory_space<vmem>> -> memref<125xi32, #tpu.memory_space<vmem>>
      %dma_start3A_25 = arith.constant 0 : i32
      %dma_start3A_26 = arith.constant 0 : i32
      %dma_start3A_27 = tpu.memref_slice %arg8[%dma_start3A_25, %dma_start3A_26] : memref<10240x16xf32, #tpu.memory_space<vmem_shared>> -> memref<10240x16xf32, #tpu.memory_space<vmem_shared>>
      tpu.enqueue_indirect_dma source(%arg7 : memref<125x16xf32, #tpu.memory_space<vmem>>) target(%dma_start3A_27 : memref<10240x16xf32, #tpu.memory_space<vmem_shared>>) offsets(%dma_start3A_24 : memref<125xi32, #tpu.memory_space<vmem>>) semaphore(%arg9 : memref<!tpu.dma_semaphore, #tpu.memory_space<semaphore_mem>>) {add = true}
      %add3A_28 = arith.constant 1 : i32
      %add3A_29 = arith.addi %add3A_20, %add3A_28 : i32
      %dma_start3A_30 = arith.constant 0 : i32
      %dma_start3A_31 = tpu.memref_slice %arg6[%add3A_29, %dma_start3A_30] : memref<80x125xi32, #tpu.memory_space<vmem>> -> memref<1x125xi32, #tpu.memory_space<vmem>>
      %dma_start3A_32 = tpu.memref_squeeze %dma_start3A_31 : memref<1x125xi32, #tpu.memory_space<vmem>> -> memref<125xi32, #tpu.memory_space<vmem>>
      %dma_start3A_33 = arith.constant 0 : i32
      %dma_start3A_34 = arith.constant 0 : i32
      %dma_start3A_35 = tpu.memref_slice %arg8[%dma_start3A_33, %dma_start3A_34] : memref<10240x16xf32, #tpu.memory_space<vmem_shared>> -> memref<10240x16xf32, #tpu.memory_space<vmem_shared>>
      tpu.enqueue_indirect_dma source(%arg7 : memref<125x16xf32, #tpu.memory_space<vmem>>) target(%dma_start3A_35 : memref<10240x16xf32, #tpu.memory_space<vmem_shared>>) offsets(%dma_start3A_32 : memref<125xi32, #tpu.memory_space<vmem>>) semaphore(%arg9 : memref<!tpu.dma_semaphore, #tpu.memory_space<semaphore_mem>>) {add = true}
      %add3A_36 = arith.constant 2 : i32
      %add3A_37 = arith.addi %add3A_20, %add3A_36 : i32
      %dma_start3A_38 = arith.constant 0 : i32
      %dma_start3A_39 = tpu.memref_slice %arg6[%add3A_37, %dma_start3A_38] : memref<80x125xi32, #tpu.memory_space<vmem>> -> memref<1x125xi32, #tpu.memory_space<vmem>>
      %dma_start3A_40 = tpu.memref_squeeze %dma_start3A_39 : memref<1x125xi32, #tpu.memory_space<vmem>> -> memref<125xi32, #tpu.memory_space<vmem>>
      %dma_start3A_41 = arith.constant 0 : i32
      %dma_start3A_42 = arith.constant 0 : i32
      %dma_start3A_43 = tpu.memref_slice %arg8[%dma_start3A_41, %dma_start3A_42] : memref<10240x16xf32, #tpu.memory_space<vmem_shared>> -> memref<10240x16xf32, #tpu.memory_space<vmem_shared>>
      tpu.enqueue_indirect_dma source(%arg7 : memref<125x16xf32, #tpu.memory_space<vmem>>) target(%dma_start3A_43 : memref<10240x16xf32, #tpu.memory_space<vmem_shared>>) offsets(%dma_start3A_40 : memref<125xi32, #tpu.memory_space<vmem>>) semaphore(%arg9 : memref<!tpu.dma_semaphore, #tpu.memory_space<semaphore_mem>>) {add = true}
      %add3A_44 = arith.constant 3 : i32
      %add3A_45 = arith.addi %add3A_20, %add3A_44 : i32
      %dma_start3A_46 = arith.constant 0 : i32
      %dma_start3A_47 = tpu.memref_slice %arg6[%add3A_45, %dma_start3A_46] : memref<80x125xi32, #tpu.memory_space<vmem>> -> memref<1x125xi32, #tpu.memory_space<vmem>>
      %dma_start3A_48 = tpu.memref_squeeze %dma_start3A_47 : memref<1x125xi32, #tpu.memory_space<vmem>> -> memref<125xi32, #tpu.memory_space<vmem>>
      %dma_start3A_49 = arith.constant 0 : i32
      %dma_start3A_50 = arith.constant 0 : i32
      %dma_start3A_51 = tpu.memref_slice %arg8[%dma_start3A_49, %dma_start3A_50] : memref<10240x16xf32, #tpu.memory_space<vmem_shared>> -> memref<10240x16xf32, #tpu.memory_space<vmem_shared>>
      tpu.enqueue_indirect_dma source(%arg7 : memref<125x16xf32, #tpu.memory_space<vmem>>) target(%dma_start3A_51 : memref<10240x16xf32, #tpu.memory_space<vmem_shared>>) offsets(%dma_start3A_48 : memref<125xi32, #tpu.memory_space<vmem>>) semaphore(%arg9 : memref<!tpu.dma_semaphore, #tpu.memory_space<semaphore_mem>>) {add = true}
      %add3A_52 = arith.constant 4 : i32
      %add3A_53 = arith.addi %add3A_20, %add3A_52 : i32
      %dma_start3A_54 = arith.constant 0 : i32
      %dma_start3A_55 = tpu.memref_slice %arg6[%add3A_53, %dma_start3A_54] : memref<80x125xi32, #tpu.memory_space<vmem>> -> memref<1x125xi32, #tpu.memory_space<vmem>>
      %dma_start3A_56 = tpu.memref_squeeze %dma_start3A_55 : memref<1x125xi32, #tpu.memory_space<vmem>> -> memref<125xi32, #tpu.memory_space<vmem>>
      %dma_start3A_57 = arith.constant 0 : i32
      %dma_start3A_58 = arith.constant 0 : i32
      %dma_start3A_59 = tpu.memref_slice %arg8[%dma_start3A_57, %dma_start3A_58] : memref<10240x16xf32, #tpu.memory_space<vmem_shared>> -> memref<10240x16xf32, #tpu.memory_space<vmem_shared>>
      tpu.enqueue_indirect_dma source(%arg7 : memref<125x16xf32, #tpu.memory_space<vmem>>) target(%dma_start3A_59 : memref<10240x16xf32, #tpu.memory_space<vmem_shared>>) offsets(%dma_start3A_56 : memref<125xi32, #tpu.memory_space<vmem>>) semaphore(%arg9 : memref<!tpu.dma_semaphore, #tpu.memory_space<semaphore_mem>>) {add = true}
      %add3A_60 = arith.constant 5 : i32
      %add3A_61 = arith.addi %add3A_20, %add3A_60 : i32
      %dma_start3A_62 = arith.constant 0 : i32
      %dma_start3A_63 = tpu.memref_slice %arg6[%add3A_61, %dma_start3A_62] : memref<80x125xi32, #tpu.memory_space<vmem>> -> memref<1x125xi32, #tpu.memory_space<vmem>>
      %dma_start3A_64 = tpu.memref_squeeze %dma_start3A_63 : memref<1x125xi32, #tpu.memory_space<vmem>> -> memref<125xi32, #tpu.memory_space<vmem>>
      %dma_start3A_65 = arith.constant 0 : i32
      %dma_start3A_66 = arith.constant 0 : i32
      %dma_start3A_67 = tpu.memref_slice %arg8[%dma_start3A_65, %dma_start3A_66] : memref<10240x16xf32, #tpu.memory_space<vmem_shared>> -> memref<10240x16xf32, #tpu.memory_space<vmem_shared>>
      tpu.enqueue_indirect_dma source(%arg7 : memref<125x16xf32, #tpu.memory_space<vmem>>) target(%dma_start3A_67 : memref<10240x16xf32, #tpu.memory_space<vmem_shared>>) offsets(%dma_start3A_64 : memref<125xi32, #tpu.memory_space<vmem>>) semaphore(%arg9 : memref<!tpu.dma_semaphore, #tpu.memory_space<semaphore_mem>>) {add = true}
      %add3A_68 = arith.constant 6 : i32
      %add3A_69 = arith.addi %add3A_20, %add3A_68 : i32
      %dma_start3A_70 = arith.constant 0 : i32
      %dma_start3A_71 = tpu.memref_slice %arg6[%add3A_69, %dma_start3A_70] : memref<80x125xi32, #tpu.memory_space<vmem>> -> memref<1x125xi32, #tpu.memory_space<vmem>>
      %dma_start3A_72 = tpu.memref_squeeze %dma_start3A_71 : memref<1x125xi32, #tpu.memory_space<vmem>> -> memref<125xi32, #tpu.memory_space<vmem>>
      %dma_start3A_73 = arith.constant 0 : i32
      %dma_start3A_74 = arith.constant 0 : i32
      %dma_start3A_75 = tpu.memref_slice %arg8[%dma_start3A_73, %dma_start3A_74] : memref<10240x16xf32, #tpu.memory_space<vmem_shared>> -> memref<10240x16xf32, #tpu.memory_space<vmem_shared>>
      tpu.enqueue_indirect_dma source(%arg7 : memref<125x16xf32, #tpu.memory_space<vmem>>) target(%dma_start3A_75 : memref<10240x16xf32, #tpu.memory_space<vmem_shared>>) offsets(%dma_start3A_72 : memref<125xi32, #tpu.memory_space<vmem>>) semaphore(%arg9 : memref<!tpu.dma_semaphore, #tpu.memory_space<semaphore_mem>>) {add = true}
      %add3A_76 = arith.constant 7 : i32
      %add3A_77 = arith.addi %add3A_20, %add3A_76 : i32
      %dma_start3A_78 = arith.constant 0 : i32
      %dma_start3A_79 = tpu.memref_slice %arg6[%add3A_77, %dma_start3A_78] : memref<80x125xi32, #tpu.memory_space<vmem>> -> memref<1x125xi32, #tpu.memory_space<vmem>>
      %dma_start3A_80 = tpu.memref_squeeze %dma_start3A_79 : memref<1x125xi32, #tpu.memory_space<vmem>> -> memref<125xi32, #tpu.memory_space<vmem>>
      %dma_start3A_81 = arith.constant 0 : i32
      %dma_start3A_82 = arith.constant 0 : i32
      %dma_start3A_83 = tpu.memref_slice %arg8[%dma_start3A_81, %dma_start3A_82] : memref<10240x16xf32, #tpu.memory_space<vmem_shared>> -> memref<10240x16xf32, #tpu.memory_space<vmem_shared>>
      tpu.enqueue_indirect_dma source(%arg7 : memref<125x16xf32, #tpu.memory_space<vmem>>) target(%dma_start3A_83 : memref<10240x16xf32, #tpu.memory_space<vmem_shared>>) offsets(%dma_start3A_80 : memref<125xi32, #tpu.memory_space<vmem>>) semaphore(%arg9 : memref<!tpu.dma_semaphore, #tpu.memory_space<semaphore_mem>>) {add = true}
      %dma_wait3A = arith.constant 0 : i32
      %dma_wait3A_84 = tpu.memref_slice %arg6[%add3A_22, %dma_wait3A] : memref<80x125xi32, #tpu.memory_space<vmem>> -> memref<1x125xi32, #tpu.memory_space<vmem>>
      %dma_wait3A_85 = tpu.memref_squeeze %dma_wait3A_84 : memref<1x125xi32, #tpu.memory_space<vmem>> -> memref<125xi32, #tpu.memory_space<vmem>>
      %dma_wait3A_86 = arith.constant 0 : i32
      %dma_wait3A_87 = arith.constant 0 : i32
      %dma_wait3A_88 = tpu.memref_slice %arg8[%dma_wait3A_86, %dma_wait3A_87] : memref<10240x16xf32, #tpu.memory_space<vmem_shared>> -> memref<10240x16xf32, #tpu.memory_space<vmem_shared>>
      tpu.wait_indirect_dma semaphore(%arg9 : memref<!tpu.dma_semaphore, #tpu.memory_space<semaphore_mem>>) src(%arg7 : memref<125x16xf32, #tpu.memory_space<vmem>>) dst(%dma_wait3A_88 : memref<10240x16xf32, #tpu.memory_space<vmem_shared>>)
      %dma_wait3A_89 = arith.constant 0 : i32
      %dma_wait3A_90 = tpu.memref_slice %arg6[%add3A_29, %dma_wait3A_89] : memref<80x125xi32, #tpu.memory_space<vmem>> -> memref<1x125xi32, #tpu.memory_space<vmem>>
      %dma_wait3A_91 = tpu.memref_squeeze %dma_wait3A_90 : memref<1x125xi32, #tpu.memory_space<vmem>> -> memref<125xi32, #tpu.memory_space<vmem>>
      %dma_wait3A_92 = arith.constant 0 : i32
      %dma_wait3A_93 = arith.constant 0 : i32
      %dma_wait3A_94 = tpu.memref_slice %arg8[%dma_wait3A_92, %dma_wait3A_93] : memref<10240x16xf32, #tpu.memory_space<vmem_shared>> -> memref<10240x16xf32, #tpu.memory_space<vmem_shared>>
      tpu.wait_indirect_dma semaphore(%arg9 : memref<!tpu.dma_semaphore, #tpu.memory_space<semaphore_mem>>) src(%arg7 : memref<125x16xf32, #tpu.memory_space<vmem>>) dst(%dma_wait3A_94 : memref<10240x16xf32, #tpu.memory_space<vmem_shared>>)
      %dma_wait3A_95 = arith.constant 0 : i32
      %dma_wait3A_96 = tpu.memref_slice %arg6[%add3A_37, %dma_wait3A_95] : memref<80x125xi32, #tpu.memory_space<vmem>> -> memref<1x125xi32, #tpu.memory_space<vmem>>
      %dma_wait3A_97 = tpu.memref_squeeze %dma_wait3A_96 : memref<1x125xi32, #tpu.memory_space<vmem>> -> memref<125xi32, #tpu.memory_space<vmem>>
      %dma_wait3A_98 = arith.constant 0 : i32
      %dma_wait3A_99 = arith.constant 0 : i32
      %dma_wait3A_100 = tpu.memref_slice %arg8[%dma_wait3A_98, %dma_wait3A_99] : memref<10240x16xf32, #tpu.memory_space<vmem_shared>> -> memref<10240x16xf32, #tpu.memory_space<vmem_shared>>
      tpu.wait_indirect_dma semaphore(%arg9 : memref<!tpu.dma_semaphore, #tpu.memory_space<semaphore_mem>>) src(%arg7 : memref<125x16xf32, #tpu.memory_space<vmem>>) dst(%dma_wait3A_100 : memref<10240x16xf32, #tpu.memory_space<vmem_shared>>)
      %dma_wait3A_101 = arith.constant 0 : i32
      %dma_wait3A_102 = tpu.memref_slice %arg6[%add3A_45, %dma_wait3A_101] : memref<80x125xi32, #tpu.memory_space<vmem>> -> memref<1x125xi32, #tpu.memory_space<vmem>>
      %dma_wait3A_103 = tpu.memref_squeeze %dma_wait3A_102 : memref<1x125xi32, #tpu.memory_space<vmem>> -> memref<125xi32, #tpu.memory_space<vmem>>
      %dma_wait3A_104 = arith.constant 0 : i32
      %dma_wait3A_105 = arith.constant 0 : i32
      %dma_wait3A_106 = tpu.memref_slice %arg8[%dma_wait3A_104, %dma_wait3A_105] : memref<10240x16xf32, #tpu.memory_space<vmem_shared>> -> memref<10240x16xf32, #tpu.memory_space<vmem_shared>>
      tpu.wait_indirect_dma semaphore(%arg9 : memref<!tpu.dma_semaphore, #tpu.memory_space<semaphore_mem>>) src(%arg7 : memref<125x16xf32, #tpu.memory_space<vmem>>) dst(%dma_wait3A_106 : memref<10240x16xf32, #tpu.memory_space<vmem_shared>>)
      %dma_wait3A_107 = arith.constant 0 : i32
      %dma_wait3A_108 = tpu.memref_slice %arg6[%add3A_53, %dma_wait3A_107] : memref<80x125xi32, #tpu.memory_space<vmem>> -> memref<1x125xi32, #tpu.memory_space<vmem>>
      %dma_wait3A_109 = tpu.memref_squeeze %dma_wait3A_108 : memref<1x125xi32, #tpu.memory_space<vmem>> -> memref<125xi32, #tpu.memory_space<vmem>>
      %dma_wait3A_110 = arith.constant 0 : i32
      %dma_wait3A_111 = arith.constant 0 : i32
      %dma_wait3A_112 = tpu.memref_slice %arg8[%dma_wait3A_110, %dma_wait3A_111] : memref<10240x16xf32, #tpu.memory_space<vmem_shared>> -> memref<10240x16xf32, #tpu.memory_space<vmem_shared>>
      tpu.wait_indirect_dma semaphore(%arg9 : memref<!tpu.dma_semaphore, #tpu.memory_space<semaphore_mem>>) src(%arg7 : memref<125x16xf32, #tpu.memory_space<vmem>>) dst(%dma_wait3A_112 : memref<10240x16xf32, #tpu.memory_space<vmem_shared>>)
      %dma_wait3A_113 = arith.constant 0 : i32
      %dma_wait3A_114 = tpu.memref_slice %arg6[%add3A_61, %dma_wait3A_113] : memref<80x125xi32, #tpu.memory_space<vmem>> -> memref<1x125xi32, #tpu.memory_space<vmem>>
      %dma_wait3A_115 = tpu.memref_squeeze %dma_wait3A_114 : memref<1x125xi32, #tpu.memory_space<vmem>> -> memref<125xi32, #tpu.memory_space<vmem>>
      %dma_wait3A_116 = arith.constant 0 : i32
      %dma_wait3A_117 = arith.constant 0 : i32
      %dma_wait3A_118 = tpu.memref_slice %arg8[%dma_wait3A_116, %dma_wait3A_117] : memref<10240x16xf32, #tpu.memory_space<vmem_shared>> -> memref<10240x16xf32, #tpu.memory_space<vmem_shared>>
      tpu.wait_indirect_dma semaphore(%arg9 : memref<!tpu.dma_semaphore, #tpu.memory_space<semaphore_mem>>) src(%arg7 : memref<125x16xf32, #tpu.memory_space<vmem>>) dst(%dma_wait3A_118 : memref<10240x16xf32, #tpu.memory_space<vmem_shared>>)
      %dma_wait3A_119 = arith.constant 0 : i32
      %dma_wait3A_120 = tpu.memref_slice %arg6[%add3A_69, %dma_wait3A_119] : memref<80x125xi32, #tpu.memory_space<vmem>> -> memref<1x125xi32, #tpu.memory_space<vmem>>
      %dma_wait3A_121 = tpu.memref_squeeze %dma_wait3A_120 : memref<1x125xi32, #tpu.memory_space<vmem>> -> memref<125xi32, #tpu.memory_space<vmem>>
      %dma_wait3A_122 = arith.constant 0 : i32
      %dma_wait3A_123 = arith.constant 0 : i32
      %dma_wait3A_124 = tpu.memref_slice %arg8[%dma_wait3A_122, %dma_wait3A_123] : memref<10240x16xf32, #tpu.memory_space<vmem_shared>> -> memref<10240x16xf32, #tpu.memory_space<vmem_shared>>
      tpu.wait_indirect_dma semaphore(%arg9 : memref<!tpu.dma_semaphore, #tpu.memory_space<semaphore_mem>>) src(%arg7 : memref<125x16xf32, #tpu.memory_space<vmem>>) dst(%dma_wait3A_124 : memref<10240x16xf32, #tpu.memory_space<vmem_shared>>)
      %dma_wait3A_125 = arith.constant 0 : i32
      %dma_wait3A_126 = tpu.memref_slice %arg6[%add3A_77, %dma_wait3A_125] : memref<80x125xi32, #tpu.memory_space<vmem>> -> memref<1x125xi32, #tpu.memory_space<vmem>>
      %dma_wait3A_127 = tpu.memref_squeeze %dma_wait3A_126 : memref<1x125xi32, #tpu.memory_space<vmem>> -> memref<125xi32, #tpu.memory_space<vmem>>
      %dma_wait3A_128 = arith.constant 0 : i32
      %dma_wait3A_129 = arith.constant 0 : i32
      %dma_wait3A_130 = tpu.memref_slice %arg8[%dma_wait3A_128, %dma_wait3A_129] : memref<10240x16xf32, #tpu.memory_space<vmem_shared>> -> memref<10240x16xf32, #tpu.memory_space<vmem_shared>>
      tpu.wait_indirect_dma semaphore(%arg9 : memref<!tpu.dma_semaphore, #tpu.memory_space<semaphore_mem>>) src(%arg7 : memref<125x16xf32, #tpu.memory_space<vmem>>) dst(%dma_wait3A_130 : memref<10240x16xf32, #tpu.memory_space<vmem_shared>>)
    }
    %scan3A_10 = arith.constant 10 : i32
    %barrier3A_11 = arith.constant 0 : index
    tpu.barrier barrier_id(%barrier3A_11)
    %mul3A_12 = arith.constant 640 : i32
    %mul3A_13 = arith.muli %arg1, %mul3A_12 : i32
    %mul3A_14 = arith.constant 640 : i32
    %mul3A_15 = arith.muli %arg1, %mul3A_14 : i32
    "tpu.region"() ({
      %run_scoped3A = tpu.sem_alloc : memref<!tpu.dma_semaphore, #tpu.memory_space<semaphore_mem>>
      %dma_start3A = arith.constant 0 : i32
      %dma_start3A_16 = tpu.memref_slice %arg5[%arg0, %mul3A_15, %dma_start3A] : memref<2x10240x16xf32, #tpu.memory_space<hbm>> -> memref<1x640x16xf32, #tpu.memory_space<hbm>>
      %dma_start3A_17 = tpu.memref_squeeze %dma_start3A_16 : memref<1x640x16xf32, #tpu.memory_space<hbm>> -> memref<640x16xf32, #tpu.memory_space<hbm>>
      %dma_start3A_18 = arith.constant 0 : i32
      %dma_start3A_19 = tpu.memref_slice %arg8[%mul3A_13, %dma_start3A_18] : memref<10240x16xf32, #tpu.memory_space<vmem_shared>> -> memref<640x16xf32, #tpu.memory_space<vmem_shared>>
      tpu.enqueue_dma source(%dma_start3A_19 : memref<640x16xf32, #tpu.memory_space<vmem_shared>>) target(%dma_start3A_17 : memref<640x16xf32, #tpu.memory_space<hbm>>) target_semaphore(%run_scoped3A : memref<!tpu.dma_semaphore, #tpu.memory_space<semaphore_mem>>)
      %dma_wait3A = arith.constant 0 : i32
      %dma_wait3A_20 = tpu.memref_slice %arg5[%arg0, %mul3A_15, %dma_wait3A] : memref<2x10240x16xf32, #tpu.memory_space<hbm>> -> memref<1x640x16xf32, #tpu.memory_space<hbm>>
      %dma_wait3A_21 = tpu.memref_squeeze %dma_wait3A_20 : memref<1x640x16xf32, #tpu.memory_space<hbm>> -> memref<640x16xf32, #tpu.memory_space<hbm>>
      %dma_wait3A_22 = arith.constant 0 : i32
      %dma_wait3A_23 = tpu.memref_slice %arg8[%mul3A_13, %dma_wait3A_22] : memref<10240x16xf32, #tpu.memory_space<vmem_shared>> -> memref<640x16xf32, #tpu.memory_space<vmem_shared>>
      tpu.wait_dma2 semaphore(%run_scoped3A : memref<!tpu.dma_semaphore, #tpu.memory_space<semaphore_mem>>) src(%dma_wait3A_23 : memref<640x16xf32, #tpu.memory_space<vmem_shared>>) dst(%dma_wait3A_21 : memref<640x16xf32, #tpu.memory_space<hbm>>)
      tpu.yield
    }) : () -> ()
    return
  }
}

#map = affine_map<(d0, d1) -> (0, 0)>
#map1 = affine_map<(d0, d1) -> (0, 0, 0)>
module attributes {stable_mosaic.version = 14 : i64} {
  func.func @segsum(%arg0: i32, %arg1: i32, %arg2: memref<10240x16xf32, #tpu.memory_space<hbm>>, %arg3: memref<2560x125xi32, #tpu.memory_space<hbm>>, %arg4: memref<2560x125xi32, #tpu.memory_space<hbm>>, %arg5: memref<10240x16xf32, #tpu.memory_space<hbm>>, %arg6: memref<2x10240x16xf32, #tpu.memory_space<hbm>>, %arg7: memref<80x125xi32, #tpu.memory_space<vmem>>, %arg8: memref<80x125xi32, #tpu.memory_space<vmem>>, %arg9: memref<8x125x16xf32, #tpu.memory_space<vmem>>, %arg10: memref<10240x16xf32, #tpu.memory_space<vmem_shared>>, %arg11: memref<10240x16xf32, #tpu.memory_space<vmem_shared>>, %arg12: memref<!tpu.dma_semaphore, #tpu.memory_space<semaphore_mem>>, %arg13: memref<!tpu.dma_semaphore, #tpu.memory_space<semaphore_mem>>) attributes {dimension_semantics = [#tpu.dimension_semantics<core_parallel>, #tpu.dimension_semantics<subcore_parallel>], iteration_bounds = array<i64: 2, 16>, scalar_prefetch = 0 : i64, scratch_operands = 7 : i64, tpu.core_type = #tpu.core_type<sc_vector_subcore>, window_params = [{transform_indices = #map}, {transform_indices = #map}, {transform_indices = #map}, {transform_indices = #map}, {transform_indices = #map1}]} {
    %mul3A = arith.constant 2 : i32
    %mul3A_0 = arith.muli %arg1, %mul3A : i32
    %add3A = arith.addi %mul3A_0, %arg0 : i32
    %mul3A_1 = arith.constant 80 : i32
    %mul3A_2 = arith.muli %add3A, %mul3A_1 : i32
    "tpu.region"() ({
      %run_scoped3A = tpu.sem_alloc : memref<!tpu.dma_semaphore, #tpu.memory_space<semaphore_mem>>
      %dma_start3A = arith.constant 0 : i32
      %dma_start3A_22 = tpu.memref_slice %arg3[%mul3A_2, %dma_start3A] : memref<2560x125xi32, #tpu.memory_space<hbm>> -> memref<80x125xi32, #tpu.memory_space<hbm>>
      %dma_start3A_23 = arith.constant 0 : i32
      %dma_start3A_24 = tpu.memref_slice %arg3[%mul3A_2, %dma_start3A_23] : memref<2560x125xi32, #tpu.memory_space<hbm>> -> memref<80x125xi32, #tpu.memory_space<hbm>>
      tpu.enqueue_dma source(%dma_start3A_24 : memref<80x125xi32, #tpu.memory_space<hbm>>) target(%arg7 : memref<80x125xi32, #tpu.memory_space<vmem>>) target_semaphore(%run_scoped3A : memref<!tpu.dma_semaphore, #tpu.memory_space<semaphore_mem>>)
      %dma_wait3A = arith.constant 0 : i32
      %dma_wait3A_25 = tpu.memref_slice %arg3[%mul3A_2, %dma_wait3A] : memref<2560x125xi32, #tpu.memory_space<hbm>> -> memref<80x125xi32, #tpu.memory_space<hbm>>
      %dma_wait3A_26 = arith.constant 0 : i32
      %dma_wait3A_27 = tpu.memref_slice %arg3[%mul3A_2, %dma_wait3A_26] : memref<2560x125xi32, #tpu.memory_space<hbm>> -> memref<80x125xi32, #tpu.memory_space<hbm>>
      tpu.wait_dma2 semaphore(%run_scoped3A : memref<!tpu.dma_semaphore, #tpu.memory_space<semaphore_mem>>) src(%dma_wait3A_27 : memref<80x125xi32, #tpu.memory_space<hbm>>) dst(%arg7 : memref<80x125xi32, #tpu.memory_space<vmem>>)
      tpu.yield
    }) : () -> ()
    %mul3A_3 = arith.constant 80 : i32
    %mul3A_4 = arith.muli %add3A, %mul3A_3 : i32
    "tpu.region"() ({
      %run_scoped3A = tpu.sem_alloc : memref<!tpu.dma_semaphore, #tpu.memory_space<semaphore_mem>>
      %dma_start3A = arith.constant 0 : i32
      %dma_start3A_22 = tpu.memref_slice %arg4[%mul3A_4, %dma_start3A] : memref<2560x125xi32, #tpu.memory_space<hbm>> -> memref<80x125xi32, #tpu.memory_space<hbm>>
      %dma_start3A_23 = arith.constant 0 : i32
      %dma_start3A_24 = tpu.memref_slice %arg4[%mul3A_4, %dma_start3A_23] : memref<2560x125xi32, #tpu.memory_space<hbm>> -> memref<80x125xi32, #tpu.memory_space<hbm>>
      tpu.enqueue_dma source(%dma_start3A_24 : memref<80x125xi32, #tpu.memory_space<hbm>>) target(%arg8 : memref<80x125xi32, #tpu.memory_space<vmem>>) target_semaphore(%run_scoped3A : memref<!tpu.dma_semaphore, #tpu.memory_space<semaphore_mem>>)
      %dma_wait3A = arith.constant 0 : i32
      %dma_wait3A_25 = tpu.memref_slice %arg4[%mul3A_4, %dma_wait3A] : memref<2560x125xi32, #tpu.memory_space<hbm>> -> memref<80x125xi32, #tpu.memory_space<hbm>>
      %dma_wait3A_26 = arith.constant 0 : i32
      %dma_wait3A_27 = tpu.memref_slice %arg4[%mul3A_4, %dma_wait3A_26] : memref<2560x125xi32, #tpu.memory_space<hbm>> -> memref<80x125xi32, #tpu.memory_space<hbm>>
      tpu.wait_dma2 semaphore(%run_scoped3A : memref<!tpu.dma_semaphore, #tpu.memory_space<semaphore_mem>>) src(%dma_wait3A_27 : memref<80x125xi32, #tpu.memory_space<hbm>>) dst(%arg8 : memref<80x125xi32, #tpu.memory_space<vmem>>)
      tpu.yield
    }) : () -> ()
    %mul3A_5 = arith.constant 640 : i32
    %mul3A_6 = arith.muli %arg1, %mul3A_5 : i32
    %mul3A_7 = arith.constant 640 : i32
    %mul3A_8 = arith.muli %arg1, %mul3A_7 : i32
    "tpu.region"() ({
      %run_scoped3A = tpu.sem_alloc : memref<!tpu.dma_semaphore, #tpu.memory_space<semaphore_mem>>
      %dma_start3A = arith.constant 0 : i32
      %dma_start3A_22 = tpu.memref_slice %arg10[%mul3A_8, %dma_start3A] : memref<10240x16xf32, #tpu.memory_space<vmem_shared>> -> memref<640x16xf32, #tpu.memory_space<vmem_shared>>
      %dma_start3A_23 = arith.constant 0 : i32
      %dma_start3A_24 = tpu.memref_slice %arg2[%mul3A_6, %dma_start3A_23] : memref<10240x16xf32, #tpu.memory_space<hbm>> -> memref<640x16xf32, #tpu.memory_space<hbm>>
      tpu.enqueue_dma source(%dma_start3A_24 : memref<640x16xf32, #tpu.memory_space<hbm>>) target(%dma_start3A_22 : memref<640x16xf32, #tpu.memory_space<vmem_shared>>) target_semaphore(%run_scoped3A : memref<!tpu.dma_semaphore, #tpu.memory_space<semaphore_mem>>)
      %dma_wait3A = arith.constant 0 : i32
      %dma_wait3A_25 = tpu.memref_slice %arg10[%mul3A_8, %dma_wait3A] : memref<10240x16xf32, #tpu.memory_space<vmem_shared>> -> memref<640x16xf32, #tpu.memory_space<vmem_shared>>
      %dma_wait3A_26 = arith.constant 0 : i32
      %dma_wait3A_27 = tpu.memref_slice %arg2[%mul3A_6, %dma_wait3A_26] : memref<10240x16xf32, #tpu.memory_space<hbm>> -> memref<640x16xf32, #tpu.memory_space<hbm>>
      tpu.wait_dma2 semaphore(%run_scoped3A : memref<!tpu.dma_semaphore, #tpu.memory_space<semaphore_mem>>) src(%dma_wait3A_27 : memref<640x16xf32, #tpu.memory_space<hbm>>) dst(%dma_wait3A_25 : memref<640x16xf32, #tpu.memory_space<vmem_shared>>)
      tpu.yield
    }) : () -> ()
    %mul3A_9 = arith.constant 640 : i32
    %mul3A_10 = arith.muli %arg1, %mul3A_9 : i32
    %mul3A_11 = arith.constant 640 : i32
    %mul3A_12 = arith.muli %arg1, %mul3A_11 : i32
    "tpu.region"() ({
      %run_scoped3A = tpu.sem_alloc : memref<!tpu.dma_semaphore, #tpu.memory_space<semaphore_mem>>
      %dma_start3A = arith.constant 0 : i32
      %dma_start3A_22 = tpu.memref_slice %arg11[%mul3A_12, %dma_start3A] : memref<10240x16xf32, #tpu.memory_space<vmem_shared>> -> memref<640x16xf32, #tpu.memory_space<vmem_shared>>
      %dma_start3A_23 = arith.constant 0 : i32
      %dma_start3A_24 = tpu.memref_slice %arg5[%mul3A_10, %dma_start3A_23] : memref<10240x16xf32, #tpu.memory_space<hbm>> -> memref<640x16xf32, #tpu.memory_space<hbm>>
      tpu.enqueue_dma source(%dma_start3A_24 : memref<640x16xf32, #tpu.memory_space<hbm>>) target(%dma_start3A_22 : memref<640x16xf32, #tpu.memory_space<vmem_shared>>) target_semaphore(%run_scoped3A : memref<!tpu.dma_semaphore, #tpu.memory_space<semaphore_mem>>)
      %dma_wait3A = arith.constant 0 : i32
      %dma_wait3A_25 = tpu.memref_slice %arg11[%mul3A_12, %dma_wait3A] : memref<10240x16xf32, #tpu.memory_space<vmem_shared>> -> memref<640x16xf32, #tpu.memory_space<vmem_shared>>
      %dma_wait3A_26 = arith.constant 0 : i32
      %dma_wait3A_27 = tpu.memref_slice %arg5[%mul3A_10, %dma_wait3A_26] : memref<10240x16xf32, #tpu.memory_space<hbm>> -> memref<640x16xf32, #tpu.memory_space<hbm>>
      tpu.wait_dma2 semaphore(%run_scoped3A : memref<!tpu.dma_semaphore, #tpu.memory_space<semaphore_mem>>) src(%dma_wait3A_27 : memref<640x16xf32, #tpu.memory_space<hbm>>) dst(%dma_wait3A_25 : memref<640x16xf32, #tpu.memory_space<vmem_shared>>)
      tpu.yield
    }) : () -> ()
    %barrier3A = arith.constant 0 : index
    tpu.barrier barrier_id(%barrier3A)
    %scan3A = arith.constant 0 : i32
    %scan3A_13 = arith.constant 10 : i32
    %scan3A_14 = arith.addi %scan3A, %scan3A_13 : i32
    %scan3A_15 = arith.constant 1 : i32
    scf.for %scan3A_22 = %scan3A to %scan3A_14 step %scan3A_15  : i32 {
      %mul3A_23 = arith.constant 8 : i32
      %mul3A_24 = arith.muli %scan3A_22, %mul3A_23 : i32
      %add3A_25 = arith.constant 0 : i32
      %add3A_26 = arith.addi %add3A_25, %mul3A_24 : i32
      %add3A_27 = arith.constant 0 : i32
      %add3A_28 = arith.addi %add3A_26, %add3A_27 : i32
      %dma_start3A = arith.constant 0 : i32
      %dma_start3A_29 = arith.constant 0 : i32
      %dma_start3A_30 = arith.constant 0 : i32
      %dma_start3A_31 = tpu.memref_slice %arg9[%dma_start3A, %dma_start3A_29, %dma_start3A_30] : memref<8x125x16xf32, #tpu.memory_space<vmem>> -> memref<1x125x16xf32, #tpu.memory_space<vmem>>
      %dma_start3A_32 = tpu.memref_squeeze %dma_start3A_31 : memref<1x125x16xf32, #tpu.memory_space<vmem>> -> memref<125x16xf32, #tpu.memory_space<vmem>>
      %dma_start3A_33 = arith.constant 0 : i32
      %dma_start3A_34 = tpu.memref_slice %arg7[%add3A_28, %dma_start3A_33] : memref<80x125xi32, #tpu.memory_space<vmem>> -> memref<1x125xi32, #tpu.memory_space<vmem>>
      %dma_start3A_35 = tpu.memref_squeeze %dma_start3A_34 : memref<1x125xi32, #tpu.memory_space<vmem>> -> memref<125xi32, #tpu.memory_space<vmem>>
      %dma_start3A_36 = arith.constant 0 : i32
      %dma_start3A_37 = arith.constant 0 : i32
      %dma_start3A_38 = tpu.memref_slice %arg10[%dma_start3A_36, %dma_start3A_37] : memref<10240x16xf32, #tpu.memory_space<vmem_shared>> -> memref<10240x16xf32, #tpu.memory_space<vmem_shared>>
      tpu.enqueue_indirect_dma source(%dma_start3A_38 : memref<10240x16xf32, #tpu.memory_space<vmem_shared>>) target(%dma_start3A_32 : memref<125x16xf32, #tpu.memory_space<vmem>>) offsets(%dma_start3A_35 : memref<125xi32, #tpu.memory_space<vmem>>) semaphore(%arg12 : memref<!tpu.dma_semaphore, #tpu.memory_space<semaphore_mem>>)
      %add3A_39 = arith.constant 1 : i32
      %add3A_40 = arith.addi %add3A_26, %add3A_39 : i32
      %dma_start3A_41 = arith.constant 1 : i32
      %dma_start3A_42 = arith.constant 0 : i32
      %dma_start3A_43 = arith.constant 0 : i32
      %dma_start3A_44 = tpu.memref_slice %arg9[%dma_start3A_41, %dma_start3A_42, %dma_start3A_43] : memref<8x125x16xf32, #tpu.memory_space<vmem>> -> memref<1x125x16xf32, #tpu.memory_space<vmem>>
      %dma_start3A_45 = tpu.memref_squeeze %dma_start3A_44 : memref<1x125x16xf32, #tpu.memory_space<vmem>> -> memref<125x16xf32, #tpu.memory_space<vmem>>
      %dma_start3A_46 = arith.constant 0 : i32
      %dma_start3A_47 = tpu.memref_slice %arg7[%add3A_40, %dma_start3A_46] : memref<80x125xi32, #tpu.memory_space<vmem>> -> memref<1x125xi32, #tpu.memory_space<vmem>>
      %dma_start3A_48 = tpu.memref_squeeze %dma_start3A_47 : memref<1x125xi32, #tpu.memory_space<vmem>> -> memref<125xi32, #tpu.memory_space<vmem>>
      %dma_start3A_49 = arith.constant 0 : i32
      %dma_start3A_50 = arith.constant 0 : i32
      %dma_start3A_51 = tpu.memref_slice %arg10[%dma_start3A_49, %dma_start3A_50] : memref<10240x16xf32, #tpu.memory_space<vmem_shared>> -> memref<10240x16xf32, #tpu.memory_space<vmem_shared>>
      tpu.enqueue_indirect_dma source(%dma_start3A_51 : memref<10240x16xf32, #tpu.memory_space<vmem_shared>>) target(%dma_start3A_45 : memref<125x16xf32, #tpu.memory_space<vmem>>) offsets(%dma_start3A_48 : memref<125xi32, #tpu.memory_space<vmem>>) semaphore(%arg12 : memref<!tpu.dma_semaphore, #tpu.memory_space<semaphore_mem>>)
      %add3A_52 = arith.constant 2 : i32
      %add3A_53 = arith.addi %add3A_26, %add3A_52 : i32
      %dma_start3A_54 = arith.constant 2 : i32
      %dma_start3A_55 = arith.constant 0 : i32
      %dma_start3A_56 = arith.constant 0 : i32
      %dma_start3A_57 = tpu.memref_slice %arg9[%dma_start3A_54, %dma_start3A_55, %dma_start3A_56] : memref<8x125x16xf32, #tpu.memory_space<vmem>> -> memref<1x125x16xf32, #tpu.memory_space<vmem>>
      %dma_start3A_58 = tpu.memref_squeeze %dma_start3A_57 : memref<1x125x16xf32, #tpu.memory_space<vmem>> -> memref<125x16xf32, #tpu.memory_space<vmem>>
      %dma_start3A_59 = arith.constant 0 : i32
      %dma_start3A_60 = tpu.memref_slice %arg7[%add3A_53, %dma_start3A_59] : memref<80x125xi32, #tpu.memory_space<vmem>> -> memref<1x125xi32, #tpu.memory_space<vmem>>
      %dma_start3A_61 = tpu.memref_squeeze %dma_start3A_60 : memref<1x125xi32, #tpu.memory_space<vmem>> -> memref<125xi32, #tpu.memory_space<vmem>>
      %dma_start3A_62 = arith.constant 0 : i32
      %dma_start3A_63 = arith.constant 0 : i32
      %dma_start3A_64 = tpu.memref_slice %arg10[%dma_start3A_62, %dma_start3A_63] : memref<10240x16xf32, #tpu.memory_space<vmem_shared>> -> memref<10240x16xf32, #tpu.memory_space<vmem_shared>>
      tpu.enqueue_indirect_dma source(%dma_start3A_64 : memref<10240x16xf32, #tpu.memory_space<vmem_shared>>) target(%dma_start3A_58 : memref<125x16xf32, #tpu.memory_space<vmem>>) offsets(%dma_start3A_61 : memref<125xi32, #tpu.memory_space<vmem>>) semaphore(%arg12 : memref<!tpu.dma_semaphore, #tpu.memory_space<semaphore_mem>>)
      %add3A_65 = arith.constant 3 : i32
      %add3A_66 = arith.addi %add3A_26, %add3A_65 : i32
      %dma_start3A_67 = arith.constant 3 : i32
      %dma_start3A_68 = arith.constant 0 : i32
      %dma_start3A_69 = arith.constant 0 : i32
      %dma_start3A_70 = tpu.memref_slice %arg9[%dma_start3A_67, %dma_start3A_68, %dma_start3A_69] : memref<8x125x16xf32, #tpu.memory_space<vmem>> -> memref<1x125x16xf32, #tpu.memory_space<vmem>>
      %dma_start3A_71 = tpu.memref_squeeze %dma_start3A_70 : memref<1x125x16xf32, #tpu.memory_space<vmem>> -> memref<125x16xf32, #tpu.memory_space<vmem>>
      %dma_start3A_72 = arith.constant 0 : i32
      %dma_start3A_73 = tpu.memref_slice %arg7[%add3A_66, %dma_start3A_72] : memref<80x125xi32, #tpu.memory_space<vmem>> -> memref<1x125xi32, #tpu.memory_space<vmem>>
      %dma_start3A_74 = tpu.memref_squeeze %dma_start3A_73 : memref<1x125xi32, #tpu.memory_space<vmem>> -> memref<125xi32, #tpu.memory_space<vmem>>
      %dma_start3A_75 = arith.constant 0 : i32
      %dma_start3A_76 = arith.constant 0 : i32
      %dma_start3A_77 = tpu.memref_slice %arg10[%dma_start3A_75, %dma_start3A_76] : memref<10240x16xf32, #tpu.memory_space<vmem_shared>> -> memref<10240x16xf32, #tpu.memory_space<vmem_shared>>
      tpu.enqueue_indirect_dma source(%dma_start3A_77 : memref<10240x16xf32, #tpu.memory_space<vmem_shared>>) target(%dma_start3A_71 : memref<125x16xf32, #tpu.memory_space<vmem>>) offsets(%dma_start3A_74 : memref<125xi32, #tpu.memory_space<vmem>>) semaphore(%arg12 : memref<!tpu.dma_semaphore, #tpu.memory_space<semaphore_mem>>)
      %add3A_78 = arith.constant 4 : i32
      %add3A_79 = arith.addi %add3A_26, %add3A_78 : i32
      %dma_start3A_80 = arith.constant 4 : i32
      %dma_start3A_81 = arith.constant 0 : i32
      %dma_start3A_82 = arith.constant 0 : i32
      %dma_start3A_83 = tpu.memref_slice %arg9[%dma_start3A_80, %dma_start3A_81, %dma_start3A_82] : memref<8x125x16xf32, #tpu.memory_space<vmem>> -> memref<1x125x16xf32, #tpu.memory_space<vmem>>
      %dma_start3A_84 = tpu.memref_squeeze %dma_start3A_83 : memref<1x125x16xf32, #tpu.memory_space<vmem>> -> memref<125x16xf32, #tpu.memory_space<vmem>>
      %dma_start3A_85 = arith.constant 0 : i32
      %dma_start3A_86 = tpu.memref_slice %arg7[%add3A_79, %dma_start3A_85] : memref<80x125xi32, #tpu.memory_space<vmem>> -> memref<1x125xi32, #tpu.memory_space<vmem>>
      %dma_start3A_87 = tpu.memref_squeeze %dma_start3A_86 : memref<1x125xi32, #tpu.memory_space<vmem>> -> memref<125xi32, #tpu.memory_space<vmem>>
      %dma_start3A_88 = arith.constant 0 : i32
      %dma_start3A_89 = arith.constant 0 : i32
      %dma_start3A_90 = tpu.memref_slice %arg10[%dma_start3A_88, %dma_start3A_89] : memref<10240x16xf32, #tpu.memory_space<vmem_shared>> -> memref<10240x16xf32, #tpu.memory_space<vmem_shared>>
      tpu.enqueue_indirect_dma source(%dma_start3A_90 : memref<10240x16xf32, #tpu.memory_space<vmem_shared>>) target(%dma_start3A_84 : memref<125x16xf32, #tpu.memory_space<vmem>>) offsets(%dma_start3A_87 : memref<125xi32, #tpu.memory_space<vmem>>) semaphore(%arg12 : memref<!tpu.dma_semaphore, #tpu.memory_space<semaphore_mem>>)
      %add3A_91 = arith.constant 5 : i32
      %add3A_92 = arith.addi %add3A_26, %add3A_91 : i32
      %dma_start3A_93 = arith.constant 5 : i32
      %dma_start3A_94 = arith.constant 0 : i32
      %dma_start3A_95 = arith.constant 0 : i32
      %dma_start3A_96 = tpu.memref_slice %arg9[%dma_start3A_93, %dma_start3A_94, %dma_start3A_95] : memref<8x125x16xf32, #tpu.memory_space<vmem>> -> memref<1x125x16xf32, #tpu.memory_space<vmem>>
      %dma_start3A_97 = tpu.memref_squeeze %dma_start3A_96 : memref<1x125x16xf32, #tpu.memory_space<vmem>> -> memref<125x16xf32, #tpu.memory_space<vmem>>
      %dma_start3A_98 = arith.constant 0 : i32
      %dma_start3A_99 = tpu.memref_slice %arg7[%add3A_92, %dma_start3A_98] : memref<80x125xi32, #tpu.memory_space<vmem>> -> memref<1x125xi32, #tpu.memory_space<vmem>>
      %dma_start3A_100 = tpu.memref_squeeze %dma_start3A_99 : memref<1x125xi32, #tpu.memory_space<vmem>> -> memref<125xi32, #tpu.memory_space<vmem>>
      %dma_start3A_101 = arith.constant 0 : i32
      %dma_start3A_102 = arith.constant 0 : i32
      %dma_start3A_103 = tpu.memref_slice %arg10[%dma_start3A_101, %dma_start3A_102] : memref<10240x16xf32, #tpu.memory_space<vmem_shared>> -> memref<10240x16xf32, #tpu.memory_space<vmem_shared>>
      tpu.enqueue_indirect_dma source(%dma_start3A_103 : memref<10240x16xf32, #tpu.memory_space<vmem_shared>>) target(%dma_start3A_97 : memref<125x16xf32, #tpu.memory_space<vmem>>) offsets(%dma_start3A_100 : memref<125xi32, #tpu.memory_space<vmem>>) semaphore(%arg12 : memref<!tpu.dma_semaphore, #tpu.memory_space<semaphore_mem>>)
      %add3A_104 = arith.constant 6 : i32
      %add3A_105 = arith.addi %add3A_26, %add3A_104 : i32
      %dma_start3A_106 = arith.constant 6 : i32
      %dma_start3A_107 = arith.constant 0 : i32
      %dma_start3A_108 = arith.constant 0 : i32
      %dma_start3A_109 = tpu.memref_slice %arg9[%dma_start3A_106, %dma_start3A_107, %dma_start3A_108] : memref<8x125x16xf32, #tpu.memory_space<vmem>> -> memref<1x125x16xf32, #tpu.memory_space<vmem>>
      %dma_start3A_110 = tpu.memref_squeeze %dma_start3A_109 : memref<1x125x16xf32, #tpu.memory_space<vmem>> -> memref<125x16xf32, #tpu.memory_space<vmem>>
      %dma_start3A_111 = arith.constant 0 : i32
      %dma_start3A_112 = tpu.memref_slice %arg7[%add3A_105, %dma_start3A_111] : memref<80x125xi32, #tpu.memory_space<vmem>> -> memref<1x125xi32, #tpu.memory_space<vmem>>
      %dma_start3A_113 = tpu.memref_squeeze %dma_start3A_112 : memref<1x125xi32, #tpu.memory_space<vmem>> -> memref<125xi32, #tpu.memory_space<vmem>>
      %dma_start3A_114 = arith.constant 0 : i32
      %dma_start3A_115 = arith.constant 0 : i32
      %dma_start3A_116 = tpu.memref_slice %arg10[%dma_start3A_114, %dma_start3A_115] : memref<10240x16xf32, #tpu.memory_space<vmem_shared>> -> memref<10240x16xf32, #tpu.memory_space<vmem_shared>>
      tpu.enqueue_indirect_dma source(%dma_start3A_116 : memref<10240x16xf32, #tpu.memory_space<vmem_shared>>) target(%dma_start3A_110 : memref<125x16xf32, #tpu.memory_space<vmem>>) offsets(%dma_start3A_113 : memref<125xi32, #tpu.memory_space<vmem>>) semaphore(%arg12 : memref<!tpu.dma_semaphore, #tpu.memory_space<semaphore_mem>>)
      %add3A_117 = arith.constant 7 : i32
      %add3A_118 = arith.addi %add3A_26, %add3A_117 : i32
      %dma_start3A_119 = arith.constant 7 : i32
      %dma_start3A_120 = arith.constant 0 : i32
      %dma_start3A_121 = arith.constant 0 : i32
      %dma_start3A_122 = tpu.memref_slice %arg9[%dma_start3A_119, %dma_start3A_120, %dma_start3A_121] : memref<8x125x16xf32, #tpu.memory_space<vmem>> -> memref<1x125x16xf32, #tpu.memory_space<vmem>>
      %dma_start3A_123 = tpu.memref_squeeze %dma_start3A_122 : memref<1x125x16xf32, #tpu.memory_space<vmem>> -> memref<125x16xf32, #tpu.memory_space<vmem>>
      %dma_start3A_124 = arith.constant 0 : i32
      %dma_start3A_125 = tpu.memref_slice %arg7[%add3A_118, %dma_start3A_124] : memref<80x125xi32, #tpu.memory_space<vmem>> -> memref<1x125xi32, #tpu.memory_space<vmem>>
      %dma_start3A_126 = tpu.memref_squeeze %dma_start3A_125 : memref<1x125xi32, #tpu.memory_space<vmem>> -> memref<125xi32, #tpu.memory_space<vmem>>
      %dma_start3A_127 = arith.constant 0 : i32
      %dma_start3A_128 = arith.constant 0 : i32
      %dma_start3A_129 = tpu.memref_slice %arg10[%dma_start3A_127, %dma_start3A_128] : memref<10240x16xf32, #tpu.memory_space<vmem_shared>> -> memref<10240x16xf32, #tpu.memory_space<vmem_shared>>
      tpu.enqueue_indirect_dma source(%dma_start3A_129 : memref<10240x16xf32, #tpu.memory_space<vmem_shared>>) target(%dma_start3A_123 : memref<125x16xf32, #tpu.memory_space<vmem>>) offsets(%dma_start3A_126 : memref<125xi32, #tpu.memory_space<vmem>>) semaphore(%arg12 : memref<!tpu.dma_semaphore, #tpu.memory_space<semaphore_mem>>)
      %dma_wait3A = arith.constant 0 : i32
      %dma_wait3A_130 = arith.constant 0 : i32
      %dma_wait3A_131 = arith.constant 0 : i32
      %dma_wait3A_132 = tpu.memref_slice %arg9[%dma_wait3A, %dma_wait3A_130, %dma_wait3A_131] : memref<8x125x16xf32, #tpu.memory_space<vmem>> -> memref<1x125x16xf32, #tpu.memory_space<vmem>>
      %dma_wait3A_133 = tpu.memref_squeeze %dma_wait3A_132 : memref<1x125x16xf32, #tpu.memory_space<vmem>> -> memref<125x16xf32, #tpu.memory_space<vmem>>
      %dma_wait3A_134 = arith.constant 0 : i32
      %dma_wait3A_135 = tpu.memref_slice %arg7[%add3A_28, %dma_wait3A_134] : memref<80x125xi32, #tpu.memory_space<vmem>> -> memref<1x125xi32, #tpu.memory_space<vmem>>
      %dma_wait3A_136 = tpu.memref_squeeze %dma_wait3A_135 : memref<1x125xi32, #tpu.memory_space<vmem>> -> memref<125xi32, #tpu.memory_space<vmem>>
      %dma_wait3A_137 = arith.constant 0 : i32
      %dma_wait3A_138 = arith.constant 0 : i32
      %dma_wait3A_139 = tpu.memref_slice %arg10[%dma_wait3A_137, %dma_wait3A_138] : memref<10240x16xf32, #tpu.memory_space<vmem_shared>> -> memref<10240x16xf32, #tpu.memory_space<vmem_shared>>
      tpu.wait_indirect_dma semaphore(%arg12 : memref<!tpu.dma_semaphore, #tpu.memory_space<semaphore_mem>>) src(%dma_wait3A_139 : memref<10240x16xf32, #tpu.memory_space<vmem_shared>>) dst(%dma_wait3A_133 : memref<125x16xf32, #tpu.memory_space<vmem>>)
      %add3A_140 = arith.constant 0 : i32
      %add3A_141 = arith.addi %add3A_26, %add3A_140 : i32
      %dma_start3A_142 = arith.constant 0 : i32
      %dma_start3A_143 = arith.constant 0 : i32
      %dma_start3A_144 = arith.constant 0 : i32
      %dma_start3A_145 = tpu.memref_slice %arg9[%dma_start3A_142, %dma_start3A_143, %dma_start3A_144] : memref<8x125x16xf32, #tpu.memory_space<vmem>> -> memref<1x125x16xf32, #tpu.memory_space<vmem>>
      %dma_start3A_146 = tpu.memref_squeeze %dma_start3A_145 : memref<1x125x16xf32, #tpu.memory_space<vmem>> -> memref<125x16xf32, #tpu.memory_space<vmem>>
      %dma_start3A_147 = arith.constant 0 : i32
      %dma_start3A_148 = tpu.memref_slice %arg8[%add3A_141, %dma_start3A_147] : memref<80x125xi32, #tpu.memory_space<vmem>> -> memref<1x125xi32, #tpu.memory_space<vmem>>
      %dma_start3A_149 = tpu.memref_squeeze %dma_start3A_148 : memref<1x125xi32, #tpu.memory_space<vmem>> -> memref<125xi32, #tpu.memory_space<vmem>>
      %dma_start3A_150 = arith.constant 0 : i32
      %dma_start3A_151 = arith.constant 0 : i32
      %dma_start3A_152 = tpu.memref_slice %arg11[%dma_start3A_150, %dma_start3A_151] : memref<10240x16xf32, #tpu.memory_space<vmem_shared>> -> memref<10240x16xf32, #tpu.memory_space<vmem_shared>>
      tpu.enqueue_indirect_dma source(%dma_start3A_146 : memref<125x16xf32, #tpu.memory_space<vmem>>) target(%dma_start3A_152 : memref<10240x16xf32, #tpu.memory_space<vmem_shared>>) offsets(%dma_start3A_149 : memref<125xi32, #tpu.memory_space<vmem>>) semaphore(%arg13 : memref<!tpu.dma_semaphore, #tpu.memory_space<semaphore_mem>>) {add = true}
      %dma_wait3A_153 = arith.constant 1 : i32
      %dma_wait3A_154 = arith.constant 0 : i32
      %dma_wait3A_155 = arith.constant 0 : i32
      %dma_wait3A_156 = tpu.memref_slice %arg9[%dma_wait3A_153, %dma_wait3A_154, %dma_wait3A_155] : memref<8x125x16xf32, #tpu.memory_space<vmem>> -> memref<1x125x16xf32, #tpu.memory_space<vmem>>
      %dma_wait3A_157 = tpu.memref_squeeze %dma_wait3A_156 : memref<1x125x16xf32, #tpu.memory_space<vmem>> -> memref<125x16xf32, #tpu.memory_space<vmem>>
      %dma_wait3A_158 = arith.constant 0 : i32
      %dma_wait3A_159 = tpu.memref_slice %arg7[%add3A_40, %dma_wait3A_158] : memref<80x125xi32, #tpu.memory_space<vmem>> -> memref<1x125xi32, #tpu.memory_space<vmem>>
      %dma_wait3A_160 = tpu.memref_squeeze %dma_wait3A_159 : memref<1x125xi32, #tpu.memory_space<vmem>> -> memref<125xi32, #tpu.memory_space<vmem>>
      %dma_wait3A_161 = arith.constant 0 : i32
      %dma_wait3A_162 = arith.constant 0 : i32
      %dma_wait3A_163 = tpu.memref_slice %arg10[%dma_wait3A_161, %dma_wait3A_162] : memref<10240x16xf32, #tpu.memory_space<vmem_shared>> -> memref<10240x16xf32, #tpu.memory_space<vmem_shared>>
      tpu.wait_indirect_dma semaphore(%arg12 : memref<!tpu.dma_semaphore, #tpu.memory_space<semaphore_mem>>) src(%dma_wait3A_163 : memref<10240x16xf32, #tpu.memory_space<vmem_shared>>) dst(%dma_wait3A_157 : memref<125x16xf32, #tpu.memory_space<vmem>>)
      %add3A_164 = arith.constant 1 : i32
      %add3A_165 = arith.addi %add3A_26, %add3A_164 : i32
      %dma_start3A_166 = arith.constant 1 : i32
      %dma_start3A_167 = arith.constant 0 : i32
      %dma_start3A_168 = arith.constant 0 : i32
      %dma_start3A_169 = tpu.memref_slice %arg9[%dma_start3A_166, %dma_start3A_167, %dma_start3A_168] : memref<8x125x16xf32, #tpu.memory_space<vmem>> -> memref<1x125x16xf32, #tpu.memory_space<vmem>>
      %dma_start3A_170 = tpu.memref_squeeze %dma_start3A_169 : memref<1x125x16xf32, #tpu.memory_space<vmem>> -> memref<125x16xf32, #tpu.memory_space<vmem>>
      %dma_start3A_171 = arith.constant 0 : i32
      %dma_start3A_172 = tpu.memref_slice %arg8[%add3A_165, %dma_start3A_171] : memref<80x125xi32, #tpu.memory_space<vmem>> -> memref<1x125xi32, #tpu.memory_space<vmem>>
      %dma_start3A_173 = tpu.memref_squeeze %dma_start3A_172 : memref<1x125xi32, #tpu.memory_space<vmem>> -> memref<125xi32, #tpu.memory_space<vmem>>
      %dma_start3A_174 = arith.constant 0 : i32
      %dma_start3A_175 = arith.constant 0 : i32
      %dma_start3A_176 = tpu.memref_slice %arg11[%dma_start3A_174, %dma_start3A_175] : memref<10240x16xf32, #tpu.memory_space<vmem_shared>> -> memref<10240x16xf32, #tpu.memory_space<vmem_shared>>
      tpu.enqueue_indirect_dma source(%dma_start3A_170 : memref<125x16xf32, #tpu.memory_space<vmem>>) target(%dma_start3A_176 : memref<10240x16xf32, #tpu.memory_space<vmem_shared>>) offsets(%dma_start3A_173 : memref<125xi32, #tpu.memory_space<vmem>>) semaphore(%arg13 : memref<!tpu.dma_semaphore, #tpu.memory_space<semaphore_mem>>) {add = true}
      %dma_wait3A_177 = arith.constant 2 : i32
      %dma_wait3A_178 = arith.constant 0 : i32
      %dma_wait3A_179 = arith.constant 0 : i32
      %dma_wait3A_180 = tpu.memref_slice %arg9[%dma_wait3A_177, %dma_wait3A_178, %dma_wait3A_179] : memref<8x125x16xf32, #tpu.memory_space<vmem>> -> memref<1x125x16xf32, #tpu.memory_space<vmem>>
      %dma_wait3A_181 = tpu.memref_squeeze %dma_wait3A_180 : memref<1x125x16xf32, #tpu.memory_space<vmem>> -> memref<125x16xf32, #tpu.memory_space<vmem>>
      %dma_wait3A_182 = arith.constant 0 : i32
      %dma_wait3A_183 = tpu.memref_slice %arg7[%add3A_53, %dma_wait3A_182] : memref<80x125xi32, #tpu.memory_space<vmem>> -> memref<1x125xi32, #tpu.memory_space<vmem>>
      %dma_wait3A_184 = tpu.memref_squeeze %dma_wait3A_183 : memref<1x125xi32, #tpu.memory_space<vmem>> -> memref<125xi32, #tpu.memory_space<vmem>>
      %dma_wait3A_185 = arith.constant 0 : i32
      %dma_wait3A_186 = arith.constant 0 : i32
      %dma_wait3A_187 = tpu.memref_slice %arg10[%dma_wait3A_185, %dma_wait3A_186] : memref<10240x16xf32, #tpu.memory_space<vmem_shared>> -> memref<10240x16xf32, #tpu.memory_space<vmem_shared>>
      tpu.wait_indirect_dma semaphore(%arg12 : memref<!tpu.dma_semaphore, #tpu.memory_space<semaphore_mem>>) src(%dma_wait3A_187 : memref<10240x16xf32, #tpu.memory_space<vmem_shared>>) dst(%dma_wait3A_181 : memref<125x16xf32, #tpu.memory_space<vmem>>)
      %add3A_188 = arith.constant 2 : i32
      %add3A_189 = arith.addi %add3A_26, %add3A_188 : i32
      %dma_start3A_190 = arith.constant 2 : i32
      %dma_start3A_191 = arith.constant 0 : i32
      %dma_start3A_192 = arith.constant 0 : i32
      %dma_start3A_193 = tpu.memref_slice %arg9[%dma_start3A_190, %dma_start3A_191, %dma_start3A_192] : memref<8x125x16xf32, #tpu.memory_space<vmem>> -> memref<1x125x16xf32, #tpu.memory_space<vmem>>
      %dma_start3A_194 = tpu.memref_squeeze %dma_start3A_193 : memref<1x125x16xf32, #tpu.memory_space<vmem>> -> memref<125x16xf32, #tpu.memory_space<vmem>>
      %dma_start3A_195 = arith.constant 0 : i32
      %dma_start3A_196 = tpu.memref_slice %arg8[%add3A_189, %dma_start3A_195] : memref<80x125xi32, #tpu.memory_space<vmem>> -> memref<1x125xi32, #tpu.memory_space<vmem>>
      %dma_start3A_197 = tpu.memref_squeeze %dma_start3A_196 : memref<1x125xi32, #tpu.memory_space<vmem>> -> memref<125xi32, #tpu.memory_space<vmem>>
      %dma_start3A_198 = arith.constant 0 : i32
      %dma_start3A_199 = arith.constant 0 : i32
      %dma_start3A_200 = tpu.memref_slice %arg11[%dma_start3A_198, %dma_start3A_199] : memref<10240x16xf32, #tpu.memory_space<vmem_shared>> -> memref<10240x16xf32, #tpu.memory_space<vmem_shared>>
      tpu.enqueue_indirect_dma source(%dma_start3A_194 : memref<125x16xf32, #tpu.memory_space<vmem>>) target(%dma_start3A_200 : memref<10240x16xf32, #tpu.memory_space<vmem_shared>>) offsets(%dma_start3A_197 : memref<125xi32, #tpu.memory_space<vmem>>) semaphore(%arg13 : memref<!tpu.dma_semaphore, #tpu.memory_space<semaphore_mem>>) {add = true}
      %dma_wait3A_201 = arith.constant 3 : i32
      %dma_wait3A_202 = arith.constant 0 : i32
      %dma_wait3A_203 = arith.constant 0 : i32
      %dma_wait3A_204 = tpu.memref_slice %arg9[%dma_wait3A_201, %dma_wait3A_202, %dma_wait3A_203] : memref<8x125x16xf32, #tpu.memory_space<vmem>> -> memref<1x125x16xf32, #tpu.memory_space<vmem>>
      %dma_wait3A_205 = tpu.memref_squeeze %dma_wait3A_204 : memref<1x125x16xf32, #tpu.memory_space<vmem>> -> memref<125x16xf32, #tpu.memory_space<vmem>>
      %dma_wait3A_206 = arith.constant 0 : i32
      %dma_wait3A_207 = tpu.memref_slice %arg7[%add3A_66, %dma_wait3A_206] : memref<80x125xi32, #tpu.memory_space<vmem>> -> memref<1x125xi32, #tpu.memory_space<vmem>>
      %dma_wait3A_208 = tpu.memref_squeeze %dma_wait3A_207 : memref<1x125xi32, #tpu.memory_space<vmem>> -> memref<125xi32, #tpu.memory_space<vmem>>
      %dma_wait3A_209 = arith.constant 0 : i32
      %dma_wait3A_210 = arith.constant 0 : i32
      %dma_wait3A_211 = tpu.memref_slice %arg10[%dma_wait3A_209, %dma_wait3A_210] : memref<10240x16xf32, #tpu.memory_space<vmem_shared>> -> memref<10240x16xf32, #tpu.memory_space<vmem_shared>>
      tpu.wait_indirect_dma semaphore(%arg12 : memref<!tpu.dma_semaphore, #tpu.memory_space<semaphore_mem>>) src(%dma_wait3A_211 : memref<10240x16xf32, #tpu.memory_space<vmem_shared>>) dst(%dma_wait3A_205 : memref<125x16xf32, #tpu.memory_space<vmem>>)
      %add3A_212 = arith.constant 3 : i32
      %add3A_213 = arith.addi %add3A_26, %add3A_212 : i32
      %dma_start3A_214 = arith.constant 3 : i32
      %dma_start3A_215 = arith.constant 0 : i32
      %dma_start3A_216 = arith.constant 0 : i32
      %dma_start3A_217 = tpu.memref_slice %arg9[%dma_start3A_214, %dma_start3A_215, %dma_start3A_216] : memref<8x125x16xf32, #tpu.memory_space<vmem>> -> memref<1x125x16xf32, #tpu.memory_space<vmem>>
      %dma_start3A_218 = tpu.memref_squeeze %dma_start3A_217 : memref<1x125x16xf32, #tpu.memory_space<vmem>> -> memref<125x16xf32, #tpu.memory_space<vmem>>
      %dma_start3A_219 = arith.constant 0 : i32
      %dma_start3A_220 = tpu.memref_slice %arg8[%add3A_213, %dma_start3A_219] : memref<80x125xi32, #tpu.memory_space<vmem>> -> memref<1x125xi32, #tpu.memory_space<vmem>>
      %dma_start3A_221 = tpu.memref_squeeze %dma_start3A_220 : memref<1x125xi32, #tpu.memory_space<vmem>> -> memref<125xi32, #tpu.memory_space<vmem>>
      %dma_start3A_222 = arith.constant 0 : i32
      %dma_start3A_223 = arith.constant 0 : i32
      %dma_start3A_224 = tpu.memref_slice %arg11[%dma_start3A_222, %dma_start3A_223] : memref<10240x16xf32, #tpu.memory_space<vmem_shared>> -> memref<10240x16xf32, #tpu.memory_space<vmem_shared>>
      tpu.enqueue_indirect_dma source(%dma_start3A_218 : memref<125x16xf32, #tpu.memory_space<vmem>>) target(%dma_start3A_224 : memref<10240x16xf32, #tpu.memory_space<vmem_shared>>) offsets(%dma_start3A_221 : memref<125xi32, #tpu.memory_space<vmem>>) semaphore(%arg13 : memref<!tpu.dma_semaphore, #tpu.memory_space<semaphore_mem>>) {add = true}
      %dma_wait3A_225 = arith.constant 4 : i32
      %dma_wait3A_226 = arith.constant 0 : i32
      %dma_wait3A_227 = arith.constant 0 : i32
      %dma_wait3A_228 = tpu.memref_slice %arg9[%dma_wait3A_225, %dma_wait3A_226, %dma_wait3A_227] : memref<8x125x16xf32, #tpu.memory_space<vmem>> -> memref<1x125x16xf32, #tpu.memory_space<vmem>>
      %dma_wait3A_229 = tpu.memref_squeeze %dma_wait3A_228 : memref<1x125x16xf32, #tpu.memory_space<vmem>> -> memref<125x16xf32, #tpu.memory_space<vmem>>
      %dma_wait3A_230 = arith.constant 0 : i32
      %dma_wait3A_231 = tpu.memref_slice %arg7[%add3A_79, %dma_wait3A_230] : memref<80x125xi32, #tpu.memory_space<vmem>> -> memref<1x125xi32, #tpu.memory_space<vmem>>
      %dma_wait3A_232 = tpu.memref_squeeze %dma_wait3A_231 : memref<1x125xi32, #tpu.memory_space<vmem>> -> memref<125xi32, #tpu.memory_space<vmem>>
      %dma_wait3A_233 = arith.constant 0 : i32
      %dma_wait3A_234 = arith.constant 0 : i32
      %dma_wait3A_235 = tpu.memref_slice %arg10[%dma_wait3A_233, %dma_wait3A_234] : memref<10240x16xf32, #tpu.memory_space<vmem_shared>> -> memref<10240x16xf32, #tpu.memory_space<vmem_shared>>
      tpu.wait_indirect_dma semaphore(%arg12 : memref<!tpu.dma_semaphore, #tpu.memory_space<semaphore_mem>>) src(%dma_wait3A_235 : memref<10240x16xf32, #tpu.memory_space<vmem_shared>>) dst(%dma_wait3A_229 : memref<125x16xf32, #tpu.memory_space<vmem>>)
      %add3A_236 = arith.constant 4 : i32
      %add3A_237 = arith.addi %add3A_26, %add3A_236 : i32
      %dma_start3A_238 = arith.constant 4 : i32
      %dma_start3A_239 = arith.constant 0 : i32
      %dma_start3A_240 = arith.constant 0 : i32
      %dma_start3A_241 = tpu.memref_slice %arg9[%dma_start3A_238, %dma_start3A_239, %dma_start3A_240] : memref<8x125x16xf32, #tpu.memory_space<vmem>> -> memref<1x125x16xf32, #tpu.memory_space<vmem>>
      %dma_start3A_242 = tpu.memref_squeeze %dma_start3A_241 : memref<1x125x16xf32, #tpu.memory_space<vmem>> -> memref<125x16xf32, #tpu.memory_space<vmem>>
      %dma_start3A_243 = arith.constant 0 : i32
      %dma_start3A_244 = tpu.memref_slice %arg8[%add3A_237, %dma_start3A_243] : memref<80x125xi32, #tpu.memory_space<vmem>> -> memref<1x125xi32, #tpu.memory_space<vmem>>
      %dma_start3A_245 = tpu.memref_squeeze %dma_start3A_244 : memref<1x125xi32, #tpu.memory_space<vmem>> -> memref<125xi32, #tpu.memory_space<vmem>>
      %dma_start3A_246 = arith.constant 0 : i32
      %dma_start3A_247 = arith.constant 0 : i32
      %dma_start3A_248 = tpu.memref_slice %arg11[%dma_start3A_246, %dma_start3A_247] : memref<10240x16xf32, #tpu.memory_space<vmem_shared>> -> memref<10240x16xf32, #tpu.memory_space<vmem_shared>>
      tpu.enqueue_indirect_dma source(%dma_start3A_242 : memref<125x16xf32, #tpu.memory_space<vmem>>) target(%dma_start3A_248 : memref<10240x16xf32, #tpu.memory_space<vmem_shared>>) offsets(%dma_start3A_245 : memref<125xi32, #tpu.memory_space<vmem>>) semaphore(%arg13 : memref<!tpu.dma_semaphore, #tpu.memory_space<semaphore_mem>>) {add = true}
      %dma_wait3A_249 = arith.constant 5 : i32
      %dma_wait3A_250 = arith.constant 0 : i32
      %dma_wait3A_251 = arith.constant 0 : i32
      %dma_wait3A_252 = tpu.memref_slice %arg9[%dma_wait3A_249, %dma_wait3A_250, %dma_wait3A_251] : memref<8x125x16xf32, #tpu.memory_space<vmem>> -> memref<1x125x16xf32, #tpu.memory_space<vmem>>
      %dma_wait3A_253 = tpu.memref_squeeze %dma_wait3A_252 : memref<1x125x16xf32, #tpu.memory_space<vmem>> -> memref<125x16xf32, #tpu.memory_space<vmem>>
      %dma_wait3A_254 = arith.constant 0 : i32
      %dma_wait3A_255 = tpu.memref_slice %arg7[%add3A_92, %dma_wait3A_254] : memref<80x125xi32, #tpu.memory_space<vmem>> -> memref<1x125xi32, #tpu.memory_space<vmem>>
      %dma_wait3A_256 = tpu.memref_squeeze %dma_wait3A_255 : memref<1x125xi32, #tpu.memory_space<vmem>> -> memref<125xi32, #tpu.memory_space<vmem>>
      %dma_wait3A_257 = arith.constant 0 : i32
      %dma_wait3A_258 = arith.constant 0 : i32
      %dma_wait3A_259 = tpu.memref_slice %arg10[%dma_wait3A_257, %dma_wait3A_258] : memref<10240x16xf32, #tpu.memory_space<vmem_shared>> -> memref<10240x16xf32, #tpu.memory_space<vmem_shared>>
      tpu.wait_indirect_dma semaphore(%arg12 : memref<!tpu.dma_semaphore, #tpu.memory_space<semaphore_mem>>) src(%dma_wait3A_259 : memref<10240x16xf32, #tpu.memory_space<vmem_shared>>) dst(%dma_wait3A_253 : memref<125x16xf32, #tpu.memory_space<vmem>>)
      %add3A_260 = arith.constant 5 : i32
      %add3A_261 = arith.addi %add3A_26, %add3A_260 : i32
      %dma_start3A_262 = arith.constant 5 : i32
      %dma_start3A_263 = arith.constant 0 : i32
      %dma_start3A_264 = arith.constant 0 : i32
      %dma_start3A_265 = tpu.memref_slice %arg9[%dma_start3A_262, %dma_start3A_263, %dma_start3A_264] : memref<8x125x16xf32, #tpu.memory_space<vmem>> -> memref<1x125x16xf32, #tpu.memory_space<vmem>>
      %dma_start3A_266 = tpu.memref_squeeze %dma_start3A_265 : memref<1x125x16xf32, #tpu.memory_space<vmem>> -> memref<125x16xf32, #tpu.memory_space<vmem>>
      %dma_start3A_267 = arith.constant 0 : i32
      %dma_start3A_268 = tpu.memref_slice %arg8[%add3A_261, %dma_start3A_267] : memref<80x125xi32, #tpu.memory_space<vmem>> -> memref<1x125xi32, #tpu.memory_space<vmem>>
      %dma_start3A_269 = tpu.memref_squeeze %dma_start3A_268 : memref<1x125xi32, #tpu.memory_space<vmem>> -> memref<125xi32, #tpu.memory_space<vmem>>
      %dma_start3A_270 = arith.constant 0 : i32
      %dma_start3A_271 = arith.constant 0 : i32
      %dma_start3A_272 = tpu.memref_slice %arg11[%dma_start3A_270, %dma_start3A_271] : memref<10240x16xf32, #tpu.memory_space<vmem_shared>> -> memref<10240x16xf32, #tpu.memory_space<vmem_shared>>
      tpu.enqueue_indirect_dma source(%dma_start3A_266 : memref<125x16xf32, #tpu.memory_space<vmem>>) target(%dma_start3A_272 : memref<10240x16xf32, #tpu.memory_space<vmem_shared>>) offsets(%dma_start3A_269 : memref<125xi32, #tpu.memory_space<vmem>>) semaphore(%arg13 : memref<!tpu.dma_semaphore, #tpu.memory_space<semaphore_mem>>) {add = true}
      %dma_wait3A_273 = arith.constant 6 : i32
      %dma_wait3A_274 = arith.constant 0 : i32
      %dma_wait3A_275 = arith.constant 0 : i32
      %dma_wait3A_276 = tpu.memref_slice %arg9[%dma_wait3A_273, %dma_wait3A_274, %dma_wait3A_275] : memref<8x125x16xf32, #tpu.memory_space<vmem>> -> memref<1x125x16xf32, #tpu.memory_space<vmem>>
      %dma_wait3A_277 = tpu.memref_squeeze %dma_wait3A_276 : memref<1x125x16xf32, #tpu.memory_space<vmem>> -> memref<125x16xf32, #tpu.memory_space<vmem>>
      %dma_wait3A_278 = arith.constant 0 : i32
      %dma_wait3A_279 = tpu.memref_slice %arg7[%add3A_105, %dma_wait3A_278] : memref<80x125xi32, #tpu.memory_space<vmem>> -> memref<1x125xi32, #tpu.memory_space<vmem>>
      %dma_wait3A_280 = tpu.memref_squeeze %dma_wait3A_279 : memref<1x125xi32, #tpu.memory_space<vmem>> -> memref<125xi32, #tpu.memory_space<vmem>>
      %dma_wait3A_281 = arith.constant 0 : i32
      %dma_wait3A_282 = arith.constant 0 : i32
      %dma_wait3A_283 = tpu.memref_slice %arg10[%dma_wait3A_281, %dma_wait3A_282] : memref<10240x16xf32, #tpu.memory_space<vmem_shared>> -> memref<10240x16xf32, #tpu.memory_space<vmem_shared>>
      tpu.wait_indirect_dma semaphore(%arg12 : memref<!tpu.dma_semaphore, #tpu.memory_space<semaphore_mem>>) src(%dma_wait3A_283 : memref<10240x16xf32, #tpu.memory_space<vmem_shared>>) dst(%dma_wait3A_277 : memref<125x16xf32, #tpu.memory_space<vmem>>)
      %add3A_284 = arith.constant 6 : i32
      %add3A_285 = arith.addi %add3A_26, %add3A_284 : i32
      %dma_start3A_286 = arith.constant 6 : i32
      %dma_start3A_287 = arith.constant 0 : i32
      %dma_start3A_288 = arith.constant 0 : i32
      %dma_start3A_289 = tpu.memref_slice %arg9[%dma_start3A_286, %dma_start3A_287, %dma_start3A_288] : memref<8x125x16xf32, #tpu.memory_space<vmem>> -> memref<1x125x16xf32, #tpu.memory_space<vmem>>
      %dma_start3A_290 = tpu.memref_squeeze %dma_start3A_289 : memref<1x125x16xf32, #tpu.memory_space<vmem>> -> memref<125x16xf32, #tpu.memory_space<vmem>>
      %dma_start3A_291 = arith.constant 0 : i32
      %dma_start3A_292 = tpu.memref_slice %arg8[%add3A_285, %dma_start3A_291] : memref<80x125xi32, #tpu.memory_space<vmem>> -> memref<1x125xi32, #tpu.memory_space<vmem>>
      %dma_start3A_293 = tpu.memref_squeeze %dma_start3A_292 : memref<1x125xi32, #tpu.memory_space<vmem>> -> memref<125xi32, #tpu.memory_space<vmem>>
      %dma_start3A_294 = arith.constant 0 : i32
      %dma_start3A_295 = arith.constant 0 : i32
      %dma_start3A_296 = tpu.memref_slice %arg11[%dma_start3A_294, %dma_start3A_295] : memref<10240x16xf32, #tpu.memory_space<vmem_shared>> -> memref<10240x16xf32, #tpu.memory_space<vmem_shared>>
      tpu.enqueue_indirect_dma source(%dma_start3A_290 : memref<125x16xf32, #tpu.memory_space<vmem>>) target(%dma_start3A_296 : memref<10240x16xf32, #tpu.memory_space<vmem_shared>>) offsets(%dma_start3A_293 : memref<125xi32, #tpu.memory_space<vmem>>) semaphore(%arg13 : memref<!tpu.dma_semaphore, #tpu.memory_space<semaphore_mem>>) {add = true}
      %dma_wait3A_297 = arith.constant 7 : i32
      %dma_wait3A_298 = arith.constant 0 : i32
      %dma_wait3A_299 = arith.constant 0 : i32
      %dma_wait3A_300 = tpu.memref_slice %arg9[%dma_wait3A_297, %dma_wait3A_298, %dma_wait3A_299] : memref<8x125x16xf32, #tpu.memory_space<vmem>> -> memref<1x125x16xf32, #tpu.memory_space<vmem>>
      %dma_wait3A_301 = tpu.memref_squeeze %dma_wait3A_300 : memref<1x125x16xf32, #tpu.memory_space<vmem>> -> memref<125x16xf32, #tpu.memory_space<vmem>>
      %dma_wait3A_302 = arith.constant 0 : i32
      %dma_wait3A_303 = tpu.memref_slice %arg7[%add3A_118, %dma_wait3A_302] : memref<80x125xi32, #tpu.memory_space<vmem>> -> memref<1x125xi32, #tpu.memory_space<vmem>>
      %dma_wait3A_304 = tpu.memref_squeeze %dma_wait3A_303 : memref<1x125xi32, #tpu.memory_space<vmem>> -> memref<125xi32, #tpu.memory_space<vmem>>
      %dma_wait3A_305 = arith.constant 0 : i32
      %dma_wait3A_306 = arith.constant 0 : i32
      %dma_wait3A_307 = tpu.memref_slice %arg10[%dma_wait3A_305, %dma_wait3A_306] : memref<10240x16xf32, #tpu.memory_space<vmem_shared>> -> memref<10240x16xf32, #tpu.memory_space<vmem_shared>>
      tpu.wait_indirect_dma semaphore(%arg12 : memref<!tpu.dma_semaphore, #tpu.memory_space<semaphore_mem>>) src(%dma_wait3A_307 : memref<10240x16xf32, #tpu.memory_space<vmem_shared>>) dst(%dma_wait3A_301 : memref<125x16xf32, #tpu.memory_space<vmem>>)
      %add3A_308 = arith.constant 7 : i32
      %add3A_309 = arith.addi %add3A_26, %add3A_308 : i32
      %dma_start3A_310 = arith.constant 7 : i32
      %dma_start3A_311 = arith.constant 0 : i32
      %dma_start3A_312 = arith.constant 0 : i32
      %dma_start3A_313 = tpu.memref_slice %arg9[%dma_start3A_310, %dma_start3A_311, %dma_start3A_312] : memref<8x125x16xf32, #tpu.memory_space<vmem>> -> memref<1x125x16xf32, #tpu.memory_space<vmem>>
      %dma_start3A_314 = tpu.memref_squeeze %dma_start3A_313 : memref<1x125x16xf32, #tpu.memory_space<vmem>> -> memref<125x16xf32, #tpu.memory_space<vmem>>
      %dma_start3A_315 = arith.constant 0 : i32
      %dma_start3A_316 = tpu.memref_slice %arg8[%add3A_309, %dma_start3A_315] : memref<80x125xi32, #tpu.memory_space<vmem>> -> memref<1x125xi32, #tpu.memory_space<vmem>>
      %dma_start3A_317 = tpu.memref_squeeze %dma_start3A_316 : memref<1x125xi32, #tpu.memory_space<vmem>> -> memref<125xi32, #tpu.memory_space<vmem>>
      %dma_start3A_318 = arith.constant 0 : i32
      %dma_start3A_319 = arith.constant 0 : i32
      %dma_start3A_320 = tpu.memref_slice %arg11[%dma_start3A_318, %dma_start3A_319] : memref<10240x16xf32, #tpu.memory_space<vmem_shared>> -> memref<10240x16xf32, #tpu.memory_space<vmem_shared>>
      tpu.enqueue_indirect_dma source(%dma_start3A_314 : memref<125x16xf32, #tpu.memory_space<vmem>>) target(%dma_start3A_320 : memref<10240x16xf32, #tpu.memory_space<vmem_shared>>) offsets(%dma_start3A_317 : memref<125xi32, #tpu.memory_space<vmem>>) semaphore(%arg13 : memref<!tpu.dma_semaphore, #tpu.memory_space<semaphore_mem>>) {add = true}
      %dma_wait3A_321 = arith.constant 0 : i32
      %dma_wait3A_322 = arith.constant 0 : i32
      %dma_wait3A_323 = arith.constant 0 : i32
      %dma_wait3A_324 = tpu.memref_slice %arg9[%dma_wait3A_321, %dma_wait3A_322, %dma_wait3A_323] : memref<8x125x16xf32, #tpu.memory_space<vmem>> -> memref<1x125x16xf32, #tpu.memory_space<vmem>>
      %dma_wait3A_325 = tpu.memref_squeeze %dma_wait3A_324 : memref<1x125x16xf32, #tpu.memory_space<vmem>> -> memref<125x16xf32, #tpu.memory_space<vmem>>
      %dma_wait3A_326 = arith.constant 0 : i32
      %dma_wait3A_327 = tpu.memref_slice %arg8[%add3A_141, %dma_wait3A_326] : memref<80x125xi32, #tpu.memory_space<vmem>> -> memref<1x125xi32, #tpu.memory_space<vmem>>
      %dma_wait3A_328 = tpu.memref_squeeze %dma_wait3A_327 : memref<1x125xi32, #tpu.memory_space<vmem>> -> memref<125xi32, #tpu.memory_space<vmem>>
      %dma_wait3A_329 = arith.constant 0 : i32
      %dma_wait3A_330 = arith.constant 0 : i32
      %dma_wait3A_331 = tpu.memref_slice %arg11[%dma_wait3A_329, %dma_wait3A_330] : memref<10240x16xf32, #tpu.memory_space<vmem_shared>> -> memref<10240x16xf32, #tpu.memory_space<vmem_shared>>
      tpu.wait_indirect_dma semaphore(%arg13 : memref<!tpu.dma_semaphore, #tpu.memory_space<semaphore_mem>>) src(%dma_wait3A_325 : memref<125x16xf32, #tpu.memory_space<vmem>>) dst(%dma_wait3A_331 : memref<10240x16xf32, #tpu.memory_space<vmem_shared>>)
      %dma_wait3A_332 = arith.constant 1 : i32
      %dma_wait3A_333 = arith.constant 0 : i32
      %dma_wait3A_334 = arith.constant 0 : i32
      %dma_wait3A_335 = tpu.memref_slice %arg9[%dma_wait3A_332, %dma_wait3A_333, %dma_wait3A_334] : memref<8x125x16xf32, #tpu.memory_space<vmem>> -> memref<1x125x16xf32, #tpu.memory_space<vmem>>
      %dma_wait3A_336 = tpu.memref_squeeze %dma_wait3A_335 : memref<1x125x16xf32, #tpu.memory_space<vmem>> -> memref<125x16xf32, #tpu.memory_space<vmem>>
      %dma_wait3A_337 = arith.constant 0 : i32
      %dma_wait3A_338 = tpu.memref_slice %arg8[%add3A_165, %dma_wait3A_337] : memref<80x125xi32, #tpu.memory_space<vmem>> -> memref<1x125xi32, #tpu.memory_space<vmem>>
      %dma_wait3A_339 = tpu.memref_squeeze %dma_wait3A_338 : memref<1x125xi32, #tpu.memory_space<vmem>> -> memref<125xi32, #tpu.memory_space<vmem>>
      %dma_wait3A_340 = arith.constant 0 : i32
      %dma_wait3A_341 = arith.constant 0 : i32
      %dma_wait3A_342 = tpu.memref_slice %arg11[%dma_wait3A_340, %dma_wait3A_341] : memref<10240x16xf32, #tpu.memory_space<vmem_shared>> -> memref<10240x16xf32, #tpu.memory_space<vmem_shared>>
      tpu.wait_indirect_dma semaphore(%arg13 : memref<!tpu.dma_semaphore, #tpu.memory_space<semaphore_mem>>) src(%dma_wait3A_336 : memref<125x16xf32, #tpu.memory_space<vmem>>) dst(%dma_wait3A_342 : memref<10240x16xf32, #tpu.memory_space<vmem_shared>>)
      %dma_wait3A_343 = arith.constant 2 : i32
      %dma_wait3A_344 = arith.constant 0 : i32
      %dma_wait3A_345 = arith.constant 0 : i32
      %dma_wait3A_346 = tpu.memref_slice %arg9[%dma_wait3A_343, %dma_wait3A_344, %dma_wait3A_345] : memref<8x125x16xf32, #tpu.memory_space<vmem>> -> memref<1x125x16xf32, #tpu.memory_space<vmem>>
      %dma_wait3A_347 = tpu.memref_squeeze %dma_wait3A_346 : memref<1x125x16xf32, #tpu.memory_space<vmem>> -> memref<125x16xf32, #tpu.memory_space<vmem>>
      %dma_wait3A_348 = arith.constant 0 : i32
      %dma_wait3A_349 = tpu.memref_slice %arg8[%add3A_189, %dma_wait3A_348] : memref<80x125xi32, #tpu.memory_space<vmem>> -> memref<1x125xi32, #tpu.memory_space<vmem>>
      %dma_wait3A_350 = tpu.memref_squeeze %dma_wait3A_349 : memref<1x125xi32, #tpu.memory_space<vmem>> -> memref<125xi32, #tpu.memory_space<vmem>>
      %dma_wait3A_351 = arith.constant 0 : i32
      %dma_wait3A_352 = arith.constant 0 : i32
      %dma_wait3A_353 = tpu.memref_slice %arg11[%dma_wait3A_351, %dma_wait3A_352] : memref<10240x16xf32, #tpu.memory_space<vmem_shared>> -> memref<10240x16xf32, #tpu.memory_space<vmem_shared>>
      tpu.wait_indirect_dma semaphore(%arg13 : memref<!tpu.dma_semaphore, #tpu.memory_space<semaphore_mem>>) src(%dma_wait3A_347 : memref<125x16xf32, #tpu.memory_space<vmem>>) dst(%dma_wait3A_353 : memref<10240x16xf32, #tpu.memory_space<vmem_shared>>)
      %dma_wait3A_354 = arith.constant 3 : i32
      %dma_wait3A_355 = arith.constant 0 : i32
      %dma_wait3A_356 = arith.constant 0 : i32
      %dma_wait3A_357 = tpu.memref_slice %arg9[%dma_wait3A_354, %dma_wait3A_355, %dma_wait3A_356] : memref<8x125x16xf32, #tpu.memory_space<vmem>> -> memref<1x125x16xf32, #tpu.memory_space<vmem>>
      %dma_wait3A_358 = tpu.memref_squeeze %dma_wait3A_357 : memref<1x125x16xf32, #tpu.memory_space<vmem>> -> memref<125x16xf32, #tpu.memory_space<vmem>>
      %dma_wait3A_359 = arith.constant 0 : i32
      %dma_wait3A_360 = tpu.memref_slice %arg8[%add3A_213, %dma_wait3A_359] : memref<80x125xi32, #tpu.memory_space<vmem>> -> memref<1x125xi32, #tpu.memory_space<vmem>>
      %dma_wait3A_361 = tpu.memref_squeeze %dma_wait3A_360 : memref<1x125xi32, #tpu.memory_space<vmem>> -> memref<125xi32, #tpu.memory_space<vmem>>
      %dma_wait3A_362 = arith.constant 0 : i32
      %dma_wait3A_363 = arith.constant 0 : i32
      %dma_wait3A_364 = tpu.memref_slice %arg11[%dma_wait3A_362, %dma_wait3A_363] : memref<10240x16xf32, #tpu.memory_space<vmem_shared>> -> memref<10240x16xf32, #tpu.memory_space<vmem_shared>>
      tpu.wait_indirect_dma semaphore(%arg13 : memref<!tpu.dma_semaphore, #tpu.memory_space<semaphore_mem>>) src(%dma_wait3A_358 : memref<125x16xf32, #tpu.memory_space<vmem>>) dst(%dma_wait3A_364 : memref<10240x16xf32, #tpu.memory_space<vmem_shared>>)
      %dma_wait3A_365 = arith.constant 4 : i32
      %dma_wait3A_366 = arith.constant 0 : i32
      %dma_wait3A_367 = arith.constant 0 : i32
      %dma_wait3A_368 = tpu.memref_slice %arg9[%dma_wait3A_365, %dma_wait3A_366, %dma_wait3A_367] : memref<8x125x16xf32, #tpu.memory_space<vmem>> -> memref<1x125x16xf32, #tpu.memory_space<vmem>>
      %dma_wait3A_369 = tpu.memref_squeeze %dma_wait3A_368 : memref<1x125x16xf32, #tpu.memory_space<vmem>> -> memref<125x16xf32, #tpu.memory_space<vmem>>
      %dma_wait3A_370 = arith.constant 0 : i32
      %dma_wait3A_371 = tpu.memref_slice %arg8[%add3A_237, %dma_wait3A_370] : memref<80x125xi32, #tpu.memory_space<vmem>> -> memref<1x125xi32, #tpu.memory_space<vmem>>
      %dma_wait3A_372 = tpu.memref_squeeze %dma_wait3A_371 : memref<1x125xi32, #tpu.memory_space<vmem>> -> memref<125xi32, #tpu.memory_space<vmem>>
      %dma_wait3A_373 = arith.constant 0 : i32
      %dma_wait3A_374 = arith.constant 0 : i32
      %dma_wait3A_375 = tpu.memref_slice %arg11[%dma_wait3A_373, %dma_wait3A_374] : memref<10240x16xf32, #tpu.memory_space<vmem_shared>> -> memref<10240x16xf32, #tpu.memory_space<vmem_shared>>
      tpu.wait_indirect_dma semaphore(%arg13 : memref<!tpu.dma_semaphore, #tpu.memory_space<semaphore_mem>>) src(%dma_wait3A_369 : memref<125x16xf32, #tpu.memory_space<vmem>>) dst(%dma_wait3A_375 : memref<10240x16xf32, #tpu.memory_space<vmem_shared>>)
      %dma_wait3A_376 = arith.constant 5 : i32
      %dma_wait3A_377 = arith.constant 0 : i32
      %dma_wait3A_378 = arith.constant 0 : i32
      %dma_wait3A_379 = tpu.memref_slice %arg9[%dma_wait3A_376, %dma_wait3A_377, %dma_wait3A_378] : memref<8x125x16xf32, #tpu.memory_space<vmem>> -> memref<1x125x16xf32, #tpu.memory_space<vmem>>
      %dma_wait3A_380 = tpu.memref_squeeze %dma_wait3A_379 : memref<1x125x16xf32, #tpu.memory_space<vmem>> -> memref<125x16xf32, #tpu.memory_space<vmem>>
      %dma_wait3A_381 = arith.constant 0 : i32
      %dma_wait3A_382 = tpu.memref_slice %arg8[%add3A_261, %dma_wait3A_381] : memref<80x125xi32, #tpu.memory_space<vmem>> -> memref<1x125xi32, #tpu.memory_space<vmem>>
      %dma_wait3A_383 = tpu.memref_squeeze %dma_wait3A_382 : memref<1x125xi32, #tpu.memory_space<vmem>> -> memref<125xi32, #tpu.memory_space<vmem>>
      %dma_wait3A_384 = arith.constant 0 : i32
      %dma_wait3A_385 = arith.constant 0 : i32
      %dma_wait3A_386 = tpu.memref_slice %arg11[%dma_wait3A_384, %dma_wait3A_385] : memref<10240x16xf32, #tpu.memory_space<vmem_shared>> -> memref<10240x16xf32, #tpu.memory_space<vmem_shared>>
      tpu.wait_indirect_dma semaphore(%arg13 : memref<!tpu.dma_semaphore, #tpu.memory_space<semaphore_mem>>) src(%dma_wait3A_380 : memref<125x16xf32, #tpu.memory_space<vmem>>) dst(%dma_wait3A_386 : memref<10240x16xf32, #tpu.memory_space<vmem_shared>>)
      %dma_wait3A_387 = arith.constant 6 : i32
      %dma_wait3A_388 = arith.constant 0 : i32
      %dma_wait3A_389 = arith.constant 0 : i32
      %dma_wait3A_390 = tpu.memref_slice %arg9[%dma_wait3A_387, %dma_wait3A_388, %dma_wait3A_389] : memref<8x125x16xf32, #tpu.memory_space<vmem>> -> memref<1x125x16xf32, #tpu.memory_space<vmem>>
      %dma_wait3A_391 = tpu.memref_squeeze %dma_wait3A_390 : memref<1x125x16xf32, #tpu.memory_space<vmem>> -> memref<125x16xf32, #tpu.memory_space<vmem>>
      %dma_wait3A_392 = arith.constant 0 : i32
      %dma_wait3A_393 = tpu.memref_slice %arg8[%add3A_285, %dma_wait3A_392] : memref<80x125xi32, #tpu.memory_space<vmem>> -> memref<1x125xi32, #tpu.memory_space<vmem>>
      %dma_wait3A_394 = tpu.memref_squeeze %dma_wait3A_393 : memref<1x125xi32, #tpu.memory_space<vmem>> -> memref<125xi32, #tpu.memory_space<vmem>>
      %dma_wait3A_395 = arith.constant 0 : i32
      %dma_wait3A_396 = arith.constant 0 : i32
      %dma_wait3A_397 = tpu.memref_slice %arg11[%dma_wait3A_395, %dma_wait3A_396] : memref<10240x16xf32, #tpu.memory_space<vmem_shared>> -> memref<10240x16xf32, #tpu.memory_space<vmem_shared>>
      tpu.wait_indirect_dma semaphore(%arg13 : memref<!tpu.dma_semaphore, #tpu.memory_space<semaphore_mem>>) src(%dma_wait3A_391 : memref<125x16xf32, #tpu.memory_space<vmem>>) dst(%dma_wait3A_397 : memref<10240x16xf32, #tpu.memory_space<vmem_shared>>)
      %dma_wait3A_398 = arith.constant 7 : i32
      %dma_wait3A_399 = arith.constant 0 : i32
      %dma_wait3A_400 = arith.constant 0 : i32
      %dma_wait3A_401 = tpu.memref_slice %arg9[%dma_wait3A_398, %dma_wait3A_399, %dma_wait3A_400] : memref<8x125x16xf32, #tpu.memory_space<vmem>> -> memref<1x125x16xf32, #tpu.memory_space<vmem>>
      %dma_wait3A_402 = tpu.memref_squeeze %dma_wait3A_401 : memref<1x125x16xf32, #tpu.memory_space<vmem>> -> memref<125x16xf32, #tpu.memory_space<vmem>>
      %dma_wait3A_403 = arith.constant 0 : i32
      %dma_wait3A_404 = tpu.memref_slice %arg8[%add3A_309, %dma_wait3A_403] : memref<80x125xi32, #tpu.memory_space<vmem>> -> memref<1x125xi32, #tpu.memory_space<vmem>>
      %dma_wait3A_405 = tpu.memref_squeeze %dma_wait3A_404 : memref<1x125xi32, #tpu.memory_space<vmem>> -> memref<125xi32, #tpu.memory_space<vmem>>
      %dma_wait3A_406 = arith.constant 0 : i32
      %dma_wait3A_407 = arith.constant 0 : i32
      %dma_wait3A_408 = tpu.memref_slice %arg11[%dma_wait3A_406, %dma_wait3A_407] : memref<10240x16xf32, #tpu.memory_space<vmem_shared>> -> memref<10240x16xf32, #tpu.memory_space<vmem_shared>>
      tpu.wait_indirect_dma semaphore(%arg13 : memref<!tpu.dma_semaphore, #tpu.memory_space<semaphore_mem>>) src(%dma_wait3A_402 : memref<125x16xf32, #tpu.memory_space<vmem>>) dst(%dma_wait3A_408 : memref<10240x16xf32, #tpu.memory_space<vmem_shared>>)
    }
    %scan3A_16 = arith.constant 10 : i32
    %barrier3A_17 = arith.constant 0 : index
    tpu.barrier barrier_id(%barrier3A_17)
    %mul3A_18 = arith.constant 640 : i32
    %mul3A_19 = arith.muli %arg1, %mul3A_18 : i32
    %mul3A_20 = arith.constant 640 : i32
    %mul3A_21 = arith.muli %arg1, %mul3A_20 : i32
    "tpu.region"() ({
      %run_scoped3A = tpu.sem_alloc : memref<!tpu.dma_semaphore, #tpu.memory_space<semaphore_mem>>
      %dma_start3A = arith.constant 0 : i32
      %dma_start3A_22 = tpu.memref_slice %arg6[%arg0, %mul3A_21, %dma_start3A] : memref<2x10240x16xf32, #tpu.memory_space<hbm>> -> memref<1x640x16xf32, #tpu.memory_space<hbm>>
      %dma_start3A_23 = tpu.memref_squeeze %dma_start3A_22 : memref<1x640x16xf32, #tpu.memory_space<hbm>> -> memref<640x16xf32, #tpu.memory_space<hbm>>
      %dma_start3A_24 = arith.constant 0 : i32
      %dma_start3A_25 = tpu.memref_slice %arg11[%mul3A_19, %dma_start3A_24] : memref<10240x16xf32, #tpu.memory_space<vmem_shared>> -> memref<640x16xf32, #tpu.memory_space<vmem_shared>>
      tpu.enqueue_dma source(%dma_start3A_25 : memref<640x16xf32, #tpu.memory_space<vmem_shared>>) target(%dma_start3A_23 : memref<640x16xf32, #tpu.memory_space<hbm>>) target_semaphore(%run_scoped3A : memref<!tpu.dma_semaphore, #tpu.memory_space<semaphore_mem>>)
      %dma_wait3A = arith.constant 0 : i32
      %dma_wait3A_26 = tpu.memref_slice %arg6[%arg0, %mul3A_21, %dma_wait3A] : memref<2x10240x16xf32, #tpu.memory_space<hbm>> -> memref<1x640x16xf32, #tpu.memory_space<hbm>>
      %dma_wait3A_27 = tpu.memref_squeeze %dma_wait3A_26 : memref<1x640x16xf32, #tpu.memory_space<hbm>> -> memref<640x16xf32, #tpu.memory_space<hbm>>
      %dma_wait3A_28 = arith.constant 0 : i32
      %dma_wait3A_29 = tpu.memref_slice %arg11[%mul3A_19, %dma_wait3A_28] : memref<10240x16xf32, #tpu.memory_space<vmem_shared>> -> memref<640x16xf32, #tpu.memory_space<vmem_shared>>
      tpu.wait_dma2 semaphore(%run_scoped3A : memref<!tpu.dma_semaphore, #tpu.memory_space<semaphore_mem>>) src(%dma_wait3A_29 : memref<640x16xf32, #tpu.memory_space<vmem_shared>>) dst(%dma_wait3A_27 : memref<640x16xf32, #tpu.memory_space<hbm>>)
      tpu.yield
    }) : () -> ()
    return
  }
}

#map = affine_map<(d0, d1) -> (0, 0)>
#map1 = affine_map<(d0, d1) -> (0, 0, 0)>
module attributes {stable_mosaic.version = 14 : i64} {
  func.func @segsum(%arg0: i32, %arg1: i32, %arg2: memref<10240x16xf32, #tpu.memory_space<hbm>>, %arg3: memref<2560x125xi32, #tpu.memory_space<hbm>>, %arg4: memref<2560x125xi32, #tpu.memory_space<hbm>>, %arg5: memref<10240x16xf32, #tpu.memory_space<hbm>>, %arg6: memref<2x10240x16xf32, #tpu.memory_space<hbm>>, %arg7: memref<80x125xi32, #tpu.memory_space<vmem>>, %arg8: memref<80x125xi32, #tpu.memory_space<vmem>>, %arg9: memref<8x125x16xf32, #tpu.memory_space<vmem>>, %arg10: memref<10240x16xf32, #tpu.memory_space<vmem_shared>>, %arg11: memref<10240x16xf32, #tpu.memory_space<vmem_shared>>, %arg12: memref<!tpu.dma_semaphore, #tpu.memory_space<semaphore_mem>>, %arg13: memref<!tpu.dma_semaphore, #tpu.memory_space<semaphore_mem>>) attributes {dimension_semantics = [#tpu.dimension_semantics<core_parallel>, #tpu.dimension_semantics<subcore_parallel>], iteration_bounds = array<i64: 2, 16>, scalar_prefetch = 0 : i64, scratch_operands = 7 : i64, tpu.core_type = #tpu.core_type<sc_vector_subcore>, window_params = [{transform_indices = #map}, {transform_indices = #map}, {transform_indices = #map}, {transform_indices = #map}, {transform_indices = #map1}]} {
    %mul3A = arith.constant 2 : i32
    %mul3A_0 = arith.muli %arg1, %mul3A : i32
    %add3A = arith.addi %mul3A_0, %arg0 : i32
    %mul3A_1 = arith.constant 80 : i32
    %mul3A_2 = arith.muli %add3A, %mul3A_1 : i32
    "tpu.region"() ({
      %run_scoped3A = tpu.sem_alloc : memref<!tpu.dma_semaphore, #tpu.memory_space<semaphore_mem>>
      %dma_start3A = arith.constant 0 : i32
      %dma_start3A_22 = tpu.memref_slice %arg3[%mul3A_2, %dma_start3A] : memref<2560x125xi32, #tpu.memory_space<hbm>> -> memref<80x125xi32, #tpu.memory_space<hbm>>
      %dma_start3A_23 = arith.constant 0 : i32
      %dma_start3A_24 = tpu.memref_slice %arg3[%mul3A_2, %dma_start3A_23] : memref<2560x125xi32, #tpu.memory_space<hbm>> -> memref<80x125xi32, #tpu.memory_space<hbm>>
      tpu.enqueue_dma source(%dma_start3A_24 : memref<80x125xi32, #tpu.memory_space<hbm>>) target(%arg7 : memref<80x125xi32, #tpu.memory_space<vmem>>) target_semaphore(%run_scoped3A : memref<!tpu.dma_semaphore, #tpu.memory_space<semaphore_mem>>)
      %dma_wait3A = arith.constant 0 : i32
      %dma_wait3A_25 = tpu.memref_slice %arg3[%mul3A_2, %dma_wait3A] : memref<2560x125xi32, #tpu.memory_space<hbm>> -> memref<80x125xi32, #tpu.memory_space<hbm>>
      %dma_wait3A_26 = arith.constant 0 : i32
      %dma_wait3A_27 = tpu.memref_slice %arg3[%mul3A_2, %dma_wait3A_26] : memref<2560x125xi32, #tpu.memory_space<hbm>> -> memref<80x125xi32, #tpu.memory_space<hbm>>
      tpu.wait_dma2 semaphore(%run_scoped3A : memref<!tpu.dma_semaphore, #tpu.memory_space<semaphore_mem>>) src(%dma_wait3A_27 : memref<80x125xi32, #tpu.memory_space<hbm>>) dst(%arg7 : memref<80x125xi32, #tpu.memory_space<vmem>>)
      tpu.yield
    }) : () -> ()
    %mul3A_3 = arith.constant 80 : i32
    %mul3A_4 = arith.muli %add3A, %mul3A_3 : i32
    "tpu.region"() ({
      %run_scoped3A = tpu.sem_alloc : memref<!tpu.dma_semaphore, #tpu.memory_space<semaphore_mem>>
      %dma_start3A = arith.constant 0 : i32
      %dma_start3A_22 = tpu.memref_slice %arg4[%mul3A_4, %dma_start3A] : memref<2560x125xi32, #tpu.memory_space<hbm>> -> memref<80x125xi32, #tpu.memory_space<hbm>>
      %dma_start3A_23 = arith.constant 0 : i32
      %dma_start3A_24 = tpu.memref_slice %arg4[%mul3A_4, %dma_start3A_23] : memref<2560x125xi32, #tpu.memory_space<hbm>> -> memref<80x125xi32, #tpu.memory_space<hbm>>
      tpu.enqueue_dma source(%dma_start3A_24 : memref<80x125xi32, #tpu.memory_space<hbm>>) target(%arg8 : memref<80x125xi32, #tpu.memory_space<vmem>>) target_semaphore(%run_scoped3A : memref<!tpu.dma_semaphore, #tpu.memory_space<semaphore_mem>>)
      %dma_wait3A = arith.constant 0 : i32
      %dma_wait3A_25 = tpu.memref_slice %arg4[%mul3A_4, %dma_wait3A] : memref<2560x125xi32, #tpu.memory_space<hbm>> -> memref<80x125xi32, #tpu.memory_space<hbm>>
      %dma_wait3A_26 = arith.constant 0 : i32
      %dma_wait3A_27 = tpu.memref_slice %arg4[%mul3A_4, %dma_wait3A_26] : memref<2560x125xi32, #tpu.memory_space<hbm>> -> memref<80x125xi32, #tpu.memory_space<hbm>>
      tpu.wait_dma2 semaphore(%run_scoped3A : memref<!tpu.dma_semaphore, #tpu.memory_space<semaphore_mem>>) src(%dma_wait3A_27 : memref<80x125xi32, #tpu.memory_space<hbm>>) dst(%arg8 : memref<80x125xi32, #tpu.memory_space<vmem>>)
      tpu.yield
    }) : () -> ()
    %mul3A_5 = arith.constant 640 : i32
    %mul3A_6 = arith.muli %arg1, %mul3A_5 : i32
    %mul3A_7 = arith.constant 640 : i32
    %mul3A_8 = arith.muli %arg1, %mul3A_7 : i32
    "tpu.region"() ({
      %run_scoped3A = tpu.sem_alloc : memref<!tpu.dma_semaphore, #tpu.memory_space<semaphore_mem>>
      %dma_start3A = arith.constant 0 : i32
      %dma_start3A_22 = tpu.memref_slice %arg10[%mul3A_8, %dma_start3A] : memref<10240x16xf32, #tpu.memory_space<vmem_shared>> -> memref<640x16xf32, #tpu.memory_space<vmem_shared>>
      %dma_start3A_23 = arith.constant 0 : i32
      %dma_start3A_24 = tpu.memref_slice %arg2[%mul3A_6, %dma_start3A_23] : memref<10240x16xf32, #tpu.memory_space<hbm>> -> memref<640x16xf32, #tpu.memory_space<hbm>>
      tpu.enqueue_dma source(%dma_start3A_24 : memref<640x16xf32, #tpu.memory_space<hbm>>) target(%dma_start3A_22 : memref<640x16xf32, #tpu.memory_space<vmem_shared>>) target_semaphore(%run_scoped3A : memref<!tpu.dma_semaphore, #tpu.memory_space<semaphore_mem>>)
      %dma_wait3A = arith.constant 0 : i32
      %dma_wait3A_25 = tpu.memref_slice %arg10[%mul3A_8, %dma_wait3A] : memref<10240x16xf32, #tpu.memory_space<vmem_shared>> -> memref<640x16xf32, #tpu.memory_space<vmem_shared>>
      %dma_wait3A_26 = arith.constant 0 : i32
      %dma_wait3A_27 = tpu.memref_slice %arg2[%mul3A_6, %dma_wait3A_26] : memref<10240x16xf32, #tpu.memory_space<hbm>> -> memref<640x16xf32, #tpu.memory_space<hbm>>
      tpu.wait_dma2 semaphore(%run_scoped3A : memref<!tpu.dma_semaphore, #tpu.memory_space<semaphore_mem>>) src(%dma_wait3A_27 : memref<640x16xf32, #tpu.memory_space<hbm>>) dst(%dma_wait3A_25 : memref<640x16xf32, #tpu.memory_space<vmem_shared>>)
      tpu.yield
    }) : () -> ()
    %mul3A_9 = arith.constant 640 : i32
    %mul3A_10 = arith.muli %arg1, %mul3A_9 : i32
    %mul3A_11 = arith.constant 640 : i32
    %mul3A_12 = arith.muli %arg1, %mul3A_11 : i32
    "tpu.region"() ({
      %run_scoped3A = tpu.sem_alloc : memref<!tpu.dma_semaphore, #tpu.memory_space<semaphore_mem>>
      %dma_start3A = arith.constant 0 : i32
      %dma_start3A_22 = tpu.memref_slice %arg11[%mul3A_12, %dma_start3A] : memref<10240x16xf32, #tpu.memory_space<vmem_shared>> -> memref<640x16xf32, #tpu.memory_space<vmem_shared>>
      %dma_start3A_23 = arith.constant 0 : i32
      %dma_start3A_24 = tpu.memref_slice %arg5[%mul3A_10, %dma_start3A_23] : memref<10240x16xf32, #tpu.memory_space<hbm>> -> memref<640x16xf32, #tpu.memory_space<hbm>>
      tpu.enqueue_dma source(%dma_start3A_24 : memref<640x16xf32, #tpu.memory_space<hbm>>) target(%dma_start3A_22 : memref<640x16xf32, #tpu.memory_space<vmem_shared>>) target_semaphore(%run_scoped3A : memref<!tpu.dma_semaphore, #tpu.memory_space<semaphore_mem>>)
      %dma_wait3A = arith.constant 0 : i32
      %dma_wait3A_25 = tpu.memref_slice %arg11[%mul3A_12, %dma_wait3A] : memref<10240x16xf32, #tpu.memory_space<vmem_shared>> -> memref<640x16xf32, #tpu.memory_space<vmem_shared>>
      %dma_wait3A_26 = arith.constant 0 : i32
      %dma_wait3A_27 = tpu.memref_slice %arg5[%mul3A_10, %dma_wait3A_26] : memref<10240x16xf32, #tpu.memory_space<hbm>> -> memref<640x16xf32, #tpu.memory_space<hbm>>
      tpu.wait_dma2 semaphore(%run_scoped3A : memref<!tpu.dma_semaphore, #tpu.memory_space<semaphore_mem>>) src(%dma_wait3A_27 : memref<640x16xf32, #tpu.memory_space<hbm>>) dst(%dma_wait3A_25 : memref<640x16xf32, #tpu.memory_space<vmem_shared>>)
      tpu.yield
    }) : () -> ()
    %barrier3A = arith.constant 0 : index
    tpu.barrier barrier_id(%barrier3A)
    %scan3A = arith.constant 0 : i32
    %scan3A_13 = arith.constant 10 : i32
    %scan3A_14 = arith.addi %scan3A, %scan3A_13 : i32
    %scan3A_15 = arith.constant 1 : i32
    scf.for %scan3A_22 = %scan3A to %scan3A_14 step %scan3A_15  : i32 {
      %mul3A_23 = arith.constant 8 : i32
      %mul3A_24 = arith.muli %scan3A_22, %mul3A_23 : i32
      %add3A_25 = arith.constant 0 : i32
      %add3A_26 = arith.addi %add3A_25, %mul3A_24 : i32
      %add3A_27 = arith.constant 0 : i32
      %add3A_28 = arith.addi %add3A_26, %add3A_27 : i32
      %dma_start3A = arith.constant 0 : i32
      %dma_start3A_29 = arith.constant 0 : i32
      %dma_start3A_30 = arith.constant 0 : i32
      %dma_start3A_31 = tpu.memref_slice %arg9[%dma_start3A, %dma_start3A_29, %dma_start3A_30] : memref<8x125x16xf32, #tpu.memory_space<vmem>> -> memref<1x125x16xf32, #tpu.memory_space<vmem>>
      %dma_start3A_32 = tpu.memref_squeeze %dma_start3A_31 : memref<1x125x16xf32, #tpu.memory_space<vmem>> -> memref<125x16xf32, #tpu.memory_space<vmem>>
      %dma_start3A_33 = arith.constant 0 : i32
      %dma_start3A_34 = tpu.memref_slice %arg7[%add3A_28, %dma_start3A_33] : memref<80x125xi32, #tpu.memory_space<vmem>> -> memref<1x125xi32, #tpu.memory_space<vmem>>
      %dma_start3A_35 = tpu.memref_squeeze %dma_start3A_34 : memref<1x125xi32, #tpu.memory_space<vmem>> -> memref<125xi32, #tpu.memory_space<vmem>>
      %dma_start3A_36 = arith.constant 0 : i32
      %dma_start3A_37 = arith.constant 0 : i32
      %dma_start3A_38 = tpu.memref_slice %arg10[%dma_start3A_36, %dma_start3A_37] : memref<10240x16xf32, #tpu.memory_space<vmem_shared>> -> memref<10240x16xf32, #tpu.memory_space<vmem_shared>>
      tpu.enqueue_indirect_dma source(%dma_start3A_38 : memref<10240x16xf32, #tpu.memory_space<vmem_shared>>) target(%dma_start3A_32 : memref<125x16xf32, #tpu.memory_space<vmem>>) offsets(%dma_start3A_35 : memref<125xi32, #tpu.memory_space<vmem>>) semaphore(%arg12 : memref<!tpu.dma_semaphore, #tpu.memory_space<semaphore_mem>>)
      %add3A_39 = arith.constant 1 : i32
      %add3A_40 = arith.addi %add3A_26, %add3A_39 : i32
      %dma_start3A_41 = arith.constant 1 : i32
      %dma_start3A_42 = arith.constant 0 : i32
      %dma_start3A_43 = arith.constant 0 : i32
      %dma_start3A_44 = tpu.memref_slice %arg9[%dma_start3A_41, %dma_start3A_42, %dma_start3A_43] : memref<8x125x16xf32, #tpu.memory_space<vmem>> -> memref<1x125x16xf32, #tpu.memory_space<vmem>>
      %dma_start3A_45 = tpu.memref_squeeze %dma_start3A_44 : memref<1x125x16xf32, #tpu.memory_space<vmem>> -> memref<125x16xf32, #tpu.memory_space<vmem>>
      %dma_start3A_46 = arith.constant 0 : i32
      %dma_start3A_47 = tpu.memref_slice %arg7[%add3A_40, %dma_start3A_46] : memref<80x125xi32, #tpu.memory_space<vmem>> -> memref<1x125xi32, #tpu.memory_space<vmem>>
      %dma_start3A_48 = tpu.memref_squeeze %dma_start3A_47 : memref<1x125xi32, #tpu.memory_space<vmem>> -> memref<125xi32, #tpu.memory_space<vmem>>
      %dma_start3A_49 = arith.constant 0 : i32
      %dma_start3A_50 = arith.constant 0 : i32
      %dma_start3A_51 = tpu.memref_slice %arg10[%dma_start3A_49, %dma_start3A_50] : memref<10240x16xf32, #tpu.memory_space<vmem_shared>> -> memref<10240x16xf32, #tpu.memory_space<vmem_shared>>
      tpu.enqueue_indirect_dma source(%dma_start3A_51 : memref<10240x16xf32, #tpu.memory_space<vmem_shared>>) target(%dma_start3A_45 : memref<125x16xf32, #tpu.memory_space<vmem>>) offsets(%dma_start3A_48 : memref<125xi32, #tpu.memory_space<vmem>>) semaphore(%arg12 : memref<!tpu.dma_semaphore, #tpu.memory_space<semaphore_mem>>)
      %add3A_52 = arith.constant 2 : i32
      %add3A_53 = arith.addi %add3A_26, %add3A_52 : i32
      %dma_start3A_54 = arith.constant 2 : i32
      %dma_start3A_55 = arith.constant 0 : i32
      %dma_start3A_56 = arith.constant 0 : i32
      %dma_start3A_57 = tpu.memref_slice %arg9[%dma_start3A_54, %dma_start3A_55, %dma_start3A_56] : memref<8x125x16xf32, #tpu.memory_space<vmem>> -> memref<1x125x16xf32, #tpu.memory_space<vmem>>
      %dma_start3A_58 = tpu.memref_squeeze %dma_start3A_57 : memref<1x125x16xf32, #tpu.memory_space<vmem>> -> memref<125x16xf32, #tpu.memory_space<vmem>>
      %dma_start3A_59 = arith.constant 0 : i32
      %dma_start3A_60 = tpu.memref_slice %arg7[%add3A_53, %dma_start3A_59] : memref<80x125xi32, #tpu.memory_space<vmem>> -> memref<1x125xi32, #tpu.memory_space<vmem>>
      %dma_start3A_61 = tpu.memref_squeeze %dma_start3A_60 : memref<1x125xi32, #tpu.memory_space<vmem>> -> memref<125xi32, #tpu.memory_space<vmem>>
      %dma_start3A_62 = arith.constant 0 : i32
      %dma_start3A_63 = arith.constant 0 : i32
      %dma_start3A_64 = tpu.memref_slice %arg10[%dma_start3A_62, %dma_start3A_63] : memref<10240x16xf32, #tpu.memory_space<vmem_shared>> -> memref<10240x16xf32, #tpu.memory_space<vmem_shared>>
      tpu.enqueue_indirect_dma source(%dma_start3A_64 : memref<10240x16xf32, #tpu.memory_space<vmem_shared>>) target(%dma_start3A_58 : memref<125x16xf32, #tpu.memory_space<vmem>>) offsets(%dma_start3A_61 : memref<125xi32, #tpu.memory_space<vmem>>) semaphore(%arg12 : memref<!tpu.dma_semaphore, #tpu.memory_space<semaphore_mem>>)
      %add3A_65 = arith.constant 3 : i32
      %add3A_66 = arith.addi %add3A_26, %add3A_65 : i32
      %dma_start3A_67 = arith.constant 3 : i32
      %dma_start3A_68 = arith.constant 0 : i32
      %dma_start3A_69 = arith.constant 0 : i32
      %dma_start3A_70 = tpu.memref_slice %arg9[%dma_start3A_67, %dma_start3A_68, %dma_start3A_69] : memref<8x125x16xf32, #tpu.memory_space<vmem>> -> memref<1x125x16xf32, #tpu.memory_space<vmem>>
      %dma_start3A_71 = tpu.memref_squeeze %dma_start3A_70 : memref<1x125x16xf32, #tpu.memory_space<vmem>> -> memref<125x16xf32, #tpu.memory_space<vmem>>
      %dma_start3A_72 = arith.constant 0 : i32
      %dma_start3A_73 = tpu.memref_slice %arg7[%add3A_66, %dma_start3A_72] : memref<80x125xi32, #tpu.memory_space<vmem>> -> memref<1x125xi32, #tpu.memory_space<vmem>>
      %dma_start3A_74 = tpu.memref_squeeze %dma_start3A_73 : memref<1x125xi32, #tpu.memory_space<vmem>> -> memref<125xi32, #tpu.memory_space<vmem>>
      %dma_start3A_75 = arith.constant 0 : i32
      %dma_start3A_76 = arith.constant 0 : i32
      %dma_start3A_77 = tpu.memref_slice %arg10[%dma_start3A_75, %dma_start3A_76] : memref<10240x16xf32, #tpu.memory_space<vmem_shared>> -> memref<10240x16xf32, #tpu.memory_space<vmem_shared>>
      tpu.enqueue_indirect_dma source(%dma_start3A_77 : memref<10240x16xf32, #tpu.memory_space<vmem_shared>>) target(%dma_start3A_71 : memref<125x16xf32, #tpu.memory_space<vmem>>) offsets(%dma_start3A_74 : memref<125xi32, #tpu.memory_space<vmem>>) semaphore(%arg12 : memref<!tpu.dma_semaphore, #tpu.memory_space<semaphore_mem>>)
      %add3A_78 = arith.constant 4 : i32
      %add3A_79 = arith.addi %add3A_26, %add3A_78 : i32
      %dma_start3A_80 = arith.constant 4 : i32
      %dma_start3A_81 = arith.constant 0 : i32
      %dma_start3A_82 = arith.constant 0 : i32
      %dma_start3A_83 = tpu.memref_slice %arg9[%dma_start3A_80, %dma_start3A_81, %dma_start3A_82] : memref<8x125x16xf32, #tpu.memory_space<vmem>> -> memref<1x125x16xf32, #tpu.memory_space<vmem>>
      %dma_start3A_84 = tpu.memref_squeeze %dma_start3A_83 : memref<1x125x16xf32, #tpu.memory_space<vmem>> -> memref<125x16xf32, #tpu.memory_space<vmem>>
      %dma_start3A_85 = arith.constant 0 : i32
      %dma_start3A_86 = tpu.memref_slice %arg7[%add3A_79, %dma_start3A_85] : memref<80x125xi32, #tpu.memory_space<vmem>> -> memref<1x125xi32, #tpu.memory_space<vmem>>
      %dma_start3A_87 = tpu.memref_squeeze %dma_start3A_86 : memref<1x125xi32, #tpu.memory_space<vmem>> -> memref<125xi32, #tpu.memory_space<vmem>>
      %dma_start3A_88 = arith.constant 0 : i32
      %dma_start3A_89 = arith.constant 0 : i32
      %dma_start3A_90 = tpu.memref_slice %arg10[%dma_start3A_88, %dma_start3A_89] : memref<10240x16xf32, #tpu.memory_space<vmem_shared>> -> memref<10240x16xf32, #tpu.memory_space<vmem_shared>>
      tpu.enqueue_indirect_dma source(%dma_start3A_90 : memref<10240x16xf32, #tpu.memory_space<vmem_shared>>) target(%dma_start3A_84 : memref<125x16xf32, #tpu.memory_space<vmem>>) offsets(%dma_start3A_87 : memref<125xi32, #tpu.memory_space<vmem>>) semaphore(%arg12 : memref<!tpu.dma_semaphore, #tpu.memory_space<semaphore_mem>>)
      %add3A_91 = arith.constant 5 : i32
      %add3A_92 = arith.addi %add3A_26, %add3A_91 : i32
      %dma_start3A_93 = arith.constant 5 : i32
      %dma_start3A_94 = arith.constant 0 : i32
      %dma_start3A_95 = arith.constant 0 : i32
      %dma_start3A_96 = tpu.memref_slice %arg9[%dma_start3A_93, %dma_start3A_94, %dma_start3A_95] : memref<8x125x16xf32, #tpu.memory_space<vmem>> -> memref<1x125x16xf32, #tpu.memory_space<vmem>>
      %dma_start3A_97 = tpu.memref_squeeze %dma_start3A_96 : memref<1x125x16xf32, #tpu.memory_space<vmem>> -> memref<125x16xf32, #tpu.memory_space<vmem>>
      %dma_start3A_98 = arith.constant 0 : i32
      %dma_start3A_99 = tpu.memref_slice %arg7[%add3A_92, %dma_start3A_98] : memref<80x125xi32, #tpu.memory_space<vmem>> -> memref<1x125xi32, #tpu.memory_space<vmem>>
      %dma_start3A_100 = tpu.memref_squeeze %dma_start3A_99 : memref<1x125xi32, #tpu.memory_space<vmem>> -> memref<125xi32, #tpu.memory_space<vmem>>
      %dma_start3A_101 = arith.constant 0 : i32
      %dma_start3A_102 = arith.constant 0 : i32
      %dma_start3A_103 = tpu.memref_slice %arg10[%dma_start3A_101, %dma_start3A_102] : memref<10240x16xf32, #tpu.memory_space<vmem_shared>> -> memref<10240x16xf32, #tpu.memory_space<vmem_shared>>
      tpu.enqueue_indirect_dma source(%dma_start3A_103 : memref<10240x16xf32, #tpu.memory_space<vmem_shared>>) target(%dma_start3A_97 : memref<125x16xf32, #tpu.memory_space<vmem>>) offsets(%dma_start3A_100 : memref<125xi32, #tpu.memory_space<vmem>>) semaphore(%arg12 : memref<!tpu.dma_semaphore, #tpu.memory_space<semaphore_mem>>)
      %add3A_104 = arith.constant 6 : i32
      %add3A_105 = arith.addi %add3A_26, %add3A_104 : i32
      %dma_start3A_106 = arith.constant 6 : i32
      %dma_start3A_107 = arith.constant 0 : i32
      %dma_start3A_108 = arith.constant 0 : i32
      %dma_start3A_109 = tpu.memref_slice %arg9[%dma_start3A_106, %dma_start3A_107, %dma_start3A_108] : memref<8x125x16xf32, #tpu.memory_space<vmem>> -> memref<1x125x16xf32, #tpu.memory_space<vmem>>
      %dma_start3A_110 = tpu.memref_squeeze %dma_start3A_109 : memref<1x125x16xf32, #tpu.memory_space<vmem>> -> memref<125x16xf32, #tpu.memory_space<vmem>>
      %dma_start3A_111 = arith.constant 0 : i32
      %dma_start3A_112 = tpu.memref_slice %arg7[%add3A_105, %dma_start3A_111] : memref<80x125xi32, #tpu.memory_space<vmem>> -> memref<1x125xi32, #tpu.memory_space<vmem>>
      %dma_start3A_113 = tpu.memref_squeeze %dma_start3A_112 : memref<1x125xi32, #tpu.memory_space<vmem>> -> memref<125xi32, #tpu.memory_space<vmem>>
      %dma_start3A_114 = arith.constant 0 : i32
      %dma_start3A_115 = arith.constant 0 : i32
      %dma_start3A_116 = tpu.memref_slice %arg10[%dma_start3A_114, %dma_start3A_115] : memref<10240x16xf32, #tpu.memory_space<vmem_shared>> -> memref<10240x16xf32, #tpu.memory_space<vmem_shared>>
      tpu.enqueue_indirect_dma source(%dma_start3A_116 : memref<10240x16xf32, #tpu.memory_space<vmem_shared>>) target(%dma_start3A_110 : memref<125x16xf32, #tpu.memory_space<vmem>>) offsets(%dma_start3A_113 : memref<125xi32, #tpu.memory_space<vmem>>) semaphore(%arg12 : memref<!tpu.dma_semaphore, #tpu.memory_space<semaphore_mem>>)
      %add3A_117 = arith.constant 7 : i32
      %add3A_118 = arith.addi %add3A_26, %add3A_117 : i32
      %dma_start3A_119 = arith.constant 7 : i32
      %dma_start3A_120 = arith.constant 0 : i32
      %dma_start3A_121 = arith.constant 0 : i32
      %dma_start3A_122 = tpu.memref_slice %arg9[%dma_start3A_119, %dma_start3A_120, %dma_start3A_121] : memref<8x125x16xf32, #tpu.memory_space<vmem>> -> memref<1x125x16xf32, #tpu.memory_space<vmem>>
      %dma_start3A_123 = tpu.memref_squeeze %dma_start3A_122 : memref<1x125x16xf32, #tpu.memory_space<vmem>> -> memref<125x16xf32, #tpu.memory_space<vmem>>
      %dma_start3A_124 = arith.constant 0 : i32
      %dma_start3A_125 = tpu.memref_slice %arg7[%add3A_118, %dma_start3A_124] : memref<80x125xi32, #tpu.memory_space<vmem>> -> memref<1x125xi32, #tpu.memory_space<vmem>>
      %dma_start3A_126 = tpu.memref_squeeze %dma_start3A_125 : memref<1x125xi32, #tpu.memory_space<vmem>> -> memref<125xi32, #tpu.memory_space<vmem>>
      %dma_start3A_127 = arith.constant 0 : i32
      %dma_start3A_128 = arith.constant 0 : i32
      %dma_start3A_129 = tpu.memref_slice %arg10[%dma_start3A_127, %dma_start3A_128] : memref<10240x16xf32, #tpu.memory_space<vmem_shared>> -> memref<10240x16xf32, #tpu.memory_space<vmem_shared>>
      tpu.enqueue_indirect_dma source(%dma_start3A_129 : memref<10240x16xf32, #tpu.memory_space<vmem_shared>>) target(%dma_start3A_123 : memref<125x16xf32, #tpu.memory_space<vmem>>) offsets(%dma_start3A_126 : memref<125xi32, #tpu.memory_space<vmem>>) semaphore(%arg12 : memref<!tpu.dma_semaphore, #tpu.memory_space<semaphore_mem>>)
      %dma_wait3A = arith.constant 0 : i32
      %dma_wait3A_130 = arith.constant 0 : i32
      %dma_wait3A_131 = arith.constant 0 : i32
      %dma_wait3A_132 = tpu.memref_slice %arg9[%dma_wait3A, %dma_wait3A_130, %dma_wait3A_131] : memref<8x125x16xf32, #tpu.memory_space<vmem>> -> memref<1x125x16xf32, #tpu.memory_space<vmem>>
      %dma_wait3A_133 = tpu.memref_squeeze %dma_wait3A_132 : memref<1x125x16xf32, #tpu.memory_space<vmem>> -> memref<125x16xf32, #tpu.memory_space<vmem>>
      %dma_wait3A_134 = arith.constant 0 : i32
      %dma_wait3A_135 = tpu.memref_slice %arg7[%add3A_28, %dma_wait3A_134] : memref<80x125xi32, #tpu.memory_space<vmem>> -> memref<1x125xi32, #tpu.memory_space<vmem>>
      %dma_wait3A_136 = tpu.memref_squeeze %dma_wait3A_135 : memref<1x125xi32, #tpu.memory_space<vmem>> -> memref<125xi32, #tpu.memory_space<vmem>>
      %dma_wait3A_137 = arith.constant 0 : i32
      %dma_wait3A_138 = arith.constant 0 : i32
      %dma_wait3A_139 = tpu.memref_slice %arg10[%dma_wait3A_137, %dma_wait3A_138] : memref<10240x16xf32, #tpu.memory_space<vmem_shared>> -> memref<10240x16xf32, #tpu.memory_space<vmem_shared>>
      tpu.wait_indirect_dma semaphore(%arg12 : memref<!tpu.dma_semaphore, #tpu.memory_space<semaphore_mem>>) src(%dma_wait3A_139 : memref<10240x16xf32, #tpu.memory_space<vmem_shared>>) dst(%dma_wait3A_133 : memref<125x16xf32, #tpu.memory_space<vmem>>)
      %add3A_140 = arith.constant 0 : i32
      %add3A_141 = arith.addi %add3A_26, %add3A_140 : i32
      %dma_start3A_142 = arith.constant 0 : i32
      %dma_start3A_143 = arith.constant 0 : i32
      %dma_start3A_144 = arith.constant 0 : i32
      %dma_start3A_145 = tpu.memref_slice %arg9[%dma_start3A_142, %dma_start3A_143, %dma_start3A_144] : memref<8x125x16xf32, #tpu.memory_space<vmem>> -> memref<1x125x16xf32, #tpu.memory_space<vmem>>
      %dma_start3A_146 = tpu.memref_squeeze %dma_start3A_145 : memref<1x125x16xf32, #tpu.memory_space<vmem>> -> memref<125x16xf32, #tpu.memory_space<vmem>>
      %dma_start3A_147 = arith.constant 0 : i32
      %dma_start3A_148 = tpu.memref_slice %arg8[%add3A_141, %dma_start3A_147] : memref<80x125xi32, #tpu.memory_space<vmem>> -> memref<1x125xi32, #tpu.memory_space<vmem>>
      %dma_start3A_149 = tpu.memref_squeeze %dma_start3A_148 : memref<1x125xi32, #tpu.memory_space<vmem>> -> memref<125xi32, #tpu.memory_space<vmem>>
      %dma_start3A_150 = arith.constant 0 : i32
      %dma_start3A_151 = arith.constant 0 : i32
      %dma_start3A_152 = tpu.memref_slice %arg11[%dma_start3A_150, %dma_start3A_151] : memref<10240x16xf32, #tpu.memory_space<vmem_shared>> -> memref<10240x16xf32, #tpu.memory_space<vmem_shared>>
      tpu.enqueue_indirect_dma source(%dma_start3A_146 : memref<125x16xf32, #tpu.memory_space<vmem>>) target(%dma_start3A_152 : memref<10240x16xf32, #tpu.memory_space<vmem_shared>>) offsets(%dma_start3A_149 : memref<125xi32, #tpu.memory_space<vmem>>) semaphore(%arg13 : memref<!tpu.dma_semaphore, #tpu.memory_space<semaphore_mem>>) {add = true}
      %dma_wait3A_153 = arith.constant 1 : i32
      %dma_wait3A_154 = arith.constant 0 : i32
      %dma_wait3A_155 = arith.constant 0 : i32
      %dma_wait3A_156 = tpu.memref_slice %arg9[%dma_wait3A_153, %dma_wait3A_154, %dma_wait3A_155] : memref<8x125x16xf32, #tpu.memory_space<vmem>> -> memref<1x125x16xf32, #tpu.memory_space<vmem>>
      %dma_wait3A_157 = tpu.memref_squeeze %dma_wait3A_156 : memref<1x125x16xf32, #tpu.memory_space<vmem>> -> memref<125x16xf32, #tpu.memory_space<vmem>>
      %dma_wait3A_158 = arith.constant 0 : i32
      %dma_wait3A_159 = tpu.memref_slice %arg7[%add3A_40, %dma_wait3A_158] : memref<80x125xi32, #tpu.memory_space<vmem>> -> memref<1x125xi32, #tpu.memory_space<vmem>>
      %dma_wait3A_160 = tpu.memref_squeeze %dma_wait3A_159 : memref<1x125xi32, #tpu.memory_space<vmem>> -> memref<125xi32, #tpu.memory_space<vmem>>
      %dma_wait3A_161 = arith.constant 0 : i32
      %dma_wait3A_162 = arith.constant 0 : i32
      %dma_wait3A_163 = tpu.memref_slice %arg10[%dma_wait3A_161, %dma_wait3A_162] : memref<10240x16xf32, #tpu.memory_space<vmem_shared>> -> memref<10240x16xf32, #tpu.memory_space<vmem_shared>>
      tpu.wait_indirect_dma semaphore(%arg12 : memref<!tpu.dma_semaphore, #tpu.memory_space<semaphore_mem>>) src(%dma_wait3A_163 : memref<10240x16xf32, #tpu.memory_space<vmem_shared>>) dst(%dma_wait3A_157 : memref<125x16xf32, #tpu.memory_space<vmem>>)
      %add3A_164 = arith.constant 1 : i32
      %add3A_165 = arith.addi %add3A_26, %add3A_164 : i32
      %dma_start3A_166 = arith.constant 1 : i32
      %dma_start3A_167 = arith.constant 0 : i32
      %dma_start3A_168 = arith.constant 0 : i32
      %dma_start3A_169 = tpu.memref_slice %arg9[%dma_start3A_166, %dma_start3A_167, %dma_start3A_168] : memref<8x125x16xf32, #tpu.memory_space<vmem>> -> memref<1x125x16xf32, #tpu.memory_space<vmem>>
      %dma_start3A_170 = tpu.memref_squeeze %dma_start3A_169 : memref<1x125x16xf32, #tpu.memory_space<vmem>> -> memref<125x16xf32, #tpu.memory_space<vmem>>
      %dma_start3A_171 = arith.constant 0 : i32
      %dma_start3A_172 = tpu.memref_slice %arg8[%add3A_165, %dma_start3A_171] : memref<80x125xi32, #tpu.memory_space<vmem>> -> memref<1x125xi32, #tpu.memory_space<vmem>>
      %dma_start3A_173 = tpu.memref_squeeze %dma_start3A_172 : memref<1x125xi32, #tpu.memory_space<vmem>> -> memref<125xi32, #tpu.memory_space<vmem>>
      %dma_start3A_174 = arith.constant 0 : i32
      %dma_start3A_175 = arith.constant 0 : i32
      %dma_start3A_176 = tpu.memref_slice %arg11[%dma_start3A_174, %dma_start3A_175] : memref<10240x16xf32, #tpu.memory_space<vmem_shared>> -> memref<10240x16xf32, #tpu.memory_space<vmem_shared>>
      tpu.enqueue_indirect_dma source(%dma_start3A_170 : memref<125x16xf32, #tpu.memory_space<vmem>>) target(%dma_start3A_176 : memref<10240x16xf32, #tpu.memory_space<vmem_shared>>) offsets(%dma_start3A_173 : memref<125xi32, #tpu.memory_space<vmem>>) semaphore(%arg13 : memref<!tpu.dma_semaphore, #tpu.memory_space<semaphore_mem>>) {add = true}
      %dma_wait3A_177 = arith.constant 2 : i32
      %dma_wait3A_178 = arith.constant 0 : i32
      %dma_wait3A_179 = arith.constant 0 : i32
      %dma_wait3A_180 = tpu.memref_slice %arg9[%dma_wait3A_177, %dma_wait3A_178, %dma_wait3A_179] : memref<8x125x16xf32, #tpu.memory_space<vmem>> -> memref<1x125x16xf32, #tpu.memory_space<vmem>>
      %dma_wait3A_181 = tpu.memref_squeeze %dma_wait3A_180 : memref<1x125x16xf32, #tpu.memory_space<vmem>> -> memref<125x16xf32, #tpu.memory_space<vmem>>
      %dma_wait3A_182 = arith.constant 0 : i32
      %dma_wait3A_183 = tpu.memref_slice %arg7[%add3A_53, %dma_wait3A_182] : memref<80x125xi32, #tpu.memory_space<vmem>> -> memref<1x125xi32, #tpu.memory_space<vmem>>
      %dma_wait3A_184 = tpu.memref_squeeze %dma_wait3A_183 : memref<1x125xi32, #tpu.memory_space<vmem>> -> memref<125xi32, #tpu.memory_space<vmem>>
      %dma_wait3A_185 = arith.constant 0 : i32
      %dma_wait3A_186 = arith.constant 0 : i32
      %dma_wait3A_187 = tpu.memref_slice %arg10[%dma_wait3A_185, %dma_wait3A_186] : memref<10240x16xf32, #tpu.memory_space<vmem_shared>> -> memref<10240x16xf32, #tpu.memory_space<vmem_shared>>
      tpu.wait_indirect_dma semaphore(%arg12 : memref<!tpu.dma_semaphore, #tpu.memory_space<semaphore_mem>>) src(%dma_wait3A_187 : memref<10240x16xf32, #tpu.memory_space<vmem_shared>>) dst(%dma_wait3A_181 : memref<125x16xf32, #tpu.memory_space<vmem>>)
      %add3A_188 = arith.constant 2 : i32
      %add3A_189 = arith.addi %add3A_26, %add3A_188 : i32
      %dma_start3A_190 = arith.constant 2 : i32
      %dma_start3A_191 = arith.constant 0 : i32
      %dma_start3A_192 = arith.constant 0 : i32
      %dma_start3A_193 = tpu.memref_slice %arg9[%dma_start3A_190, %dma_start3A_191, %dma_start3A_192] : memref<8x125x16xf32, #tpu.memory_space<vmem>> -> memref<1x125x16xf32, #tpu.memory_space<vmem>>
      %dma_start3A_194 = tpu.memref_squeeze %dma_start3A_193 : memref<1x125x16xf32, #tpu.memory_space<vmem>> -> memref<125x16xf32, #tpu.memory_space<vmem>>
      %dma_start3A_195 = arith.constant 0 : i32
      %dma_start3A_196 = tpu.memref_slice %arg8[%add3A_189, %dma_start3A_195] : memref<80x125xi32, #tpu.memory_space<vmem>> -> memref<1x125xi32, #tpu.memory_space<vmem>>
      %dma_start3A_197 = tpu.memref_squeeze %dma_start3A_196 : memref<1x125xi32, #tpu.memory_space<vmem>> -> memref<125xi32, #tpu.memory_space<vmem>>
      %dma_start3A_198 = arith.constant 0 : i32
      %dma_start3A_199 = arith.constant 0 : i32
      %dma_start3A_200 = tpu.memref_slice %arg11[%dma_start3A_198, %dma_start3A_199] : memref<10240x16xf32, #tpu.memory_space<vmem_shared>> -> memref<10240x16xf32, #tpu.memory_space<vmem_shared>>
      tpu.enqueue_indirect_dma source(%dma_start3A_194 : memref<125x16xf32, #tpu.memory_space<vmem>>) target(%dma_start3A_200 : memref<10240x16xf32, #tpu.memory_space<vmem_shared>>) offsets(%dma_start3A_197 : memref<125xi32, #tpu.memory_space<vmem>>) semaphore(%arg13 : memref<!tpu.dma_semaphore, #tpu.memory_space<semaphore_mem>>) {add = true}
      %dma_wait3A_201 = arith.constant 3 : i32
      %dma_wait3A_202 = arith.constant 0 : i32
      %dma_wait3A_203 = arith.constant 0 : i32
      %dma_wait3A_204 = tpu.memref_slice %arg9[%dma_wait3A_201, %dma_wait3A_202, %dma_wait3A_203] : memref<8x125x16xf32, #tpu.memory_space<vmem>> -> memref<1x125x16xf32, #tpu.memory_space<vmem>>
      %dma_wait3A_205 = tpu.memref_squeeze %dma_wait3A_204 : memref<1x125x16xf32, #tpu.memory_space<vmem>> -> memref<125x16xf32, #tpu.memory_space<vmem>>
      %dma_wait3A_206 = arith.constant 0 : i32
      %dma_wait3A_207 = tpu.memref_slice %arg7[%add3A_66, %dma_wait3A_206] : memref<80x125xi32, #tpu.memory_space<vmem>> -> memref<1x125xi32, #tpu.memory_space<vmem>>
      %dma_wait3A_208 = tpu.memref_squeeze %dma_wait3A_207 : memref<1x125xi32, #tpu.memory_space<vmem>> -> memref<125xi32, #tpu.memory_space<vmem>>
      %dma_wait3A_209 = arith.constant 0 : i32
      %dma_wait3A_210 = arith.constant 0 : i32
      %dma_wait3A_211 = tpu.memref_slice %arg10[%dma_wait3A_209, %dma_wait3A_210] : memref<10240x16xf32, #tpu.memory_space<vmem_shared>> -> memref<10240x16xf32, #tpu.memory_space<vmem_shared>>
      tpu.wait_indirect_dma semaphore(%arg12 : memref<!tpu.dma_semaphore, #tpu.memory_space<semaphore_mem>>) src(%dma_wait3A_211 : memref<10240x16xf32, #tpu.memory_space<vmem_shared>>) dst(%dma_wait3A_205 : memref<125x16xf32, #tpu.memory_space<vmem>>)
      %add3A_212 = arith.constant 3 : i32
      %add3A_213 = arith.addi %add3A_26, %add3A_212 : i32
      %dma_start3A_214 = arith.constant 3 : i32
      %dma_start3A_215 = arith.constant 0 : i32
      %dma_start3A_216 = arith.constant 0 : i32
      %dma_start3A_217 = tpu.memref_slice %arg9[%dma_start3A_214, %dma_start3A_215, %dma_start3A_216] : memref<8x125x16xf32, #tpu.memory_space<vmem>> -> memref<1x125x16xf32, #tpu.memory_space<vmem>>
      %dma_start3A_218 = tpu.memref_squeeze %dma_start3A_217 : memref<1x125x16xf32, #tpu.memory_space<vmem>> -> memref<125x16xf32, #tpu.memory_space<vmem>>
      %dma_start3A_219 = arith.constant 0 : i32
      %dma_start3A_220 = tpu.memref_slice %arg8[%add3A_213, %dma_start3A_219] : memref<80x125xi32, #tpu.memory_space<vmem>> -> memref<1x125xi32, #tpu.memory_space<vmem>>
      %dma_start3A_221 = tpu.memref_squeeze %dma_start3A_220 : memref<1x125xi32, #tpu.memory_space<vmem>> -> memref<125xi32, #tpu.memory_space<vmem>>
      %dma_start3A_222 = arith.constant 0 : i32
      %dma_start3A_223 = arith.constant 0 : i32
      %dma_start3A_224 = tpu.memref_slice %arg11[%dma_start3A_222, %dma_start3A_223] : memref<10240x16xf32, #tpu.memory_space<vmem_shared>> -> memref<10240x16xf32, #tpu.memory_space<vmem_shared>>
      tpu.enqueue_indirect_dma source(%dma_start3A_218 : memref<125x16xf32, #tpu.memory_space<vmem>>) target(%dma_start3A_224 : memref<10240x16xf32, #tpu.memory_space<vmem_shared>>) offsets(%dma_start3A_221 : memref<125xi32, #tpu.memory_space<vmem>>) semaphore(%arg13 : memref<!tpu.dma_semaphore, #tpu.memory_space<semaphore_mem>>) {add = true}
      %dma_wait3A_225 = arith.constant 4 : i32
      %dma_wait3A_226 = arith.constant 0 : i32
      %dma_wait3A_227 = arith.constant 0 : i32
      %dma_wait3A_228 = tpu.memref_slice %arg9[%dma_wait3A_225, %dma_wait3A_226, %dma_wait3A_227] : memref<8x125x16xf32, #tpu.memory_space<vmem>> -> memref<1x125x16xf32, #tpu.memory_space<vmem>>
      %dma_wait3A_229 = tpu.memref_squeeze %dma_wait3A_228 : memref<1x125x16xf32, #tpu.memory_space<vmem>> -> memref<125x16xf32, #tpu.memory_space<vmem>>
      %dma_wait3A_230 = arith.constant 0 : i32
      %dma_wait3A_231 = tpu.memref_slice %arg7[%add3A_79, %dma_wait3A_230] : memref<80x125xi32, #tpu.memory_space<vmem>> -> memref<1x125xi32, #tpu.memory_space<vmem>>
      %dma_wait3A_232 = tpu.memref_squeeze %dma_wait3A_231 : memref<1x125xi32, #tpu.memory_space<vmem>> -> memref<125xi32, #tpu.memory_space<vmem>>
      %dma_wait3A_233 = arith.constant 0 : i32
      %dma_wait3A_234 = arith.constant 0 : i32
      %dma_wait3A_235 = tpu.memref_slice %arg10[%dma_wait3A_233, %dma_wait3A_234] : memref<10240x16xf32, #tpu.memory_space<vmem_shared>> -> memref<10240x16xf32, #tpu.memory_space<vmem_shared>>
      tpu.wait_indirect_dma semaphore(%arg12 : memref<!tpu.dma_semaphore, #tpu.memory_space<semaphore_mem>>) src(%dma_wait3A_235 : memref<10240x16xf32, #tpu.memory_space<vmem_shared>>) dst(%dma_wait3A_229 : memref<125x16xf32, #tpu.memory_space<vmem>>)
      %add3A_236 = arith.constant 4 : i32
      %add3A_237 = arith.addi %add3A_26, %add3A_236 : i32
      %dma_start3A_238 = arith.constant 4 : i32
      %dma_start3A_239 = arith.constant 0 : i32
      %dma_start3A_240 = arith.constant 0 : i32
      %dma_start3A_241 = tpu.memref_slice %arg9[%dma_start3A_238, %dma_start3A_239, %dma_start3A_240] : memref<8x125x16xf32, #tpu.memory_space<vmem>> -> memref<1x125x16xf32, #tpu.memory_space<vmem>>
      %dma_start3A_242 = tpu.memref_squeeze %dma_start3A_241 : memref<1x125x16xf32, #tpu.memory_space<vmem>> -> memref<125x16xf32, #tpu.memory_space<vmem>>
      %dma_start3A_243 = arith.constant 0 : i32
      %dma_start3A_244 = tpu.memref_slice %arg8[%add3A_237, %dma_start3A_243] : memref<80x125xi32, #tpu.memory_space<vmem>> -> memref<1x125xi32, #tpu.memory_space<vmem>>
      %dma_start3A_245 = tpu.memref_squeeze %dma_start3A_244 : memref<1x125xi32, #tpu.memory_space<vmem>> -> memref<125xi32, #tpu.memory_space<vmem>>
      %dma_start3A_246 = arith.constant 0 : i32
      %dma_start3A_247 = arith.constant 0 : i32
      %dma_start3A_248 = tpu.memref_slice %arg11[%dma_start3A_246, %dma_start3A_247] : memref<10240x16xf32, #tpu.memory_space<vmem_shared>> -> memref<10240x16xf32, #tpu.memory_space<vmem_shared>>
      tpu.enqueue_indirect_dma source(%dma_start3A_242 : memref<125x16xf32, #tpu.memory_space<vmem>>) target(%dma_start3A_248 : memref<10240x16xf32, #tpu.memory_space<vmem_shared>>) offsets(%dma_start3A_245 : memref<125xi32, #tpu.memory_space<vmem>>) semaphore(%arg13 : memref<!tpu.dma_semaphore, #tpu.memory_space<semaphore_mem>>) {add = true}
      %dma_wait3A_249 = arith.constant 5 : i32
      %dma_wait3A_250 = arith.constant 0 : i32
      %dma_wait3A_251 = arith.constant 0 : i32
      %dma_wait3A_252 = tpu.memref_slice %arg9[%dma_wait3A_249, %dma_wait3A_250, %dma_wait3A_251] : memref<8x125x16xf32, #tpu.memory_space<vmem>> -> memref<1x125x16xf32, #tpu.memory_space<vmem>>
      %dma_wait3A_253 = tpu.memref_squeeze %dma_wait3A_252 : memref<1x125x16xf32, #tpu.memory_space<vmem>> -> memref<125x16xf32, #tpu.memory_space<vmem>>
      %dma_wait3A_254 = arith.constant 0 : i32
      %dma_wait3A_255 = tpu.memref_slice %arg7[%add3A_92, %dma_wait3A_254] : memref<80x125xi32, #tpu.memory_space<vmem>> -> memref<1x125xi32, #tpu.memory_space<vmem>>
      %dma_wait3A_256 = tpu.memref_squeeze %dma_wait3A_255 : memref<1x125xi32, #tpu.memory_space<vmem>> -> memref<125xi32, #tpu.memory_space<vmem>>
      %dma_wait3A_257 = arith.constant 0 : i32
      %dma_wait3A_258 = arith.constant 0 : i32
      %dma_wait3A_259 = tpu.memref_slice %arg10[%dma_wait3A_257, %dma_wait3A_258] : memref<10240x16xf32, #tpu.memory_space<vmem_shared>> -> memref<10240x16xf32, #tpu.memory_space<vmem_shared>>
      tpu.wait_indirect_dma semaphore(%arg12 : memref<!tpu.dma_semaphore, #tpu.memory_space<semaphore_mem>>) src(%dma_wait3A_259 : memref<10240x16xf32, #tpu.memory_space<vmem_shared>>) dst(%dma_wait3A_253 : memref<125x16xf32, #tpu.memory_space<vmem>>)
      %add3A_260 = arith.constant 5 : i32
      %add3A_261 = arith.addi %add3A_26, %add3A_260 : i32
      %dma_start3A_262 = arith.constant 5 : i32
      %dma_start3A_263 = arith.constant 0 : i32
      %dma_start3A_264 = arith.constant 0 : i32
      %dma_start3A_265 = tpu.memref_slice %arg9[%dma_start3A_262, %dma_start3A_263, %dma_start3A_264] : memref<8x125x16xf32, #tpu.memory_space<vmem>> -> memref<1x125x16xf32, #tpu.memory_space<vmem>>
      %dma_start3A_266 = tpu.memref_squeeze %dma_start3A_265 : memref<1x125x16xf32, #tpu.memory_space<vmem>> -> memref<125x16xf32, #tpu.memory_space<vmem>>
      %dma_start3A_267 = arith.constant 0 : i32
      %dma_start3A_268 = tpu.memref_slice %arg8[%add3A_261, %dma_start3A_267] : memref<80x125xi32, #tpu.memory_space<vmem>> -> memref<1x125xi32, #tpu.memory_space<vmem>>
      %dma_start3A_269 = tpu.memref_squeeze %dma_start3A_268 : memref<1x125xi32, #tpu.memory_space<vmem>> -> memref<125xi32, #tpu.memory_space<vmem>>
      %dma_start3A_270 = arith.constant 0 : i32
      %dma_start3A_271 = arith.constant 0 : i32
      %dma_start3A_272 = tpu.memref_slice %arg11[%dma_start3A_270, %dma_start3A_271] : memref<10240x16xf32, #tpu.memory_space<vmem_shared>> -> memref<10240x16xf32, #tpu.memory_space<vmem_shared>>
      tpu.enqueue_indirect_dma source(%dma_start3A_266 : memref<125x16xf32, #tpu.memory_space<vmem>>) target(%dma_start3A_272 : memref<10240x16xf32, #tpu.memory_space<vmem_shared>>) offsets(%dma_start3A_269 : memref<125xi32, #tpu.memory_space<vmem>>) semaphore(%arg13 : memref<!tpu.dma_semaphore, #tpu.memory_space<semaphore_mem>>) {add = true}
      %dma_wait3A_273 = arith.constant 6 : i32
      %dma_wait3A_274 = arith.constant 0 : i32
      %dma_wait3A_275 = arith.constant 0 : i32
      %dma_wait3A_276 = tpu.memref_slice %arg9[%dma_wait3A_273, %dma_wait3A_274, %dma_wait3A_275] : memref<8x125x16xf32, #tpu.memory_space<vmem>> -> memref<1x125x16xf32, #tpu.memory_space<vmem>>
      %dma_wait3A_277 = tpu.memref_squeeze %dma_wait3A_276 : memref<1x125x16xf32, #tpu.memory_space<vmem>> -> memref<125x16xf32, #tpu.memory_space<vmem>>
      %dma_wait3A_278 = arith.constant 0 : i32
      %dma_wait3A_279 = tpu.memref_slice %arg7[%add3A_105, %dma_wait3A_278] : memref<80x125xi32, #tpu.memory_space<vmem>> -> memref<1x125xi32, #tpu.memory_space<vmem>>
      %dma_wait3A_280 = tpu.memref_squeeze %dma_wait3A_279 : memref<1x125xi32, #tpu.memory_space<vmem>> -> memref<125xi32, #tpu.memory_space<vmem>>
      %dma_wait3A_281 = arith.constant 0 : i32
      %dma_wait3A_282 = arith.constant 0 : i32
      %dma_wait3A_283 = tpu.memref_slice %arg10[%dma_wait3A_281, %dma_wait3A_282] : memref<10240x16xf32, #tpu.memory_space<vmem_shared>> -> memref<10240x16xf32, #tpu.memory_space<vmem_shared>>
      tpu.wait_indirect_dma semaphore(%arg12 : memref<!tpu.dma_semaphore, #tpu.memory_space<semaphore_mem>>) src(%dma_wait3A_283 : memref<10240x16xf32, #tpu.memory_space<vmem_shared>>) dst(%dma_wait3A_277 : memref<125x16xf32, #tpu.memory_space<vmem>>)
      %add3A_284 = arith.constant 6 : i32
      %add3A_285 = arith.addi %add3A_26, %add3A_284 : i32
      %dma_start3A_286 = arith.constant 6 : i32
      %dma_start3A_287 = arith.constant 0 : i32
      %dma_start3A_288 = arith.constant 0 : i32
      %dma_start3A_289 = tpu.memref_slice %arg9[%dma_start3A_286, %dma_start3A_287, %dma_start3A_288] : memref<8x125x16xf32, #tpu.memory_space<vmem>> -> memref<1x125x16xf32, #tpu.memory_space<vmem>>
      %dma_start3A_290 = tpu.memref_squeeze %dma_start3A_289 : memref<1x125x16xf32, #tpu.memory_space<vmem>> -> memref<125x16xf32, #tpu.memory_space<vmem>>
      %dma_start3A_291 = arith.constant 0 : i32
      %dma_start3A_292 = tpu.memref_slice %arg8[%add3A_285, %dma_start3A_291] : memref<80x125xi32, #tpu.memory_space<vmem>> -> memref<1x125xi32, #tpu.memory_space<vmem>>
      %dma_start3A_293 = tpu.memref_squeeze %dma_start3A_292 : memref<1x125xi32, #tpu.memory_space<vmem>> -> memref<125xi32, #tpu.memory_space<vmem>>
      %dma_start3A_294 = arith.constant 0 : i32
      %dma_start3A_295 = arith.constant 0 : i32
      %dma_start3A_296 = tpu.memref_slice %arg11[%dma_start3A_294, %dma_start3A_295] : memref<10240x16xf32, #tpu.memory_space<vmem_shared>> -> memref<10240x16xf32, #tpu.memory_space<vmem_shared>>
      tpu.enqueue_indirect_dma source(%dma_start3A_290 : memref<125x16xf32, #tpu.memory_space<vmem>>) target(%dma_start3A_296 : memref<10240x16xf32, #tpu.memory_space<vmem_shared>>) offsets(%dma_start3A_293 : memref<125xi32, #tpu.memory_space<vmem>>) semaphore(%arg13 : memref<!tpu.dma_semaphore, #tpu.memory_space<semaphore_mem>>) {add = true}
      %dma_wait3A_297 = arith.constant 7 : i32
      %dma_wait3A_298 = arith.constant 0 : i32
      %dma_wait3A_299 = arith.constant 0 : i32
      %dma_wait3A_300 = tpu.memref_slice %arg9[%dma_wait3A_297, %dma_wait3A_298, %dma_wait3A_299] : memref<8x125x16xf32, #tpu.memory_space<vmem>> -> memref<1x125x16xf32, #tpu.memory_space<vmem>>
      %dma_wait3A_301 = tpu.memref_squeeze %dma_wait3A_300 : memref<1x125x16xf32, #tpu.memory_space<vmem>> -> memref<125x16xf32, #tpu.memory_space<vmem>>
      %dma_wait3A_302 = arith.constant 0 : i32
      %dma_wait3A_303 = tpu.memref_slice %arg7[%add3A_118, %dma_wait3A_302] : memref<80x125xi32, #tpu.memory_space<vmem>> -> memref<1x125xi32, #tpu.memory_space<vmem>>
      %dma_wait3A_304 = tpu.memref_squeeze %dma_wait3A_303 : memref<1x125xi32, #tpu.memory_space<vmem>> -> memref<125xi32, #tpu.memory_space<vmem>>
      %dma_wait3A_305 = arith.constant 0 : i32
      %dma_wait3A_306 = arith.constant 0 : i32
      %dma_wait3A_307 = tpu.memref_slice %arg10[%dma_wait3A_305, %dma_wait3A_306] : memref<10240x16xf32, #tpu.memory_space<vmem_shared>> -> memref<10240x16xf32, #tpu.memory_space<vmem_shared>>
      tpu.wait_indirect_dma semaphore(%arg12 : memref<!tpu.dma_semaphore, #tpu.memory_space<semaphore_mem>>) src(%dma_wait3A_307 : memref<10240x16xf32, #tpu.memory_space<vmem_shared>>) dst(%dma_wait3A_301 : memref<125x16xf32, #tpu.memory_space<vmem>>)
      %add3A_308 = arith.constant 7 : i32
      %add3A_309 = arith.addi %add3A_26, %add3A_308 : i32
      %dma_start3A_310 = arith.constant 7 : i32
      %dma_start3A_311 = arith.constant 0 : i32
      %dma_start3A_312 = arith.constant 0 : i32
      %dma_start3A_313 = tpu.memref_slice %arg9[%dma_start3A_310, %dma_start3A_311, %dma_start3A_312] : memref<8x125x16xf32, #tpu.memory_space<vmem>> -> memref<1x125x16xf32, #tpu.memory_space<vmem>>
      %dma_start3A_314 = tpu.memref_squeeze %dma_start3A_313 : memref<1x125x16xf32, #tpu.memory_space<vmem>> -> memref<125x16xf32, #tpu.memory_space<vmem>>
      %dma_start3A_315 = arith.constant 0 : i32
      %dma_start3A_316 = tpu.memref_slice %arg8[%add3A_309, %dma_start3A_315] : memref<80x125xi32, #tpu.memory_space<vmem>> -> memref<1x125xi32, #tpu.memory_space<vmem>>
      %dma_start3A_317 = tpu.memref_squeeze %dma_start3A_316 : memref<1x125xi32, #tpu.memory_space<vmem>> -> memref<125xi32, #tpu.memory_space<vmem>>
      %dma_start3A_318 = arith.constant 0 : i32
      %dma_start3A_319 = arith.constant 0 : i32
      %dma_start3A_320 = tpu.memref_slice %arg11[%dma_start3A_318, %dma_start3A_319] : memref<10240x16xf32, #tpu.memory_space<vmem_shared>> -> memref<10240x16xf32, #tpu.memory_space<vmem_shared>>
      tpu.enqueue_indirect_dma source(%dma_start3A_314 : memref<125x16xf32, #tpu.memory_space<vmem>>) target(%dma_start3A_320 : memref<10240x16xf32, #tpu.memory_space<vmem_shared>>) offsets(%dma_start3A_317 : memref<125xi32, #tpu.memory_space<vmem>>) semaphore(%arg13 : memref<!tpu.dma_semaphore, #tpu.memory_space<semaphore_mem>>) {add = true}
      %dma_wait3A_321 = arith.constant 0 : i32
      %dma_wait3A_322 = arith.constant 0 : i32
      %dma_wait3A_323 = arith.constant 0 : i32
      %dma_wait3A_324 = tpu.memref_slice %arg9[%dma_wait3A_321, %dma_wait3A_322, %dma_wait3A_323] : memref<8x125x16xf32, #tpu.memory_space<vmem>> -> memref<1x125x16xf32, #tpu.memory_space<vmem>>
      %dma_wait3A_325 = tpu.memref_squeeze %dma_wait3A_324 : memref<1x125x16xf32, #tpu.memory_space<vmem>> -> memref<125x16xf32, #tpu.memory_space<vmem>>
      %dma_wait3A_326 = arith.constant 0 : i32
      %dma_wait3A_327 = tpu.memref_slice %arg8[%add3A_141, %dma_wait3A_326] : memref<80x125xi32, #tpu.memory_space<vmem>> -> memref<1x125xi32, #tpu.memory_space<vmem>>
      %dma_wait3A_328 = tpu.memref_squeeze %dma_wait3A_327 : memref<1x125xi32, #tpu.memory_space<vmem>> -> memref<125xi32, #tpu.memory_space<vmem>>
      %dma_wait3A_329 = arith.constant 0 : i32
      %dma_wait3A_330 = arith.constant 0 : i32
      %dma_wait3A_331 = tpu.memref_slice %arg11[%dma_wait3A_329, %dma_wait3A_330] : memref<10240x16xf32, #tpu.memory_space<vmem_shared>> -> memref<10240x16xf32, #tpu.memory_space<vmem_shared>>
      tpu.wait_indirect_dma semaphore(%arg13 : memref<!tpu.dma_semaphore, #tpu.memory_space<semaphore_mem>>) src(%dma_wait3A_325 : memref<125x16xf32, #tpu.memory_space<vmem>>) dst(%dma_wait3A_331 : memref<10240x16xf32, #tpu.memory_space<vmem_shared>>)
      %dma_wait3A_332 = arith.constant 1 : i32
      %dma_wait3A_333 = arith.constant 0 : i32
      %dma_wait3A_334 = arith.constant 0 : i32
      %dma_wait3A_335 = tpu.memref_slice %arg9[%dma_wait3A_332, %dma_wait3A_333, %dma_wait3A_334] : memref<8x125x16xf32, #tpu.memory_space<vmem>> -> memref<1x125x16xf32, #tpu.memory_space<vmem>>
      %dma_wait3A_336 = tpu.memref_squeeze %dma_wait3A_335 : memref<1x125x16xf32, #tpu.memory_space<vmem>> -> memref<125x16xf32, #tpu.memory_space<vmem>>
      %dma_wait3A_337 = arith.constant 0 : i32
      %dma_wait3A_338 = tpu.memref_slice %arg8[%add3A_165, %dma_wait3A_337] : memref<80x125xi32, #tpu.memory_space<vmem>> -> memref<1x125xi32, #tpu.memory_space<vmem>>
      %dma_wait3A_339 = tpu.memref_squeeze %dma_wait3A_338 : memref<1x125xi32, #tpu.memory_space<vmem>> -> memref<125xi32, #tpu.memory_space<vmem>>
      %dma_wait3A_340 = arith.constant 0 : i32
      %dma_wait3A_341 = arith.constant 0 : i32
      %dma_wait3A_342 = tpu.memref_slice %arg11[%dma_wait3A_340, %dma_wait3A_341] : memref<10240x16xf32, #tpu.memory_space<vmem_shared>> -> memref<10240x16xf32, #tpu.memory_space<vmem_shared>>
      tpu.wait_indirect_dma semaphore(%arg13 : memref<!tpu.dma_semaphore, #tpu.memory_space<semaphore_mem>>) src(%dma_wait3A_336 : memref<125x16xf32, #tpu.memory_space<vmem>>) dst(%dma_wait3A_342 : memref<10240x16xf32, #tpu.memory_space<vmem_shared>>)
      %dma_wait3A_343 = arith.constant 2 : i32
      %dma_wait3A_344 = arith.constant 0 : i32
      %dma_wait3A_345 = arith.constant 0 : i32
      %dma_wait3A_346 = tpu.memref_slice %arg9[%dma_wait3A_343, %dma_wait3A_344, %dma_wait3A_345] : memref<8x125x16xf32, #tpu.memory_space<vmem>> -> memref<1x125x16xf32, #tpu.memory_space<vmem>>
      %dma_wait3A_347 = tpu.memref_squeeze %dma_wait3A_346 : memref<1x125x16xf32, #tpu.memory_space<vmem>> -> memref<125x16xf32, #tpu.memory_space<vmem>>
      %dma_wait3A_348 = arith.constant 0 : i32
      %dma_wait3A_349 = tpu.memref_slice %arg8[%add3A_189, %dma_wait3A_348] : memref<80x125xi32, #tpu.memory_space<vmem>> -> memref<1x125xi32, #tpu.memory_space<vmem>>
      %dma_wait3A_350 = tpu.memref_squeeze %dma_wait3A_349 : memref<1x125xi32, #tpu.memory_space<vmem>> -> memref<125xi32, #tpu.memory_space<vmem>>
      %dma_wait3A_351 = arith.constant 0 : i32
      %dma_wait3A_352 = arith.constant 0 : i32
      %dma_wait3A_353 = tpu.memref_slice %arg11[%dma_wait3A_351, %dma_wait3A_352] : memref<10240x16xf32, #tpu.memory_space<vmem_shared>> -> memref<10240x16xf32, #tpu.memory_space<vmem_shared>>
      tpu.wait_indirect_dma semaphore(%arg13 : memref<!tpu.dma_semaphore, #tpu.memory_space<semaphore_mem>>) src(%dma_wait3A_347 : memref<125x16xf32, #tpu.memory_space<vmem>>) dst(%dma_wait3A_353 : memref<10240x16xf32, #tpu.memory_space<vmem_shared>>)
      %dma_wait3A_354 = arith.constant 3 : i32
      %dma_wait3A_355 = arith.constant 0 : i32
      %dma_wait3A_356 = arith.constant 0 : i32
      %dma_wait3A_357 = tpu.memref_slice %arg9[%dma_wait3A_354, %dma_wait3A_355, %dma_wait3A_356] : memref<8x125x16xf32, #tpu.memory_space<vmem>> -> memref<1x125x16xf32, #tpu.memory_space<vmem>>
      %dma_wait3A_358 = tpu.memref_squeeze %dma_wait3A_357 : memref<1x125x16xf32, #tpu.memory_space<vmem>> -> memref<125x16xf32, #tpu.memory_space<vmem>>
      %dma_wait3A_359 = arith.constant 0 : i32
      %dma_wait3A_360 = tpu.memref_slice %arg8[%add3A_213, %dma_wait3A_359] : memref<80x125xi32, #tpu.memory_space<vmem>> -> memref<1x125xi32, #tpu.memory_space<vmem>>
      %dma_wait3A_361 = tpu.memref_squeeze %dma_wait3A_360 : memref<1x125xi32, #tpu.memory_space<vmem>> -> memref<125xi32, #tpu.memory_space<vmem>>
      %dma_wait3A_362 = arith.constant 0 : i32
      %dma_wait3A_363 = arith.constant 0 : i32
      %dma_wait3A_364 = tpu.memref_slice %arg11[%dma_wait3A_362, %dma_wait3A_363] : memref<10240x16xf32, #tpu.memory_space<vmem_shared>> -> memref<10240x16xf32, #tpu.memory_space<vmem_shared>>
      tpu.wait_indirect_dma semaphore(%arg13 : memref<!tpu.dma_semaphore, #tpu.memory_space<semaphore_mem>>) src(%dma_wait3A_358 : memref<125x16xf32, #tpu.memory_space<vmem>>) dst(%dma_wait3A_364 : memref<10240x16xf32, #tpu.memory_space<vmem_shared>>)
      %dma_wait3A_365 = arith.constant 4 : i32
      %dma_wait3A_366 = arith.constant 0 : i32
      %dma_wait3A_367 = arith.constant 0 : i32
      %dma_wait3A_368 = tpu.memref_slice %arg9[%dma_wait3A_365, %dma_wait3A_366, %dma_wait3A_367] : memref<8x125x16xf32, #tpu.memory_space<vmem>> -> memref<1x125x16xf32, #tpu.memory_space<vmem>>
      %dma_wait3A_369 = tpu.memref_squeeze %dma_wait3A_368 : memref<1x125x16xf32, #tpu.memory_space<vmem>> -> memref<125x16xf32, #tpu.memory_space<vmem>>
      %dma_wait3A_370 = arith.constant 0 : i32
      %dma_wait3A_371 = tpu.memref_slice %arg8[%add3A_237, %dma_wait3A_370] : memref<80x125xi32, #tpu.memory_space<vmem>> -> memref<1x125xi32, #tpu.memory_space<vmem>>
      %dma_wait3A_372 = tpu.memref_squeeze %dma_wait3A_371 : memref<1x125xi32, #tpu.memory_space<vmem>> -> memref<125xi32, #tpu.memory_space<vmem>>
      %dma_wait3A_373 = arith.constant 0 : i32
      %dma_wait3A_374 = arith.constant 0 : i32
      %dma_wait3A_375 = tpu.memref_slice %arg11[%dma_wait3A_373, %dma_wait3A_374] : memref<10240x16xf32, #tpu.memory_space<vmem_shared>> -> memref<10240x16xf32, #tpu.memory_space<vmem_shared>>
      tpu.wait_indirect_dma semaphore(%arg13 : memref<!tpu.dma_semaphore, #tpu.memory_space<semaphore_mem>>) src(%dma_wait3A_369 : memref<125x16xf32, #tpu.memory_space<vmem>>) dst(%dma_wait3A_375 : memref<10240x16xf32, #tpu.memory_space<vmem_shared>>)
      %dma_wait3A_376 = arith.constant 5 : i32
      %dma_wait3A_377 = arith.constant 0 : i32
      %dma_wait3A_378 = arith.constant 0 : i32
      %dma_wait3A_379 = tpu.memref_slice %arg9[%dma_wait3A_376, %dma_wait3A_377, %dma_wait3A_378] : memref<8x125x16xf32, #tpu.memory_space<vmem>> -> memref<1x125x16xf32, #tpu.memory_space<vmem>>
      %dma_wait3A_380 = tpu.memref_squeeze %dma_wait3A_379 : memref<1x125x16xf32, #tpu.memory_space<vmem>> -> memref<125x16xf32, #tpu.memory_space<vmem>>
      %dma_wait3A_381 = arith.constant 0 : i32
      %dma_wait3A_382 = tpu.memref_slice %arg8[%add3A_261, %dma_wait3A_381] : memref<80x125xi32, #tpu.memory_space<vmem>> -> memref<1x125xi32, #tpu.memory_space<vmem>>
      %dma_wait3A_383 = tpu.memref_squeeze %dma_wait3A_382 : memref<1x125xi32, #tpu.memory_space<vmem>> -> memref<125xi32, #tpu.memory_space<vmem>>
      %dma_wait3A_384 = arith.constant 0 : i32
      %dma_wait3A_385 = arith.constant 0 : i32
      %dma_wait3A_386 = tpu.memref_slice %arg11[%dma_wait3A_384, %dma_wait3A_385] : memref<10240x16xf32, #tpu.memory_space<vmem_shared>> -> memref<10240x16xf32, #tpu.memory_space<vmem_shared>>
      tpu.wait_indirect_dma semaphore(%arg13 : memref<!tpu.dma_semaphore, #tpu.memory_space<semaphore_mem>>) src(%dma_wait3A_380 : memref<125x16xf32, #tpu.memory_space<vmem>>) dst(%dma_wait3A_386 : memref<10240x16xf32, #tpu.memory_space<vmem_shared>>)
      %dma_wait3A_387 = arith.constant 6 : i32
      %dma_wait3A_388 = arith.constant 0 : i32
      %dma_wait3A_389 = arith.constant 0 : i32
      %dma_wait3A_390 = tpu.memref_slice %arg9[%dma_wait3A_387, %dma_wait3A_388, %dma_wait3A_389] : memref<8x125x16xf32, #tpu.memory_space<vmem>> -> memref<1x125x16xf32, #tpu.memory_space<vmem>>
      %dma_wait3A_391 = tpu.memref_squeeze %dma_wait3A_390 : memref<1x125x16xf32, #tpu.memory_space<vmem>> -> memref<125x16xf32, #tpu.memory_space<vmem>>
      %dma_wait3A_392 = arith.constant 0 : i32
      %dma_wait3A_393 = tpu.memref_slice %arg8[%add3A_285, %dma_wait3A_392] : memref<80x125xi32, #tpu.memory_space<vmem>> -> memref<1x125xi32, #tpu.memory_space<vmem>>
      %dma_wait3A_394 = tpu.memref_squeeze %dma_wait3A_393 : memref<1x125xi32, #tpu.memory_space<vmem>> -> memref<125xi32, #tpu.memory_space<vmem>>
      %dma_wait3A_395 = arith.constant 0 : i32
      %dma_wait3A_396 = arith.constant 0 : i32
      %dma_wait3A_397 = tpu.memref_slice %arg11[%dma_wait3A_395, %dma_wait3A_396] : memref<10240x16xf32, #tpu.memory_space<vmem_shared>> -> memref<10240x16xf32, #tpu.memory_space<vmem_shared>>
      tpu.wait_indirect_dma semaphore(%arg13 : memref<!tpu.dma_semaphore, #tpu.memory_space<semaphore_mem>>) src(%dma_wait3A_391 : memref<125x16xf32, #tpu.memory_space<vmem>>) dst(%dma_wait3A_397 : memref<10240x16xf32, #tpu.memory_space<vmem_shared>>)
      %dma_wait3A_398 = arith.constant 7 : i32
      %dma_wait3A_399 = arith.constant 0 : i32
      %dma_wait3A_400 = arith.constant 0 : i32
      %dma_wait3A_401 = tpu.memref_slice %arg9[%dma_wait3A_398, %dma_wait3A_399, %dma_wait3A_400] : memref<8x125x16xf32, #tpu.memory_space<vmem>> -> memref<1x125x16xf32, #tpu.memory_space<vmem>>
      %dma_wait3A_402 = tpu.memref_squeeze %dma_wait3A_401 : memref<1x125x16xf32, #tpu.memory_space<vmem>> -> memref<125x16xf32, #tpu.memory_space<vmem>>
      %dma_wait3A_403 = arith.constant 0 : i32
      %dma_wait3A_404 = tpu.memref_slice %arg8[%add3A_309, %dma_wait3A_403] : memref<80x125xi32, #tpu.memory_space<vmem>> -> memref<1x125xi32, #tpu.memory_space<vmem>>
      %dma_wait3A_405 = tpu.memref_squeeze %dma_wait3A_404 : memref<1x125xi32, #tpu.memory_space<vmem>> -> memref<125xi32, #tpu.memory_space<vmem>>
      %dma_wait3A_406 = arith.constant 0 : i32
      %dma_wait3A_407 = arith.constant 0 : i32
      %dma_wait3A_408 = tpu.memref_slice %arg11[%dma_wait3A_406, %dma_wait3A_407] : memref<10240x16xf32, #tpu.memory_space<vmem_shared>> -> memref<10240x16xf32, #tpu.memory_space<vmem_shared>>
      tpu.wait_indirect_dma semaphore(%arg13 : memref<!tpu.dma_semaphore, #tpu.memory_space<semaphore_mem>>) src(%dma_wait3A_402 : memref<125x16xf32, #tpu.memory_space<vmem>>) dst(%dma_wait3A_408 : memref<10240x16xf32, #tpu.memory_space<vmem_shared>>)
    }
    %scan3A_16 = arith.constant 10 : i32
    %barrier3A_17 = arith.constant 0 : index
    tpu.barrier barrier_id(%barrier3A_17)
    %mul3A_18 = arith.constant 640 : i32
    %mul3A_19 = arith.muli %arg1, %mul3A_18 : i32
    %mul3A_20 = arith.constant 640 : i32
    %mul3A_21 = arith.muli %arg1, %mul3A_20 : i32
    "tpu.region"() ({
      %run_scoped3A = tpu.sem_alloc : memref<!tpu.dma_semaphore, #tpu.memory_space<semaphore_mem>>
      %dma_start3A = arith.constant 0 : i32
      %dma_start3A_22 = tpu.memref_slice %arg6[%arg0, %mul3A_21, %dma_start3A] : memref<2x10240x16xf32, #tpu.memory_space<hbm>> -> memref<1x640x16xf32, #tpu.memory_space<hbm>>
      %dma_start3A_23 = tpu.memref_squeeze %dma_start3A_22 : memref<1x640x16xf32, #tpu.memory_space<hbm>> -> memref<640x16xf32, #tpu.memory_space<hbm>>
      %dma_start3A_24 = arith.constant 0 : i32
      %dma_start3A_25 = tpu.memref_slice %arg11[%mul3A_19, %dma_start3A_24] : memref<10240x16xf32, #tpu.memory_space<vmem_shared>> -> memref<640x16xf32, #tpu.memory_space<vmem_shared>>
      tpu.enqueue_dma source(%dma_start3A_25 : memref<640x16xf32, #tpu.memory_space<vmem_shared>>) target(%dma_start3A_23 : memref<640x16xf32, #tpu.memory_space<hbm>>) target_semaphore(%run_scoped3A : memref<!tpu.dma_semaphore, #tpu.memory_space<semaphore_mem>>)
      %dma_wait3A = arith.constant 0 : i32
      %dma_wait3A_26 = tpu.memref_slice %arg6[%arg0, %mul3A_21, %dma_wait3A] : memref<2x10240x16xf32, #tpu.memory_space<hbm>> -> memref<1x640x16xf32, #tpu.memory_space<hbm>>
      %dma_wait3A_27 = tpu.memref_squeeze %dma_wait3A_26 : memref<1x640x16xf32, #tpu.memory_space<hbm>> -> memref<640x16xf32, #tpu.memory_space<hbm>>
      %dma_wait3A_28 = arith.constant 0 : i32
      %dma_wait3A_29 = tpu.memref_slice %arg11[%mul3A_19, %dma_wait3A_28] : memref<10240x16xf32, #tpu.memory_space<vmem_shared>> -> memref<640x16xf32, #tpu.memory_space<vmem_shared>>
      tpu.wait_dma2 semaphore(%run_scoped3A : memref<!tpu.dma_semaphore, #tpu.memory_space<semaphore_mem>>) src(%dma_wait3A_29 : memref<640x16xf32, #tpu.memory_space<vmem_shared>>) dst(%dma_wait3A_27 : memref<640x16xf32, #tpu.memory_space<hbm>>)
      tpu.yield
    }) : () -> ()
    return
  }
}

module attributes {stable_mosaic.version = 14 : i64} {
  func.func @_mm1_body(%arg0: i32, %arg1: memref<256x1024xf32, #tpu.memory_space<vmem>>, %arg2: memref<1024x128xf32, #tpu.memory_space<vmem>>, %arg3: memref<256x128xf32, #tpu.memory_space<vmem>>) attributes {dimension_semantics = [#tpu.dimension_semantics<arbitrary>], iteration_bounds = array<i64: 5>, scalar_prefetch = 0 : i64, scratch_operands = 0 : i64, tpu.core_type = #tpu.core_type<tc>, window_params = [{transform_indices = @transform_0, window_bounds = array<i64: 256, 1024>}, {pipeline_mode = #tpu.pipeline_mode<synchronous>, transform_indices = @transform_1, window_bounds = array<i64: 1024, 128>}, {transform_indices = @transform_2, window_bounds = array<i64: 256, 128>}]} {
    %get3A = arith.constant 0 : index
    %get3A_0 = arith.constant 0 : index
    %get3A_1 = vector.load %arg1[%get3A, %get3A_0] : memref<256x1024xf32, #tpu.memory_space<vmem>>, vector<256x1024xf32>
    %get3A_2 = arith.constant 0 : index
    %get3A_3 = arith.constant 0 : index
    %get3A_4 = vector.load %arg2[%get3A_2, %get3A_3] : memref<1024x128xf32, #tpu.memory_space<vmem>>, vector<1024x128xf32>
    %dot_general3A = arith.constant dense<0.000000e+00> : vector<256x128xf32>
    %dot_general3A_5 = tpu.matmul %get3A_1, %get3A_4, %dot_general3A {dimension_numbers = #tpu.dot_dimension_numbers<[1], [0], [0], [1], [0, 0, 1, 1], [], []>, transpose_lhs_hint = false} : vector<256x1024xf32>, vector<1024x128xf32>, vector<256x128xf32> -> vector<256x128xf32>
    %swap3A = arith.constant 0 : index
    %swap3A_6 = arith.constant 0 : index
    %swap3A_7 = vector.load %arg3[%swap3A, %swap3A_6] : memref<256x128xf32, #tpu.memory_space<vmem>>, vector<256x128xf32>
    tpu.vector_store %arg3[%swap3A, %swap3A_6], %dot_general3A_5 {strides = array<i32>} : memref<256x128xf32, #tpu.memory_space<vmem>>, vector<256x128xf32>,
    return
  }
  func.func @transform_0(%arg0: i32) -> (i32, i32) {
    %c0_i32 = arith.constant 0 : i32
    %c0_i32_0 = arith.constant 0 : i32
    return %arg0, %c0_i32 : i32, i32
  }
  func.func @transform_1(%arg0: i32) -> (i32, i32) {
    %c0_i32 = arith.constant 0 : i32
    %c0_i32_0 = arith.constant 0 : i32
    %c0_i32_1 = arith.constant 0 : i32
    return %c0_i32, %c0_i32_0 : i32, i32
  }
  func.func @transform_2(%arg0: i32) -> (i32, i32) {
    %c0_i32 = arith.constant 0 : i32
    %c0_i32_0 = arith.constant 0 : i32
    return %arg0, %c0_i32 : i32, i32
  }
}

module attributes {stable_mosaic.version = 14 : i64} {
  func.func @_scale_body(%arg0: i32, %arg1: memref<2x256x128xf32, #tpu.memory_space<vmem>>, %arg2: memref<256x128xf32, #tpu.memory_space<vmem>>, %arg3: memref<256x128xf32, #tpu.memory_space<vmem>>, %arg4: memref<256x128xf32, #tpu.memory_space<vmem>>) attributes {dimension_semantics = [#tpu.dimension_semantics<arbitrary>], iteration_bounds = array<i64: 5>, scalar_prefetch = 0 : i64, scratch_operands = 0 : i64, tpu.core_type = #tpu.core_type<tc>, window_params = [{transform_indices = @transform_0, window_bounds = array<i64: 2, 256, 128>}, {transform_indices = @transform_1, window_bounds = array<i64: 256, 128>}, {transform_indices = @transform_2, window_bounds = array<i64: 256, 128>}, {transform_indices = @transform_3, window_bounds = array<i64: 256, 128>}]} {
    %get3A = arith.constant 0 : index
    %get3A_0 = arith.constant 0 : index
    %get3A_1 = arith.constant 0 : index
    %get3A_2 = vector.load %arg1[%get3A, %get3A_0, %get3A_1] : memref<2x256x128xf32, #tpu.memory_space<vmem>>, vector<1x256x128xf32>
    %get3A_3 = vector.shape_cast %get3A_2 : vector<1x256x128xf32> to vector<256x128xf32>
    %get3A_4 = arith.constant 1 : index
    %get3A_5 = arith.constant 0 : index
    %get3A_6 = arith.constant 0 : index
    %get3A_7 = vector.load %arg1[%get3A_4, %get3A_5, %get3A_6] : memref<2x256x128xf32, #tpu.memory_space<vmem>>, vector<1x256x128xf32>
    %get3A_8 = vector.shape_cast %get3A_7 : vector<1x256x128xf32> to vector<256x128xf32>
    %add3A = arith.addf %get3A_3, %get3A_8 : vector<256x128xf32>
    %add3A_9 = arith.constant 1.000000e+00 : f32
    %add3A_10 = vector.broadcast %add3A_9 : f32 to vector<256x128xf32>
    %add3A_11 = arith.addf %add3A, %add3A_10 : vector<256x128xf32>
    %rsqrt3A = math.rsqrt %add3A_11 : vector<256x128xf32>
    %swap3A = arith.constant 0 : index
    %swap3A_12 = arith.constant 0 : index
    %swap3A_13 = vector.load %arg3[%swap3A, %swap3A_12] : memref<256x128xf32, #tpu.memory_space<vmem>>, vector<256x128xf32>
    tpu.vector_store %arg3[%swap3A, %swap3A_12], %rsqrt3A {strides = array<i32>} : memref<256x128xf32, #tpu.memory_space<vmem>>, vector<256x128xf32>,
    %get3A_14 = arith.constant 0 : index
    %get3A_15 = arith.constant 0 : index
    %get3A_16 = vector.load %arg2[%get3A_14, %get3A_15] : memref<256x128xf32, #tpu.memory_space<vmem>>, vector<256x128xf32>
    %mul3A = arith.mulf %get3A_16, %rsqrt3A : vector<256x128xf32>
    %swap3A_17 = arith.constant 0 : index
    %swap3A_18 = arith.constant 0 : index
    %swap3A_19 = vector.load %arg4[%swap3A_17, %swap3A_18] : memref<256x128xf32, #tpu.memory_space<vmem>>, vector<256x128xf32>
    tpu.vector_store %arg4[%swap3A_17, %swap3A_18], %mul3A {strides = array<i32>} : memref<256x128xf32, #tpu.memory_space<vmem>>, vector<256x128xf32>,
    return
  }
  func.func @transform_0(%arg0: i32) -> (i32, i32, i32) {
    %c0_i32 = arith.constant 0 : i32
    %c0_i32_0 = arith.constant 0 : i32
    %c0_i32_1 = arith.constant 0 : i32
    return %c0_i32, %arg0, %c0_i32_0 : i32, i32, i32
  }
  func.func @transform_1(%arg0: i32) -> (i32, i32) {
    %c0_i32 = arith.constant 0 : i32
    %c0_i32_0 = arith.constant 0 : i32
    return %arg0, %c0_i32 : i32, i32
  }
  func.func @transform_2(%arg0: i32) -> (i32, i32) {
    %c0_i32 = arith.constant 0 : i32
    %c0_i32_0 = arith.constant 0 : i32
    return %arg0, %c0_i32 : i32, i32
  }
  func.func @transform_3(%arg0: i32) -> (i32, i32) {
    %c0_i32 = arith.constant 0 : i32
    %c0_i32_0 = arith.constant 0 : i32
    return %arg0, %c0_i32 : i32, i32
  }
}

module attributes {stable_mosaic.version = 14 : i64} {
  func.func @_layer1_body(%arg0: i32, %arg1: memref<2x256x128xf32, #tpu.memory_space<vmem>>, %arg2: memref<256x128xf32, #tpu.memory_space<vmem>>, %arg3: memref<256x128xf32, #tpu.memory_space<vmem>>, %arg4: memref<1x128xf32, #tpu.memory_space<vmem>>, %arg5: memref<256x128xf32, #tpu.memory_space<vmem>>) attributes {dimension_semantics = [#tpu.dimension_semantics<arbitrary>], iteration_bounds = array<i64: 5>, scalar_prefetch = 0 : i64, scratch_operands = 0 : i64, tpu.core_type = #tpu.core_type<tc>, window_params = [{transform_indices = @transform_0, window_bounds = array<i64: 2, 256, 128>}, {transform_indices = @transform_1, window_bounds = array<i64: 256, 128>}, {transform_indices = @transform_2, window_bounds = array<i64: 256, 128>}, {pipeline_mode = #tpu.pipeline_mode<synchronous>, transform_indices = @transform_3, window_bounds = array<i64: 1, 128>}, {transform_indices = @transform_4, window_bounds = array<i64: 256, 128>}]} {
    %get3A = arith.constant 0 : index
    %get3A_0 = arith.constant 0 : index
    %get3A_1 = vector.load %arg3[%get3A, %get3A_0] : memref<256x128xf32, #tpu.memory_space<vmem>>, vector<256x128xf32>
    %get3A_2 = arith.constant 0 : index
    %get3A_3 = arith.constant 0 : index
    %get3A_4 = arith.constant 0 : index
    %get3A_5 = vector.load %arg1[%get3A_2, %get3A_3, %get3A_4] : memref<2x256x128xf32, #tpu.memory_space<vmem>>, vector<1x256x128xf32>
    %get3A_6 = vector.shape_cast %get3A_5 : vector<1x256x128xf32> to vector<256x128xf32>
    %get3A_7 = arith.constant 1 : index
    %get3A_8 = arith.constant 0 : index
    %get3A_9 = arith.constant 0 : index
    %get3A_10 = vector.load %arg1[%get3A_7, %get3A_8, %get3A_9] : memref<2x256x128xf32, #tpu.memory_space<vmem>>, vector<1x256x128xf32>
    %get3A_11 = vector.shape_cast %get3A_10 : vector<1x256x128xf32> to vector<256x128xf32>
    %add3A = arith.addf %get3A_6, %get3A_11 : vector<256x128xf32>
    %get3A_12 = arith.constant 0 : index
    %get3A_13 = arith.constant 0 : index
    %get3A_14 = vector.load %arg2[%get3A_12, %get3A_13] : memref<256x128xf32, #tpu.memory_space<vmem>>, vector<256x128xf32>
    %add3A_15 = arith.addf %add3A, %get3A_14 : vector<256x128xf32>
    %mul3A = arith.mulf %get3A_1, %add3A_15 : vector<256x128xf32>
    %get3A_16 = arith.constant 0 : index
    %get3A_17 = arith.constant 0 : index
    %get3A_18 = vector.load %arg4[%get3A_16, %get3A_17] : memref<1x128xf32, #tpu.memory_space<vmem>>, vector<1x128xf32>
    %add3A_19 = vector.broadcast %get3A_18 : vector<1x128xf32> to vector<256x128xf32>
    %add3A_20 = arith.addf %mul3A, %add3A_19 : vector<256x128xf32>
    %max3A = arith.constant 0.000000e+00 : f32
    %max3A_21 = vector.broadcast %max3A : f32 to vector<256x128xf32>
    %max3A_22 = arith.maximumf %add3A_20, %max3A_21 : vector<256x128xf32>
    %mul3A_23 = arith.mulf %get3A_1, %max3A_22 : vector<256x128xf32>
    %swap3A = arith.constant 0 : index
    %swap3A_24 = arith.constant 0 : index
    %swap3A_25 = vector.load %arg5[%swap3A, %swap3A_24] : memref<256x128xf32, #tpu.memory_space<vmem>>, vector<256x128xf32>
    tpu.vector_store %arg5[%swap3A, %swap3A_24], %mul3A_23 {strides = array<i32>} : memref<256x128xf32, #tpu.memory_space<vmem>>, vector<256x128xf32>,
    return
  }
  func.func @transform_0(%arg0: i32) -> (i32, i32, i32) {
    %c0_i32 = arith.constant 0 : i32
    %c0_i32_0 = arith.constant 0 : i32
    %c0_i32_1 = arith.constant 0 : i32
    return %c0_i32, %arg0, %c0_i32_0 : i32, i32, i32
  }
  func.func @transform_1(%arg0: i32) -> (i32, i32) {
    %c0_i32 = arith.constant 0 : i32
    %c0_i32_0 = arith.constant 0 : i32
    return %arg0, %c0_i32 : i32, i32
  }
  func.func @transform_2(%arg0: i32) -> (i32, i32) {
    %c0_i32 = arith.constant 0 : i32
    %c0_i32_0 = arith.constant 0 : i32
    return %arg0, %c0_i32 : i32, i32
  }
  func.func @transform_3(%arg0: i32) -> (i32, i32) {
    %c0_i32 = arith.constant 0 : i32
    %c0_i32_0 = arith.constant 0 : i32
    %c0_i32_1 = arith.constant 0 : i32
    return %c0_i32, %c0_i32_0 : i32, i32
  }
  func.func @transform_4(%arg0: i32) -> (i32, i32) {
    %c0_i32 = arith.constant 0 : i32
    %c0_i32_0 = arith.constant 0 : i32
    return %arg0, %c0_i32 : i32, i32
  }
}

module attributes {stable_mosaic.version = 14 : i64} {
  func.func @_layer2_body(%arg0: i32, %arg1: memref<2x256x128xf32, #tpu.memory_space<vmem>>, %arg2: memref<256x128xf32, #tpu.memory_space<vmem>>, %arg3: memref<256x128xf32, #tpu.memory_space<vmem>>, %arg4: memref<128x16xf32, #tpu.memory_space<vmem>>, %arg5: memref<1x16xf32, #tpu.memory_space<vmem>>, %arg6: memref<16x16xf32, #tpu.memory_space<vmem>>, %arg7: memref<16x16xf32, #tpu.memory_space<vmem>>, %arg8: memref<256x16xf32, #tpu.memory_space<vmem>>) attributes {dimension_semantics = [#tpu.dimension_semantics<arbitrary>], iteration_bounds = array<i64: 5>, scalar_prefetch = 0 : i64, scratch_operands = 0 : i64, tpu.core_type = #tpu.core_type<tc>, window_params = [{transform_indices = @transform_0, window_bounds = array<i64: 2, 256, 128>}, {transform_indices = @transform_1, window_bounds = array<i64: 256, 128>}, {transform_indices = @transform_2, window_bounds = array<i64: 256, 128>}, {pipeline_mode = #tpu.pipeline_mode<synchronous>, transform_indices = @transform_3, window_bounds = array<i64: 128, 16>}, {pipeline_mode = #tpu.pipeline_mode<synchronous>, transform_indices = @transform_4, window_bounds = array<i64: 1, 16>}, {pipeline_mode = #tpu.pipeline_mode<synchronous>, transform_indices = @transform_5, window_bounds = array<i64: 16, 16>}, {pipeline_mode = #tpu.pipeline_mode<synchronous>, transform_indices = @transform_6, window_bounds = array<i64: 16, 16>}, {transform_indices = @transform_7, window_bounds = array<i64: 256, 16>}]} {
    %get3A = arith.constant 0 : index
    %get3A_0 = arith.constant 0 : index
    %get3A_1 = vector.load %arg3[%get3A, %get3A_0] : memref<256x128xf32, #tpu.memory_space<vmem>>, vector<256x128xf32>
    %get3A_2 = arith.constant 0 : index
    %get3A_3 = arith.constant 0 : index
    %get3A_4 = arith.constant 0 : index
    %get3A_5 = vector.load %arg1[%get3A_2, %get3A_3, %get3A_4] : memref<2x256x128xf32, #tpu.memory_space<vmem>>, vector<1x256x128xf32>
    %get3A_6 = vector.shape_cast %get3A_5 : vector<1x256x128xf32> to vector<256x128xf32>
    %get3A_7 = arith.constant 1 : index
    %get3A_8 = arith.constant 0 : index
    %get3A_9 = arith.constant 0 : index
    %get3A_10 = vector.load %arg1[%get3A_7, %get3A_8, %get3A_9] : memref<2x256x128xf32, #tpu.memory_space<vmem>>, vector<1x256x128xf32>
    %get3A_11 = vector.shape_cast %get3A_10 : vector<1x256x128xf32> to vector<256x128xf32>
    %add3A = arith.addf %get3A_6, %get3A_11 : vector<256x128xf32>
    %get3A_12 = arith.constant 0 : index
    %get3A_13 = arith.constant 0 : index
    %get3A_14 = vector.load %arg2[%get3A_12, %get3A_13] : memref<256x128xf32, #tpu.memory_space<vmem>>, vector<256x128xf32>
    %add3A_15 = arith.addf %add3A, %get3A_14 : vector<256x128xf32>
    %mul3A = arith.mulf %get3A_1, %add3A_15 : vector<256x128xf32>
    %get3A_16 = arith.constant 0 : index
    %get3A_17 = arith.constant 0 : index
    %get3A_18 = vector.load %arg4[%get3A_16, %get3A_17] : memref<128x16xf32, #tpu.memory_space<vmem>>, vector<128x16xf32>
    %dot_general3A = arith.constant dense<0.000000e+00> : vector<256x16xf32>
    %dot_general3A_19 = tpu.matmul %mul3A, %get3A_18, %dot_general3A {dimension_numbers = #tpu.dot_dimension_numbers<[1], [0], [0], [1], [0, 0, 1, 1], [], []>, transpose_lhs_hint = false} : vector<256x128xf32>, vector<128x16xf32>, vector<256x16xf32> -> vector<256x16xf32>
    %get3A_20 = arith.constant 0 : index
    %get3A_21 = arith.constant 0 : index
    %get3A_22 = vector.load %arg5[%get3A_20, %get3A_21] : memref<1x16xf32, #tpu.memory_space<vmem>>, vector<1x16xf32>
    %add3A_23 = vector.broadcast %get3A_22 : vector<1x16xf32> to vector<256x16xf32>
    %add3A_24 = arith.addf %dot_general3A_19, %add3A_23 : vector<256x16xf32>
    %get3A_25 = arith.constant 0 : index
    %get3A_26 = arith.constant 0 : index
    %get3A_27 = vector.load %arg6[%get3A_25, %get3A_26] : memref<16x16xf32, #tpu.memory_space<vmem>>, vector<16x16xf32>
    %dot_general3A_28 = arith.constant dense<0.000000e+00> : vector<256x16xf32>
    %dot_general3A_29 = tpu.matmul %add3A_24, %get3A_27, %dot_general3A_28 {dimension_numbers = #tpu.dot_dimension_numbers<[1], [0], [0], [1], [0, 0, 1, 1], [], []>, transpose_lhs_hint = false} : vector<256x16xf32>, vector<16x16xf32>, vector<256x16xf32> -> vector<256x16xf32>
    %get3A_30 = arith.constant 0 : index
    %get3A_31 = arith.constant 0 : index
    %get3A_32 = vector.load %arg7[%get3A_30, %get3A_31] : memref<16x16xf32, #tpu.memory_space<vmem>>, vector<16x16xf32>
    %dot_general3A_33 = arith.constant dense<0.000000e+00> : vector<256x16xf32>
    %dot_general3A_34 = tpu.matmul %add3A_24, %get3A_32, %dot_general3A_33 {dimension_numbers = #tpu.dot_dimension_numbers<[1], [0], [0], [1], [0, 0, 1, 1], [], []>, transpose_lhs_hint = false} : vector<256x16xf32>, vector<16x16xf32>, vector<256x16xf32> -> vector<256x16xf32>
    %abs3A = math.absf %dot_general3A_34 : vector<256x16xf32>
    %add3A_35 = arith.addf %dot_general3A_29, %abs3A : vector<256x16xf32>
    %mul3A_36 = arith.constant 5.000000e-01 : f32
    %mul3A_37 = vector.broadcast %mul3A_36 : f32 to vector<256x16xf32>
    %mul3A_38 = arith.mulf %mul3A_37, %add3A_35 : vector<256x16xf32>
    %sub3A = arith.subf %add3A_24, %mul3A_38 : vector<256x16xf32>
    %exp3A = math.exp %sub3A : vector<256x16xf32>
    %get3A_39 = arith.constant 0 : index
    %get3A_40 = arith.constant 0 : index
    %get3A_41 = vector.load %arg6[%get3A_39, %get3A_40] : memref<16x16xf32, #tpu.memory_space<vmem>>, vector<16x16xf32>
    %dot_general3A_42 = arith.constant dense<0.000000e+00> : vector<256x16xf32>
    %dot_general3A_43 = tpu.matmul %exp3A, %get3A_41, %dot_general3A_42 {dimension_numbers = #tpu.dot_dimension_numbers<[1], [0], [0], [1], [0, 0, 1, 1], [], []>, transpose_lhs_hint = false} : vector<256x16xf32>, vector<16x16xf32>, vector<256x16xf32> -> vector<256x16xf32>
    %log3A = math.log %dot_general3A_43 : vector<256x16xf32>
    %add3A_44 = arith.addf %mul3A_38, %log3A : vector<256x16xf32>
    %sub3A_45 = arith.subf %add3A_24, %add3A_44 : vector<256x16xf32>
    %swap3A = arith.constant 0 : index
    %swap3A_46 = arith.constant 0 : index
    %swap3A_47 = vector.load %arg8[%swap3A, %swap3A_46] : memref<256x16xf32, #tpu.memory_space<vmem>>, vector<256x16xf32>
    tpu.vector_store %arg8[%swap3A, %swap3A_46], %sub3A_45 {strides = array<i32>} : memref<256x16xf32, #tpu.memory_space<vmem>>, vector<256x16xf32>,
    return
  }
  func.func @transform_0(%arg0: i32) -> (i32, i32, i32) {
    %c0_i32 = arith.constant 0 : i32
    %c0_i32_0 = arith.constant 0 : i32
    %c0_i32_1 = arith.constant 0 : i32
    return %c0_i32, %arg0, %c0_i32_0 : i32, i32, i32
  }
  func.func @transform_1(%arg0: i32) -> (i32, i32) {
    %c0_i32 = arith.constant 0 : i32
    %c0_i32_0 = arith.constant 0 : i32
    return %arg0, %c0_i32 : i32, i32
  }
  func.func @transform_2(%arg0: i32) -> (i32, i32) {
    %c0_i32 = arith.constant 0 : i32
    %c0_i32_0 = arith.constant 0 : i32
    return %arg0, %c0_i32 : i32, i32
  }
  func.func @transform_3(%arg0: i32) -> (i32, i32) {
    %c0_i32 = arith.constant 0 : i32
    %c0_i32_0 = arith.constant 0 : i32
    %c0_i32_1 = arith.constant 0 : i32
    return %c0_i32, %c0_i32_0 : i32, i32
  }
  func.func @transform_4(%arg0: i32) -> (i32, i32) {
    %c0_i32 = arith.constant 0 : i32
    %c0_i32_0 = arith.constant 0 : i32
    %c0_i32_1 = arith.constant 0 : i32
    return %c0_i32, %c0_i32_0 : i32, i32
  }
  func.func @transform_5(%arg0: i32) -> (i32, i32) {
    %c0_i32 = arith.constant 0 : i32
    %c0_i32_0 = arith.constant 0 : i32
    %c0_i32_1 = arith.constant 0 : i32
    return %c0_i32, %c0_i32_0 : i32, i32
  }
  func.func @transform_6(%arg0: i32) -> (i32, i32) {
    %c0_i32 = arith.constant 0 : i32
    %c0_i32_0 = arith.constant 0 : i32
    %c0_i32_1 = arith.constant 0 : i32
    return %c0_i32, %c0_i32_0 : i32, i32
  }
  func.func @transform_7(%arg0: i32) -> (i32, i32) {
    %c0_i32 = arith.constant 0 : i32
    %c0_i32_0 = arith.constant 0 : i32
    return %arg0, %c0_i32 : i32, i32
  }
}

</mosaic_0001>

<sc_bundles>
// kernel: kernel.12.cloned.1.call-start
scs
__scs_entry_jumppad:
0x0: {  	(pc) =	sbr.rel $0x88, $3  }
0x1: {  	(tag) =	ssettag $0x0;
	lr =	simm.s32 $0x1  }
0x2: {  	[smem:$0x3F9B] =	sst lr;
	_ =	strace $0xD0000000  }
0x3: {  	_ = 	snop  }
0x4: {  	_ = 	snop  }
0x5: {  	_ = 	snop  }
0x6: {  	_ = 	snop  }
0x7: {  	_ = 	snop  }
__scs_overlays_trampoline_lowered:
0x8: {  	[smem:$0x3FAA] =	sst s0  }
0x9: {  	[smem:$0x3FAB] =	sst s1  }
0xa: {  	[smem:$0x3FAC] =	sst s2  }
0xb: {  	[smem:$0x3FAD] =	sst s3  }
0xc: {  	[smem:$0x3FAE] =	sst s4  }
0xd: {  	[smem:$0x3FAF] =	sst s5  }
0xe: {  	[smem:$0x3FB0] =	sst s6  }
0xf: {  	[smem:$0x3FB1] =	sst s7  }
0x10: {  	[smem:$0x3FB2] =	sst s8  }
0x11: {  	[smem:$0x3FB3] =	sst s9;
	s0 =	simm.s32 @!p0 $0x0  }
0x12: {  	s1 =	sld [smem:$0x3F99];
	s0 =	simm.s32 @p0 $0x1  }
0x13: {  	[smem:$0x3FB4] =	sst s0;
	s0 =	simm.s32 @!p1 $0x0  }
0x14: {  	s2 =	sld [smem:$0x3F98];
	s0 =	simm.s32 @p1 $0x1  }
0x15: {  	[smem:$0x3FB5] =	sst s0;
	s0 =	simm.s32 @!p2 $0x0  }
0x16: {  	s3 =	sld [smem:$0x3FDB];
	s0 =	simm.s32 @p2 $0x1  }
0x17: {  	s4 =	simm.s32 $0x1BF5;
	[smem:$0x3FB7] =	sst s0  }
0x18: {  	s0 =	sld [smem:$0x3F9A];
	_ =	swait.ge [sflag:s4], $0x0  }
0x19: {  	s7 =	sld [smem:$0x3F9B]  }
0x1a: {  	s8 =	sadd.s32 $0xFFFFE003, lr  }
0x1b: {  	s9 =	sadd.s32 $0xFFFFFEF7, lr;
	s5 =	simm.s32 $0xFFFFFFFF;
	p2 =	slt.u32 s8, $0xFFFFF086  }
0x1c: {  	p1 =	slt.u32 s9, $0xF7A;
	s5 =	simm.s32 @!p2 $0x0  }
0x1d: {  	s5 =	simm.s32 @p1 $0x1;
	p0 =	seq.s32 s7, s2  }
0x1e: {  	s7 =	smul.u32 @!p0 $0xF7A, s2;
	p2 =	seq.s32 @!p0 s5, $0x0  }
0x1f: {  	s9 =	smul.u32 $0xF7A, s1;
	s8 =	simm.s32 @!p0 $0x1BF5;
	p2 =	por !p2, p0  }
0x20: {  	[sflag:s8] =	ssyncset.s32 @!p0 $0xFFFFF086;
	s6 =	sadd.s32 @!p0 s3, s7;
	s7 =	simm.s32 @!p0 $0x108  }
0x21: {  	s3 =	sadd.s32 s3, s9;
	s6 =	sadd.s32 @!p0 $0x88, s6;
	s7 =	simm.s32 @p2 $0x1082  }
0x22: {  	[simem:s7], [sflag:s8] =	dma.local @!p0 [hbm:s6], $0xF7A  }
0x23: {  	s9 =	sor.u32 $0xD0000000, s2;
	s6 =	simm.s32 $0x108;
	_ =	swait.ge @!p0 [sflag:s8], $0x0  }
0x24: {  	s3 =	sadd.s32 $0x88, s3;
	s6 =	simm.s32 @!p1 $0x1082;
	[sflag:s4] =	ssyncset.s32 $0xFFFFF086  }
0x25: {  	[simem:s6], [sflag:s4] =	dma.local [hbm:s3], $0xF7A  }
0x26: {  	[smem:$0x3F9B] =	sst s1;
	(tag) =	ssettag s2;
	_ =	strace s9  }
0x27: {  	s1 =	sld [smem:$0x3FAB]  }
0x28: {  	s2 =	sld [smem:$0x3FAC]  }
0x29: {  	s4 =	sld [smem:$0x3FAE]  }
0x2a: {  	p0 =	seq.s32 s5, $0x0;
	s5 =	sld [smem:$0x3FAF]  }
0x2b: {  	s6 =	sld [smem:$0x3FB0]  }
0x2c: {  	s7 =	sld [smem:$0x3FB1]  }
0x2d: {  	s3 =	simm.s32 $0x108;
	s8 =	sld [smem:$0x3FB2]  }
0x2e: {  	s3 =	simm.s32 @!p0 $0x1082;
	s9 =	sld [smem:$0x3FB3]  }
0x2f: {  	lr =	sadd.s32 s0, s3;
	s0 =	sld [smem:$0x3FAA]  }
0x30: {  	s3 =	sld [smem:$0x3FAD]  }
0x31: {  	[smem:$0x3FB6] =	sst s10  }
0x32: {  	s10 =	sld [smem:$0x3FB4];
	_ =	sdelay $0x3  }
0x33: {  	p0 =	seq.s32 s10, $0x1;
	s10 =	sld [smem:$0x3FB6];
	_ =	sdelay $0x3  }
0x34: {  	[smem:$0x3FB6] =	sst s10  }
0x35: {  	s10 =	sld [smem:$0x3FB5];
	_ =	sdelay $0x3  }
0x36: {  	p1 =	seq.s32 s10, $0x1;
	s10 =	sld [smem:$0x3FB6];
	_ =	sdelay $0x3  }
0x37: {  	[smem:$0x3FB6] =	sst s10  }
0x38: {  	s10 =	sld [smem:$0x3FB7]  }
0x39: {  	_ = 	snop;
	(pc) =	sbr.ind lr, $3  }
0x3a: {  	_ = 	snop  }
0x3b: {  	_ = 	snop  }
0x3c: {  	p2 =	seq.s32 s10, $0x1;
	s10 =	sld [smem:$0x3FB6]  }
0x3d: {  	_ =	shalt  }
0x3e: {  	_ =	shalt  }
0x3f: {  	_ =	shalt  }
0x40: {  	_ =	shalt  }
0x41: {  	_ =	shalt  }
0x42: {  	_ =	shalt  }
0x43: {  	_ =	shalt  }
0x44: {  	_ =	shalt  }
0x45: {  	_ =	shalt  }
0x46: {  	_ =	shalt  }
0x47: {  	_ =	shalt  }
0x48: {  	_ =	shalt  }
0x49: {  	_ =	shalt  }
0x4a: {  	_ =	shalt  }
0x4b: {  	_ =	shalt  }
0x4c: {  	_ =	shalt  }
0x4d: {  	_ =	shalt  }
0x4e: {  	_ =	shalt  }
0x4f: {  	_ =	shalt  }
0x50: {  	_ =	shalt  }
0x51: {  	_ =	shalt  }
0x52: {  	_ =	shalt  }
0x53: {  	_ =	shalt  }
0x54: {  	_ =	shalt  }
0x55: {  	_ =	shalt  }
0x56: {  	_ =	shalt  }
0x57: {  	_ =	shalt  }
0x58: {  	_ =	shalt  }
0x59: {  	_ =	shalt  }
0x5a: {  	_ =	shalt  }
0x5b: {  	_ =	shalt  }
0x5c: {  	_ =	shalt  }
0x5d: {  	_ =	shalt  }
0x5e: {  	_ =	shalt  }
0x5f: {  	_ =	shalt  }
0x60: {  	_ =	shalt  }
0x61: {  	_ =	shalt  }
0x62: {  	_ =	shalt  }
0x63: {  	_ =	shalt  }
0x64: {  	_ =	shalt  }
0x65: {  	_ =	shalt  }
0x66: {  	_ =	shalt  }
0x67: {  	_ =	shalt  }
0x68: {  	_ =	shalt  }
0x69: {  	_ =	shalt  }
0x6a: {  	_ =	shalt  }
0x6b: {  	_ =	shalt  }
0x6c: {  	_ =	shalt  }
0x6d: {  	_ =	shalt  }
0x6e: {  	_ =	shalt  }
0x6f: {  	_ =	shalt  }
0x70: {  	_ =	shalt  }
0x71: {  	_ =	shalt  }
0x72: {  	_ =	shalt  }
0x73: {  	_ =	shalt  }
0x74: {  	_ =	shalt  }
0x75: {  	_ =	shalt  }
0x76: {  	_ =	shalt  }
0x77: {  	_ =	shalt  }
0x78: {  	_ =	shalt  }
0x79: {  	_ =	shalt  }
0x7a: {  	_ =	shalt  }
0x7b: {  	_ =	shalt  }
0x7c: {  	_ =	shalt  }
0x7d: {  	_ =	shalt  }
0x7e: {  	_ =	shalt  }
0x7f: {  	_ =	shalt  }
0x80: {  	_ =	shalt  }
0x81: {  	_ =	shalt  }
0x82: {  	_ =	shalt  }
0x83: {  	_ =	shalt  }
0x84: {  	_ =	shalt  }
0x85: {  	_ =	shalt  }
0x86: {  	_ =	shalt  }
0x87: {  	_ =	shalt  }
.Lfunc_end0:
.L_simem_size_0:
called_computation.1_lowered:
.L_overlay_start_0:
0x88: {  	s2 =	sld [smem:$0x3FD9]  }
0x89: {  	s3 =	sld [smem:$0x3FFE];
	_ =	sdelay $0x1  }
0x8a: {  	s1 =	srdreg.scid  }
0x8b: {  	s0 =	sand.u32 $0x1, s1  }
0x8c: {  	s16 =	sshll.u32 s0, $0xA;
	s2 =	sadd.s32 s3, s2  }
0x8d: {  	s2 =	sadd.s32 s2, s16  }
0x8e: {  	[smem:$0x3FC2] =	sst s2  }
0x8f: {  	_ = 	snop  }
0x90: {  	(tm) =	ssettm $0x1  }
0x91: {  	s17 =	sld [smem:$0x3FFB];
	_ =	sdelay $0x3  }
0x92: {  	_ =	strace s17  }
0x93: {  	s2 =	sld [smem:$0x3FFC];
	_ =	sdelay $0x3  }
0x94: {  	_ =	strace s2  }
0x95: {  	s2 =	sld [smem:$0x3FFD];
	_ =	sdelay $0x3  }
0x96: {  	_ =	strace s2  }
0x97: {  	_ =	strace $0x8FFFFFFF  }
0x98: {  	s18 =	sld [smem:$0x3FDB];
	_ =	sdelay $0x1  }
0x99: {  	s19 =	simm.s32 $_scs_section_size  }
0x9a: {  	s4 =	simm.s32 $_size__tile_overlayer_lowered;
	s5 =	simm.s32 $_tile_overlayer_lowered  }
0x9b: {  	s22 =	simm.s32 $0x1BFF;
	s21 =	sshll.u32 s5, $0x1;
	s2 =	sadd.s32 s19, s18  }
0x9c: {  	s6 =	simm.s32 $0x0;
	s20 =	sshll.u32 s4, $0x1;
	s4 =	sadd.s32 s21, s2  }
0x9d: {  	[timem:s6], [sflag:s22] =	dma.local [hbm:s4], s20  }
0x9e: {  	_ =	swait.ge [sflag:s22], s20  }
0x9f: {  	s3 =	ssub.s32 $0x0, s20;
	[sflag:s22] =	ssyncset.done $0x0  }
0xa0: {  	[sflag:s22] =	ssyncadd.s32 s3;
	_ =	sdelay $0x1  }
0xa1: {  	s23 =	simm.s32 $0x1B8B  }
0xa2: {  	_ =	swait.ge [sflag:s23], $0x1  }
0xa3: {  	[sflag:s23] =	ssyncset.done $0x0  }
0xa4: {  	s25 =	simm.s32 $0x1B8E;
	s24 =	sld [smem:$0x3FFE];
	[sflag:s23] =	ssyncadd.s32 $0xFFFFFFFF  }
0xa5: {  	s26 =	simm.s32 $execute0_lowered;
	[smem:$0x3FD2] =	sst s25  }
0xa6: {  	s4 =	sshll.u32 s26, $0x1;
	_ =	strace $0x80000049;
	[dreg:$0x1] =	wrdreg $0xFFFFFFFF  }
0xa7: {  	s28 =	simm.s32 $_size_execute0_lowered;
	s2 =	sadd.s32 s2, s4;
	[dreg:$0x0] =	wrdreg $0x0  }
0xa8: {  	s4 =	sshll.u32 s28, $0x1;
	[dreg:$0x2] =	wrdreg s2  }
0xa9: {  	[dreg:$0x3] =	wrdreg s4  }
0xaa: {  	[dreg:$0x4] =	wrdreg $0xC0  }
0xab: {  	_ =	task [dreg:s6], $0x5FFFF  }
0xac: {  	[dreg:$0x1] =	wrdreg $0xFFFFFFFF  }
0xad: {  	[dreg:$0x0] =	wrdreg $0x60  }
0xae: {  	[dreg:$0x2] =	wrdreg s24  }
0xaf: {  	[dreg:$0x3] =	wrdreg $0x8E800  }
0xb0: {  	[dreg:$0x4] =	wrdreg $0xB6800  }
0xb1: {  	[dreg:$0x5] =	wrdreg $0x9  }
0xb2: {  	_ =	task.clear_ibuf [dreg:s6], $0x6FFFF;
	_ =	strace $0x90000049  }
0xb3: {  	s29 =	simm.s32 $0x9;
	_ =	strace $0x8000004B  }
0xb4: {  	_ =	swait.ge [sflag:s29], $0x1  }
0xb5: {  	[sflag:s29] =	ssyncadd.s32 $0xFFFFFFFF  }
0xb6: {  	_ =	strace $0x9000004B  }
0xb7: {  	_ =	sfence  }
0xb8: {  	s30 =	sld [smem:$0x0];
	_ =	sdelay $0x2  }
0xb9: {  	s31 =	sshll.u32 s1, $0xD;
	s1 =	sshrl.u32 s1, $0x2  }
0xba: {  	s3 =	sand.u32 $0x4000, s31;
	s1 =	sadd.s32 s1, s30  }
0xbb: {  	s0 =	sor.u32 s3, s0;
	s1 =	sshll.u32 s1, $0x11  }
0xbc: {  	s0 =	sor.u32 s1, s0  }
0xbd: {  	s0 =	sadd.s32 $0x8F2B, s0  }
0xbe: {  	[sflag:s0] =	ssyncadd.remote.s32 $0x1  }
0xbf: {  	_ =	sfence.sel $0xFFFF  }
0xc0: {  	[dreg:$0x0] =	wrdreg $0xFFFFFFFF;
	(pc) =	sbr.abs _section_cstart, $3  }
0xc1: {  	[dreg:$0x1] =	wrdreg $0xFFFFFFFF  }
0xc2: {  	_ =	task.clear_ibuf [dreg:s6], $0x2FFFF;
	_ =	strace $0x9FFFFFFF  }
0xc3: {  	(tm) =	ssettm $0x7FFFFFFF  }
tec
execute0_lowered:
.L_overlay_start_1:
0x0: {  	(tag) =	ssettag $0x1  }
0x1: {  	s1 =	srdreg.scid  }
0x2: {  	s0 =	stileid.u32;
	s5 =	rddreg [dreg:$0x0];
	s4 =	simm.s32 $0x0  }
0x3: {  	s11 =	simm.s32 $0x3;
	s12 =	simm.s32 $0x2800;
	s16 =	simm.s32 $0x7D  }
0x4: {  	s17 =	simm.s32 $0x5000;
	s18 =	simm.s32 $0x57D0;
	s19 =	simm.s32 $0x5FA0  }
0x5: {  	s20 =	simm.s32 $0x6770;
	s21 =	simm.s32 $0x6F40;
	s22 =	simm.s32 $0x7710  }
0x6: {  	s23 =	simm.s32 $0x7EE0;
	s24 =	simm.s32 $0x86B0;
	s25 =	simm.s32 $0x1  }
0x7: {  	s26 =	simm.s32 $0x2;
	s28 =	simm.s32 $0x0;
	s1 =	sand.u32 $0x1, s1  }
0x8: {  	s2 =	sshll.u32 s0, $0x1;
	s8 =	smul.u32 $0x2800, s0;
	[smem:$0x7FF] =	sst s4  }
0x9: {  	s31 =	sshll.u32 s0, $0x6;
	s3 =	sor.u32 s1, s2;
	s2 =	rddreg [dreg:$0x1]  }
0xa: {  	s7 =	smul.u32 $0x28000, s1;
	s1 =	ssub.s32 $0x2, s1;
	s13 =	sor.u32 $0x1C03, s31  }
0xb: {  	s6 =	smul.u32 $0x500, s3;
	s3 =	rddreg [dreg:$0x2];
	_ =	strace $0x8000004A  }
0xc: {  	s9 =	sshrl.u32 s8, $0x3;
	s30 =	sshrl.u32 s1, $0x1;
	s14 =	sadd.s32 s8, s2  }
0xd: {  	s7 =	sadd.s32 s8, s7;
	s9 =	sadd.s32 s9, s5;
	s1 =	ssub.s32 s1, s30  }
0xe: {  	s15 =	sadd.s32 s8, s3;
	s14 =	sshrl.u32 s14, $0x3;
	s6 =	sadd.s32 s6, s5  }
0xf: {  	s7 =	sshrl.u32 s7, $0x3;
	s8 =	sadd.s32 $0x11600, s9;
	s15 =	sshrl.u32 s15, $0x3  }
0x10: {  	s10 =	sadd.s32 s7, s5;
	s5 =	sadd.s32 $0x20600, s6;
	s6 =	sadd.s32 $0x2600, s6  }
0x11: {  	s7 =	sadd.s32 $0xC600, s9;
	s9 =	sadd.s32 $0x16600, s10;
	s10 =	smax.u32 s1, $0x1  }
.LBB2_1:
0x12: {  	[tilespmem:s4], [sflag:$0x3] =	stream.linear.gather [hbm4b:s5+s4], $0x2800, $0x38;
	[tilespmem:$0xDE80] =	vst v63  }
0x13: {  	_ =	swait.ge [sflag:s11], $0x2800  }
0x14: {  	[sflag:s11] =	ssyncset.done $0x0  }
0x15: {  	[sflag:s11] =	ssyncadd.s32 $0xFFFFD800  }
0x16: {  	[tilespmem:s12], [sflag:$0x3] =	stream.linear.gather [hbm4b:s6+s4], $0x2800, $0x38;
	[tilespmem:$0xDE80] =	vst v63  }
0x17: {  	_ =	swait.ge [sflag:s11], $0x2800  }
0x18: {  	[sflag:s11] =	ssyncset.done $0x0  }
0x19: {  	[sflag:s11] =	ssyncadd.s32 $0xFFFFD800  }
0x1a: {  	[spmem:s14], [sflag:s13] =	dma.local [hbm:s7], $0x500  }
0x1b: {  	_ =	swait.ge [sflag:s11], $0x500  }
0x1c: {  	[sflag:s11] =	ssyncset.done $0x0  }
0x1d: {  	[sflag:s11] =	ssyncadd.s32 $0xFFFFFB00  }
0x1e: {  	[spmem:s15], [sflag:s13] =	dma.local [hbm:s8], $0x500  }
0x1f: {  	_ =	swait.ge [sflag:s11], $0x500  }
0x20: {  	[sflag:s11] =	ssyncset.done $0x0  }
0x21: {  	[sflag:s11] =	ssyncadd.s32 $0xFFFFFB00  }
0x22: {  	s1 =	simm.s32 $0x0;
	[bflag:$0x0] =	sbarrier.arrive $0xFFFF  }
0x23: {  	[tilespmem:s17], [sflag:$0x1] =	stream.indirect.gather [spmem:s2], $0x10, s1, s16, $0xb8;
	[tilespmem:$0xDE80] =	vst v63  }
0x24: {  	s31 =	simm.s32 $0x80  }
0x25: {  	[tilespmem:s18], [sflag:$0x1] =	stream.indirect.gather [spmem:s2], $0x10, s31, s16, $0xb8;
	[tilespmem:$0xDE80] =	vst v63  }
0x26: {  	s31 =	simm.s32 $0x100  }
0x27: {  	[tilespmem:s19], [sflag:$0x1] =	stream.indirect.gather [spmem:s2], $0x10, s31, s16, $0xb8;
	[tilespmem:$0xDE80] =	vst v63  }
0x28: {  	s31 =	simm.s32 $0x180  }
0x29: {  	[tilespmem:s20], [sflag:$0x1] =	stream.indirect.gather [spmem:s2], $0x10, s31, s16, $0xb8;
	[tilespmem:$0xDE80] =	vst v63  }
0x2a: {  	s31 =	simm.s32 $0x200  }
0x2b: {  	[tilespmem:s21], [sflag:$0x1] =	stream.indirect.gather [spmem:s2], $0x10, s31, s16, $0xb8;
	[tilespmem:$0xDE80] =	vst v63  }
0x2c: {  	s31 =	simm.s32 $0x280  }
0x2d: {  	[tilespmem:s22], [sflag:$0x1] =	stream.indirect.gather [spmem:s2], $0x10, s31, s16, $0xb8;
	[tilespmem:$0xDE80] =	vst v63  }
0x2e: {  	s31 =	simm.s32 $0x300  }
0x2f: {  	[tilespmem:s23], [sflag:$0x1] =	stream.indirect.gather [spmem:s2], $0x10, s31, s16, $0xb8;
	[tilespmem:$0xDE80] =	vst v63  }
0x30: {  	s31 =	simm.s32 $0x380  }
0x31: {  	[tilespmem:s24], [sflag:$0x1] =	stream.indirect.gather [spmem:s2], $0x10, s31, s16, $0xb8;
	[tilespmem:$0xDE80] =	vst v63  }
0x32: {  	_ =	swait.ge [sflag:s25], $0x7D0  }
0x33: {  	[sflag:s25] =	ssyncset.done $0x0  }
0x34: {  	s31 =	simm.s32 $0x2800;
	[sflag:s25] =	ssyncadd.s32 $0xFFFFF830  }
0x35: {  	[spmem:s3] =	stream.indirect.scatter.add.f32 [tilespmem:s17], [sflag:$0x2], $0x10, s31, s16, $0xb8;
	[tilespmem:$0xDE80] =	vst v63  }
0x36: {  	_ =	swait.ge [sflag:s25], $0x7D0  }
0x37: {  	[sflag:s25] =	ssyncset.done $0x0  }
0x38: {  	s31 =	simm.s32 $0x2880;
	[sflag:s25] =	ssyncadd.s32 $0xFFFFF830  }
0x39: {  	[spmem:s3] =	stream.indirect.scatter.add.f32 [tilespmem:s18], [sflag:$0x2], $0x10, s31, s16, $0xb8;
	[tilespmem:$0xDE80] =	vst v63  }
0x3a: {  	_ =	swait.ge [sflag:s25], $0x7D0  }
0x3b: {  	[sflag:s25] =	ssyncset.done $0x0  }
0x3c: {  	s31 =	simm.s32 $0x2900;
	[sflag:s25] =	ssyncadd.s32 $0xFFFFF830  }
0x3d: {  	[spmem:s3] =	stream.indirect.scatter.add.f32 [tilespmem:s19], [sflag:$0x2], $0x10, s31, s16, $0xb8;
	[tilespmem:$0xDE80] =	vst v63  }
0x3e: {  	_ =	swait.ge [sflag:s25], $0x7D0  }
0x3f: {  	[sflag:s25] =	ssyncset.done $0x0  }
0x40: {  	s31 =	simm.s32 $0x2980;
	[sflag:s25] =	ssyncadd.s32 $0xFFFFF830  }
0x41: {  	[spmem:s3] =	stream.indirect.scatter.add.f32 [tilespmem:s20], [sflag:$0x2], $0x10, s31, s16, $0xb8;
	[tilespmem:$0xDE80] =	vst v63  }
0x42: {  	_ =	swait.ge [sflag:s25], $0x7D0  }
0x43: {  	[sflag:s25] =	ssyncset.done $0x0  }
0x44: {  	s31 =	simm.s32 $0x2A00;
	[sflag:s25] =	ssyncadd.s32 $0xFFFFF830  }
0x45: {  	[spmem:s3] =	stream.indirect.scatter.add.f32 [tilespmem:s21], [sflag:$0x2], $0x10, s31, s16, $0xb8;
	[tilespmem:$0xDE80] =	vst v63  }
0x46: {  	_ =	swait.ge [sflag:s25], $0x7D0  }
0x47: {  	[sflag:s25] =	ssyncset.done $0x0  }
0x48: {  	s31 =	simm.s32 $0x2A80;
	[sflag:s25] =	ssyncadd.s32 $0xFFFFF830  }
0x49: {  	[spmem:s3] =	stream.indirect.scatter.add.f32 [tilespmem:s22], [sflag:$0x2], $0x10, s31, s16, $0xb8;
	[tilespmem:$0xDE80] =	vst v63  }
0x4a: {  	_ =	swait.ge [sflag:s25], $0x7D0  }
0x4b: {  	[sflag:s25] =	ssyncset.done $0x0  }
0x4c: {  	s31 =	simm.s32 $0x2B00;
	[sflag:s25] =	ssyncadd.s32 $0xFFFFF830  }
0x4d: {  	[spmem:s3] =	stream.indirect.scatter.add.f32 [tilespmem:s23], [sflag:$0x2], $0x10, s31, s16, $0xb8;
	[tilespmem:$0xDE80] =	vst v63  }
0x4e: {  	_ =	swait.ge [sflag:s25], $0x7D0  }
0x4f: {  	[sflag:s25] =	ssyncset.done $0x0  }
0x50: {  	s31 =	simm.s32 $0x2B80;
	[sflag:s25] =	ssyncadd.s32 $0xFFFFF830  }
0x51: {  	[spmem:s3] =	stream.indirect.scatter.add.f32 [tilespmem:s24], [sflag:$0x2], $0x10, s31, s16, $0xb8;
	[tilespmem:$0xDE80] =	vst v63  }
0x52: {  	_ =	swait.ge [sflag:s26], $0x7D0  }
0x53: {  	[sflag:s26] =	ssyncset.done $0x0  }
0x54: {  	[sflag:s26] =	ssyncadd.s32 $0xFFFFF830  }
0x55: {  	_ =	swait.ge [sflag:s26], $0x7D0  }
0x56: {  	[sflag:s26] =	ssyncset.done $0x0  }
0x57: {  	[sflag:s26] =	ssyncadd.s32 $0xFFFFF830  }
0x58: {  	_ =	swait.ge [sflag:s26], $0x7D0  }
0x59: {  	[sflag:s26] =	ssyncset.done $0x0  }
0x5a: {  	[sflag:s26] =	ssyncadd.s32 $0xFFFFF830  }
0x5b: {  	_ =	swait.ge [sflag:s26], $0x7D0  }
0x5c: {  	[sflag:s26] =	ssyncset.done $0x0  }
0x5d: {  	[sflag:s26] =	ssyncadd.s32 $0xFFFFF830  }
0x5e: {  	_ =	swait.ge [sflag:s26], $0x7D0  }
0x5f: {  	[sflag:s26] =	ssyncset.done $0x0  }
0x60: {  	[sflag:s26] =	ssyncadd.s32 $0xFFFFF830  }
0x61: {  	_ =	swait.ge [sflag:s26], $0x7D0  }
0x62: {  	[sflag:s26] =	ssyncset.done $0x0  }
0x63: {  	[sflag:s26] =	ssyncadd.s32 $0xFFFFF830  }
0x64: {  	_ =	swait.ge [sflag:s26], $0x7D0  }
0x65: {  	[sflag:s26] =	ssyncset.done $0x0  }
0x66: {  	[sflag:s26] =	ssyncadd.s32 $0xFFFFF830  }
0x67: {  	_ =	swait.ge [sflag:s26], $0x7D0  }
0x68: {  	s29 =	simm.s32 $0x1000;
	s30 =	simm.s32 $0x2000;
	[sflag:s26] =	ssyncset.done $0x0  }
.LBB2_2:
0x69: {  	s31 =	sshra.s32 s29, $0x2  }
0x6a: {  	[sflag:s26] =	ssyncadd.s32 $0xFFFFF830;
	s29 =	smov.u32 s30;
	s1 =	sadd.s32 $0x1000, s30  }
0x6b: {  	[tilespmem:s17], [sflag:$0x1] =	stream.indirect.gather [spmem:s2], $0x10, s31, s16, $0xb8;
	[tilespmem:$0xDE80] =	vst v63  }
0x6c: {  	p0 =	sne.s32 s30, $0x9000;
	s30 =	sadd.s32 $0x80, s31  }
0x6d: {  	[tilespmem:s18], [sflag:$0x1] =	stream.indirect.gather [spmem:s2], $0x10, s30, s16, $0xb8;
	[tilespmem:$0xDE80] =	vst v63  }
0x6e: {  	s30 =	sadd.s32 $0x100, s31  }
0x6f: {  	[tilespmem:s19], [sflag:$0x1] =	stream.indirect.gather [spmem:s2], $0x10, s30, s16, $0xb8;
	[tilespmem:$0xDE80] =	vst v63  }
0x70: {  	s30 =	sadd.s32 $0x180, s31  }
0x71: {  	[tilespmem:s20], [sflag:$0x1] =	stream.indirect.gather [spmem:s2], $0x10, s30, s16, $0xb8;
	[tilespmem:$0xDE80] =	vst v63  }
0x72: {  	s30 =	sadd.s32 $0x200, s31  }
0x73: {  	[tilespmem:s21], [sflag:$0x1] =	stream.indirect.gather [spmem:s2], $0x10, s30, s16, $0xb8;
	[tilespmem:$0xDE80] =	vst v63  }
0x74: {  	s30 =	sadd.s32 $0x280, s31  }
0x75: {  	[tilespmem:s22], [sflag:$0x1] =	stream.indirect.gather [spmem:s2], $0x10, s30, s16, $0xb8;
	[tilespmem:$0xDE80] =	vst v63  }
0x76: {  	s30 =	sadd.s32 $0x300, s31  }
0x77: {  	[tilespmem:s23], [sflag:$0x1] =	stream.indirect.gather [spmem:s2], $0x10, s30, s16, $0xb8;
	[tilespmem:$0xDE80] =	vst v63  }
0x78: {  	s30 =	sadd.s32 $0x380, s31  }
0x79: {  	[tilespmem:s24], [sflag:$0x1] =	stream.indirect.gather [spmem:s2], $0x10, s30, s16, $0xb8;
	[tilespmem:$0xDE80] =	vst v63  }
0x7a: {  	_ =	swait.ge [sflag:s25], $0x7D0  }
0x7b: {  	[sflag:s25] =	ssyncset.done $0x0  }
0x7c: {  	s30 =	sadd.s32 $0x2800, s31;
	[sflag:s25] =	ssyncadd.s32 $0xFFFFF830  }
0x7d: {  	[spmem:s3] =	stream.indirect.scatter.add.f32 [tilespmem:s17], [sflag:$0x2], $0x10, s30, s16, $0xb8;
	[tilespmem:$0xDE80] =	vst v63  }
0x7e: {  	_ =	swait.ge [sflag:s25], $0x7D0  }
0x7f: {  	[sflag:s25] =	ssyncset.done $0x0  }
0x80: {  	s30 =	sadd.s32 $0x2880, s31;
	[sflag:s25] =	ssyncadd.s32 $0xFFFFF830  }
0x81: {  	[spmem:s3] =	stream.indirect.scatter.add.f32 [tilespmem:s18], [sflag:$0x2], $0x10, s30, s16, $0xb8;
	[tilespmem:$0xDE80] =	vst v63  }
0x82: {  	_ =	swait.ge [sflag:s25], $0x7D0  }
0x83: {  	[sflag:s25] =	ssyncset.done $0x0  }
0x84: {  	s30 =	sadd.s32 $0x2900, s31;
	[sflag:s25] =	ssyncadd.s32 $0xFFFFF830  }
0x85: {  	[spmem:s3] =	stream.indirect.scatter.add.f32 [tilespmem:s19], [sflag:$0x2], $0x10, s30, s16, $0xb8;
	[tilespmem:$0xDE80] =	vst v63  }
0x86: {  	_ =	swait.ge [sflag:s25], $0x7D0  }
0x87: {  	[sflag:s25] =	ssyncset.done $0x0  }
0x88: {  	s30 =	sadd.s32 $0x2980, s31;
	[sflag:s25] =	ssyncadd.s32 $0xFFFFF830  }
0x89: {  	[spmem:s3] =	stream.indirect.scatter.add.f32 [tilespmem:s20], [sflag:$0x2], $0x10, s30, s16, $0xb8;
	[tilespmem:$0xDE80] =	vst v63  }
0x8a: {  	_ =	swait.ge [sflag:s25], $0x7D0  }
0x8b: {  	[sflag:s25] =	ssyncset.done $0x0  }
0x8c: {  	s30 =	sadd.s32 $0x2A00, s31;
	[sflag:s25] =	ssyncadd.s32 $0xFFFFF830  }
0x8d: {  	[spmem:s3] =	stream.indirect.scatter.add.f32 [tilespmem:s21], [sflag:$0x2], $0x10, s30, s16, $0xb8;
	[tilespmem:$0xDE80] =	vst v63  }
0x8e: {  	_ =	swait.ge [sflag:s25], $0x7D0  }
0x8f: {  	[sflag:s25] =	ssyncset.done $0x0  }
0x90: {  	s30 =	sadd.s32 $0x2A80, s31;
	[sflag:s25] =	ssyncadd.s32 $0xFFFFF830  }
0x91: {  	[spmem:s3] =	stream.indirect.scatter.add.f32 [tilespmem:s22], [sflag:$0x2], $0x10, s30, s16, $0xb8;
	[tilespmem:$0xDE80] =	vst v63  }
0x92: {  	_ =	swait.ge [sflag:s25], $0x7D0  }
0x93: {  	[sflag:s25] =	ssyncset.done $0x0  }
0x94: {  	s30 =	sadd.s32 $0x2B00, s31;
	[sflag:s25] =	ssyncadd.s32 $0xFFFFF830  }
0x95: {  	[spmem:s3] =	stream.indirect.scatter.add.f32 [tilespmem:s23], [sflag:$0x2], $0x10, s30, s16, $0xb8;
	[tilespmem:$0xDE80] =	vst v63  }
0x96: {  	_ =	swait.ge [sflag:s25], $0x7D0  }
0x97: {  	[sflag:s25] =	ssyncset.done $0x0  }
0x98: {  	s30 =	sadd.s32 $0x2B80, s31;
	[sflag:s25] =	ssyncadd.s32 $0xFFFFF830  }
0x99: {  	[spmem:s3] =	stream.indirect.scatter.add.f32 [tilespmem:s24], [sflag:$0x2], $0x10, s30, s16, $0xb8;
	[tilespmem:$0xDE80] =	vst v63  }
0x9a: {  	_ =	swait.ge [sflag:s26], $0x7D0  }
0x9b: {  	[sflag:s26] =	ssyncset.done $0x0  }
0x9c: {  	[sflag:s26] =	ssyncadd.s32 $0xFFFFF830  }
0x9d: {  	_ =	swait.ge [sflag:s26], $0x7D0  }
0x9e: {  	[sflag:s26] =	ssyncset.done $0x0  }
0x9f: {  	[sflag:s26] =	ssyncadd.s32 $0xFFFFF830  }
0xa0: {  	_ =	swait.ge [sflag:s26], $0x7D0  }
0xa1: {  	[sflag:s26] =	ssyncset.done $0x0  }
0xa2: {  	[sflag:s26] =	ssyncadd.s32 $0xFFFFF830  }
0xa3: {  	_ =	swait.ge [sflag:s26], $0x7D0  }
0xa4: {  	[sflag:s26] =	ssyncset.done $0x0  }
0xa5: {  	[sflag:s26] =	ssyncadd.s32 $0xFFFFF830  }
0xa6: {  	_ =	swait.ge [sflag:s26], $0x7D0  }
0xa7: {  	[sflag:s26] =	ssyncset.done $0x0  }
0xa8: {  	[sflag:s26] =	ssyncadd.s32 $0xFFFFF830  }
0xa9: {  	_ =	swait.ge [sflag:s26], $0x7D0  }
0xaa: {  	[sflag:s26] =	ssyncset.done $0x0  }
0xab: {  	[sflag:s26] =	ssyncadd.s32 $0xFFFFF830  }
.Ltmp0:
0xac: {  	_ =	swait.ge [sflag:s26], $0x7D0;
	(pc) =	sbr.rel @p0 .LBB2_2-.Ltmp0, $4  }
0xad: {  	[sflag:s26] =	ssyncset.done $0x0  }
0xae: {  	[sflag:s26] =	ssyncadd.s32 $0xFFFFF830  }
0xaf: {  	_ =	swait.ge [sflag:s26], $0x7D0  }
0xb0: {  	s30 =	smov.u32 s1;
	[sflag:s26] =	ssyncset.done $0x0  }
0xb1: {  	s1 =	sshra.s32 s29, $0x2;
	[sflag:s26] =	ssyncadd.s32 $0xFFFFF830  }
0xb2: {  	[tilespmem:s17], [sflag:$0x1] =	stream.indirect.gather [spmem:s2], $0x10, s1, s16, $0xb8;
	[tilespmem:$0xDE80] =	vst v63  }
0xb3: {  	s29 =	sadd.s32 $0x80, s1  }
0xb4: {  	[tilespmem:s18], [sflag:$0x1] =	stream.indirect.gather [spmem:s2], $0x10, s29, s16, $0xb8;
	[tilespmem:$0xDE80] =	vst v63  }
0xb5: {  	s31 =	sadd.s32 $0x100, s1  }
0xb6: {  	[tilespmem:s19], [sflag:$0x1] =	stream.indirect.gather [spmem:s2], $0x10, s31, s16, $0xb8;
	[tilespmem:$0xDE80] =	vst v63  }
0xb7: {  	s30 =	sadd.s32 $0x180, s1  }
0xb8: {  	[tilespmem:s20], [sflag:$0x1] =	stream.indirect.gather [spmem:s2], $0x10, s30, s16, $0xb8;
	[tilespmem:$0xDE80] =	vst v63  }
0xb9: {  	s31 =	sadd.s32 $0x200, s1  }
0xba: {  	[tilespmem:s21], [sflag:$0x1] =	stream.indirect.gather [spmem:s2], $0x10, s31, s16, $0xb8;
	[tilespmem:$0xDE80] =	vst v63  }
0xbb: {  	s30 =	sadd.s32 $0x280, s1  }
0xbc: {  	[tilespmem:s22], [sflag:$0x1] =	stream.indirect.gather [spmem:s2], $0x10, s30, s16, $0xb8;
	[tilespmem:$0xDE80] =	vst v63  }
0xbd: {  	s31 =	sadd.s32 $0x300, s1  }
0xbe: {  	[tilespmem:s23], [sflag:$0x1] =	stream.indirect.gather [spmem:s2], $0x10, s31, s16, $0xb8;
	[tilespmem:$0xDE80] =	vst v63  }
0xbf: {  	s30 =	sadd.s32 $0x380, s1  }
0xc0: {  	[tilespmem:s24], [sflag:$0x1] =	stream.indirect.gather [spmem:s2], $0x10, s30, s16, $0xb8;
	[tilespmem:$0xDE80] =	vst v63  }
0xc1: {  	_ =	swait.ge [sflag:s25], $0x7D0  }
0xc2: {  	[sflag:s25] =	ssyncset.done $0x0  }
0xc3: {  	s31 =	sadd.s32 $0x2800, s1;
	[sflag:s25] =	ssyncadd.s32 $0xFFFFF830  }
0xc4: {  	[spmem:s3] =	stream.indirect.scatter.add.f32 [tilespmem:s17], [sflag:$0x2], $0x10, s31, s16, $0xb8;
	[tilespmem:$0xDE80] =	vst v63  }
0xc5: {  	_ =	swait.ge [sflag:s25], $0x7D0  }
0xc6: {  	[sflag:s25] =	ssyncset.done $0x0  }
0xc7: {  	s30 =	sadd.s32 $0x2880, s1;
	[sflag:s25] =	ssyncadd.s32 $0xFFFFF830  }
0xc8: {  	[spmem:s3] =	stream.indirect.scatter.add.f32 [tilespmem:s18], [sflag:$0x2], $0x10, s30, s16, $0xb8;
	[tilespmem:$0xDE80] =	vst v63  }
0xc9: {  	_ =	swait.ge [sflag:s25], $0x7D0  }
0xca: {  	[sflag:s25] =	ssyncset.done $0x0  }
0xcb: {  	s31 =	sadd.s32 $0x2900, s1;
	[sflag:s25] =	ssyncadd.s32 $0xFFFFF830  }
0xcc: {  	[spmem:s3] =	stream.indirect.scatter.add.f32 [tilespmem:s19], [sflag:$0x2], $0x10, s31, s16, $0xb8;
	[tilespmem:$0xDE80] =	vst v63  }
0xcd: {  	_ =	swait.ge [sflag:s25], $0x7D0  }
0xce: {  	[sflag:s25] =	ssyncset.done $0x0  }
0xcf: {  	s30 =	sadd.s32 $0x2980, s1;
	[sflag:s25] =	ssyncadd.s32 $0xFFFFF830  }
0xd0: {  	[spmem:s3] =	stream.indirect.scatter.add.f32 [tilespmem:s20], [sflag:$0x2], $0x10, s30, s16, $0xb8;
	[tilespmem:$0xDE80] =	vst v63  }
0xd1: {  	_ =	swait.ge [sflag:s25], $0x7D0  }
0xd2: {  	[sflag:s25] =	ssyncset.done $0x0  }
0xd3: {  	s31 =	sadd.s32 $0x2A00, s1;
	[sflag:s25] =	ssyncadd.s32 $0xFFFFF830  }
0xd4: {  	[spmem:s3] =	stream.indirect.scatter.add.f32 [tilespmem:s21], [sflag:$0x2], $0x10, s31, s16, $0xb8;
	[tilespmem:$0xDE80] =	vst v63  }
0xd5: {  	_ =	swait.ge [sflag:s25], $0x7D0  }
0xd6: {  	[sflag:s25] =	ssyncset.done $0x0  }
0xd7: {  	s30 =	sadd.s32 $0x2A80, s1;
	[sflag:s25] =	ssyncadd.s32 $0xFFFFF830  }
0xd8: {  	[spmem:s3] =	stream.indirect.scatter.add.f32 [tilespmem:s22], [sflag:$0x2], $0x10, s30, s16, $0xb8;
	[tilespmem:$0xDE80] =	vst v63  }
0xd9: {  	_ =	swait.ge [sflag:s25], $0x7D0  }
0xda: {  	[sflag:s25] =	ssyncset.done $0x0  }
0xdb: {  	s31 =	sadd.s32 $0x2B00, s1;
	[sflag:s25] =	ssyncadd.s32 $0xFFFFF830  }
0xdc: {  	[spmem:s3] =	stream.indirect.scatter.add.f32 [tilespmem:s23], [sflag:$0x2], $0x10, s31, s16, $0xb8;
	[tilespmem:$0xDE80] =	vst v63  }
0xdd: {  	_ =	swait.ge [sflag:s25], $0x7D0  }
0xde: {  	[sflag:s25] =	ssyncset.done $0x0  }
0xdf: {  	s1 =	sadd.s32 $0x2B80, s1;
	[sflag:s25] =	ssyncadd.s32 $0xFFFFF830  }
0xe0: {  	[spmem:s3] =	stream.indirect.scatter.add.f32 [tilespmem:s24], [sflag:$0x2], $0x10, s1, s16, $0xb8;
	[tilespmem:$0xDE80] =	vst v63  }
0xe1: {  	_ =	swait.ge [sflag:s26], $0x7D0  }
0xe2: {  	[sflag:s26] =	ssyncset.done $0x0  }
0xe3: {  	[sflag:s26] =	ssyncadd.s32 $0xFFFFF830  }
0xe4: {  	_ =	swait.ge [sflag:s26], $0x7D0  }
0xe5: {  	[sflag:s26] =	ssyncset.done $0x0  }
0xe6: {  	[sflag:s26] =	ssyncadd.s32 $0xFFFFF830  }
0xe7: {  	_ =	swait.ge [sflag:s26], $0x7D0  }
0xe8: {  	[sflag:s26] =	ssyncset.done $0x0  }
0xe9: {  	[sflag:s26] =	ssyncadd.s32 $0xFFFFF830  }
0xea: {  	_ =	swait.ge [sflag:s26], $0x7D0  }
0xeb: {  	[sflag:s26] =	ssyncset.done $0x0  }
0xec: {  	[sflag:s26] =	ssyncadd.s32 $0xFFFFF830  }
0xed: {  	_ =	swait.ge [sflag:s26], $0x7D0  }
0xee: {  	[sflag:s26] =	ssyncset.done $0x0  }
0xef: {  	[sflag:s26] =	ssyncadd.s32 $0xFFFFF830  }
0xf0: {  	_ =	swait.ge [sflag:s26], $0x7D0  }
0xf1: {  	[sflag:s26] =	ssyncset.done $0x0  }
0xf2: {  	[sflag:s26] =	ssyncadd.s32 $0xFFFFF830  }
0xf3: {  	_ =	swait.ge [sflag:s26], $0x7D0  }
0xf4: {  	[sflag:s26] =	ssyncset.done $0x0  }
0xf5: {  	[sflag:s26] =	ssyncadd.s32 $0xFFFFF830  }
0xf6: {  	_ =	swait.ge [sflag:s26], $0x7D0  }
0xf7: {  	s28 =	sadd.s32 $0x1, s28;
	[sflag:s26] =	ssyncset.done $0x0  }
0xf8: {  	p0 =	sne.s32 s28, s10;
	[sflag:s26] =	ssyncadd.s32 $0xFFFFF830  }
.Ltmp1:
0xf9: {  	[bflag:$0x0] =	sbarrier.arrive $0xFFFF;
	(pc) =	sbr.rel @p0 .LBB2_1-.Ltmp1, $4  }
0xfa: {  	[hbm:s9], [sflag:s13] =	dma.local [spmem:s15], $0x500  }
0xfb: {  	_ =	swait.ge [sflag:s11], $0x500  }
0xfc: {  	[sflag:s11] =	ssyncset.done $0x0  }
0xfd: {  	[sflag:s11] =	ssyncadd.s32 $0xFFFFFB00  }
0xfe: {  	_ =	sfence.sel $0x180000  }
0xff: {  	[bflag:$0x0] =	sbarrier.arrive $0xFFFF  }
0x100: {  	_ =	strace $0x9000004A  }
0x101: {  	[bflag:$0x2] =	sbarrier.arrive $0xFFFF  }
0x102: {  	p0 =	sne.s32 s0, $0x0;
	s0 =	rddreg [dreg:$0x3]  }
0x103: {  	s0 =	sadd.s32 @!p0 $0x100000, s0  }
0x104: {  	[sflag:s0] =	ssyncadd.tile.s32 @!p0 $0x1;
	_ =	shalt  }
.Lfunc_end2:
_tile_overlayer_lowered:
.L_overlay_start_2:
0x105: {  	(tag) =	ssettag $0x2  }
0x106: {  	s0 =	rddreg [dreg:$0x0];
	s2 =	stileid.u32  }
0x107: {  	s1 =	rddreg [dreg:$0x1];
	p0 =	sne.s32 s2, $0x0  }
0x108: {  	s3 =	rddreg [dreg:$0x2];
	[bflag:$0x3] =	sbarrier.arrive $0xFFFF;
	s2 =	simm.s32 @!p0 $0x1C03  }
0x109: {  	[timem:s3], [sflag:s2] =	dma.local @!p0 [hbm:s0], s1  }
0x10a: {  	s0 =	simm.s32 @!p0 $0x3  }
0x10b: {  	_ =	swait.ge @!p0 [sflag:s0], s1  }
0x10c: {  	s1 =	ssub.s32 @!p0 $0x0, s1;
	[sflag:s0] =	ssyncset.done @!p0 $0x0  }
0x10d: {  	[sflag:s0] =	ssyncadd.s32 @!p0 s1  }
0x10e: {  	[bflag:$0x3] =	sbarrier.arrive $0xFFFF  }
0x10f: {  	_ =	shalt  }

// kernel: kernel.15.cloned.1.call-start
scs
__scs_entry_jumppad:
0x0: {  	(pc) =	sbr.rel $0x88, $3  }
0x1: {  	(tag) =	ssettag $0x0;
	lr =	simm.s32 $0x1  }
0x2: {  	[smem:$0x3F9B] =	sst lr;
	_ =	strace $0xD0000000  }
0x3: {  	_ = 	snop  }
0x4: {  	_ = 	snop  }
0x5: {  	_ = 	snop  }
0x6: {  	_ = 	snop  }
0x7: {  	_ = 	snop  }
__scs_overlays_trampoline_lowered:
0x8: {  	[smem:$0x3FAA] =	sst s0  }
0x9: {  	[smem:$0x3FAB] =	sst s1  }
0xa: {  	[smem:$0x3FAC] =	sst s2  }
0xb: {  	[smem:$0x3FAD] =	sst s3  }
0xc: {  	[smem:$0x3FAE] =	sst s4  }
0xd: {  	[smem:$0x3FAF] =	sst s5  }
0xe: {  	[smem:$0x3FB0] =	sst s6  }
0xf: {  	[smem:$0x3FB1] =	sst s7  }
0x10: {  	[smem:$0x3FB2] =	sst s8  }
0x11: {  	[smem:$0x3FB3] =	sst s9;
	s0 =	simm.s32 @!p0 $0x0  }
0x12: {  	s1 =	sld [smem:$0x3F99];
	s0 =	simm.s32 @p0 $0x1  }
0x13: {  	[smem:$0x3FB4] =	sst s0;
	s0 =	simm.s32 @!p1 $0x0  }
0x14: {  	s2 =	sld [smem:$0x3F98];
	s0 =	simm.s32 @p1 $0x1  }
0x15: {  	[smem:$0x3FB5] =	sst s0;
	s0 =	simm.s32 @!p2 $0x0  }
0x16: {  	s3 =	sld [smem:$0x3FDB];
	s0 =	simm.s32 @p2 $0x1  }
0x17: {  	s4 =	simm.s32 $0x1BF5;
	[smem:$0x3FB7] =	sst s0  }
0x18: {  	s0 =	sld [smem:$0x3F9A];
	_ =	swait.ge [sflag:s4], $0x0  }
0x19: {  	s7 =	sld [smem:$0x3F9B]  }
0x1a: {  	s8 =	sadd.s32 $0xFFFFE003, lr  }
0x1b: {  	s9 =	sadd.s32 $0xFFFFFEF7, lr;
	s5 =	simm.s32 $0xFFFFFFFF;
	p2 =	slt.u32 s8, $0xFFFFF086  }
0x1c: {  	p1 =	slt.u32 s9, $0xF7A;
	s5 =	simm.s32 @!p2 $0x0  }
0x1d: {  	s5 =	simm.s32 @p1 $0x1;
	p0 =	seq.s32 s7, s2  }
0x1e: {  	s7 =	smul.u32 @!p0 $0xF7A, s2;
	p2 =	seq.s32 @!p0 s5, $0x0  }
0x1f: {  	s9 =	smul.u32 $0xF7A, s1;
	s8 =	simm.s32 @!p0 $0x1BF5;
	p2 =	por !p2, p0  }
0x20: {  	[sflag:s8] =	ssyncset.s32 @!p0 $0xFFFFF086;
	s6 =	sadd.s32 @!p0 s3, s7;
	s7 =	simm.s32 @!p0 $0x108  }
0x21: {  	s3 =	sadd.s32 s3, s9;
	s6 =	sadd.s32 @!p0 $0x88, s6;
	s7 =	simm.s32 @p2 $0x1082  }
0x22: {  	[simem:s7], [sflag:s8] =	dma.local @!p0 [hbm:s6], $0xF7A  }
0x23: {  	s9 =	sor.u32 $0xD0000000, s2;
	s6 =	simm.s32 $0x108;
	_ =	swait.ge @!p0 [sflag:s8], $0x0  }
0x24: {  	s3 =	sadd.s32 $0x88, s3;
	s6 =	simm.s32 @!p1 $0x1082;
	[sflag:s4] =	ssyncset.s32 $0xFFFFF086  }
0x25: {  	[simem:s6], [sflag:s4] =	dma.local [hbm:s3], $0xF7A  }
0x26: {  	[smem:$0x3F9B] =	sst s1;
	(tag) =	ssettag s2;
	_ =	strace s9  }
0x27: {  	s1 =	sld [smem:$0x3FAB]  }
0x28: {  	s2 =	sld [smem:$0x3FAC]  }
0x29: {  	s4 =	sld [smem:$0x3FAE]  }
0x2a: {  	p0 =	seq.s32 s5, $0x0;
	s5 =	sld [smem:$0x3FAF]  }
0x2b: {  	s6 =	sld [smem:$0x3FB0]  }
0x2c: {  	s7 =	sld [smem:$0x3FB1]  }
0x2d: {  	s3 =	simm.s32 $0x108;
	s8 =	sld [smem:$0x3FB2]  }
0x2e: {  	s3 =	simm.s32 @!p0 $0x1082;
	s9 =	sld [smem:$0x3FB3]  }
0x2f: {  	lr =	sadd.s32 s0, s3;
	s0 =	sld [smem:$0x3FAA]  }
0x30: {  	s3 =	sld [smem:$0x3FAD]  }
0x31: {  	[smem:$0x3FB6] =	sst s10  }
0x32: {  	s10 =	sld [smem:$0x3FB4];
	_ =	sdelay $0x3  }
0x33: {  	p0 =	seq.s32 s10, $0x1;
	s10 =	sld [smem:$0x3FB6];
	_ =	sdelay $0x3  }
0x34: {  	[smem:$0x3FB6] =	sst s10  }
0x35: {  	s10 =	sld [smem:$0x3FB5];
	_ =	sdelay $0x3  }
0x36: {  	p1 =	seq.s32 s10, $0x1;
	s10 =	sld [smem:$0x3FB6];
	_ =	sdelay $0x3  }
0x37: {  	[smem:$0x3FB6] =	sst s10  }
0x38: {  	s10 =	sld [smem:$0x3FB7]  }
0x39: {  	_ = 	snop;
	(pc) =	sbr.ind lr, $3  }
0x3a: {  	_ = 	snop  }
0x3b: {  	_ = 	snop  }
0x3c: {  	p2 =	seq.s32 s10, $0x1;
	s10 =	sld [smem:$0x3FB6]  }
0x3d: {  	_ =	shalt  }
0x3e: {  	_ =	shalt  }
0x3f: {  	_ =	shalt  }
0x40: {  	_ =	shalt  }
0x41: {  	_ =	shalt  }
0x42: {  	_ =	shalt  }
0x43: {  	_ =	shalt  }
0x44: {  	_ =	shalt  }
0x45: {  	_ =	shalt  }
0x46: {  	_ =	shalt  }
0x47: {  	_ =	shalt  }
0x48: {  	_ =	shalt  }
0x49: {  	_ =	shalt  }
0x4a: {  	_ =	shalt  }
0x4b: {  	_ =	shalt  }
0x4c: {  	_ =	shalt  }
0x4d: {  	_ =	shalt  }
0x4e: {  	_ =	shalt  }
0x4f: {  	_ =	shalt  }
0x50: {  	_ =	shalt  }
0x51: {  	_ =	shalt  }
0x52: {  	_ =	shalt  }
0x53: {  	_ =	shalt  }
0x54: {  	_ =	shalt  }
0x55: {  	_ =	shalt  }
0x56: {  	_ =	shalt  }
0x57: {  	_ =	shalt  }
0x58: {  	_ =	shalt  }
0x59: {  	_ =	shalt  }
0x5a: {  	_ =	shalt  }
0x5b: {  	_ =	shalt  }
0x5c: {  	_ =	shalt  }
0x5d: {  	_ =	shalt  }
0x5e: {  	_ =	shalt  }
0x5f: {  	_ =	shalt  }
0x60: {  	_ =	shalt  }
0x61: {  	_ =	shalt  }
0x62: {  	_ =	shalt  }
0x63: {  	_ =	shalt  }
0x64: {  	_ =	shalt  }
0x65: {  	_ =	shalt  }
0x66: {  	_ =	shalt  }
0x67: {  	_ =	shalt  }
0x68: {  	_ =	shalt  }
0x69: {  	_ =	shalt  }
0x6a: {  	_ =	shalt  }
0x6b: {  	_ =	shalt  }
0x6c: {  	_ =	shalt  }
0x6d: {  	_ =	shalt  }
0x6e: {  	_ =	shalt  }
0x6f: {  	_ =	shalt  }
0x70: {  	_ =	shalt  }
0x71: {  	_ =	shalt  }
0x72: {  	_ =	shalt  }
0x73: {  	_ =	shalt  }
0x74: {  	_ =	shalt  }
0x75: {  	_ =	shalt  }
0x76: {  	_ =	shalt  }
0x77: {  	_ =	shalt  }
0x78: {  	_ =	shalt  }
0x79: {  	_ =	shalt  }
0x7a: {  	_ =	shalt  }
0x7b: {  	_ =	shalt  }
0x7c: {  	_ =	shalt  }
0x7d: {  	_ =	shalt  }
0x7e: {  	_ =	shalt  }
0x7f: {  	_ =	shalt  }
0x80: {  	_ =	shalt  }
0x81: {  	_ =	shalt  }
0x82: {  	_ =	shalt  }
0x83: {  	_ =	shalt  }
0x84: {  	_ =	shalt  }
0x85: {  	_ =	shalt  }
0x86: {  	_ =	shalt  }
0x87: {  	_ =	shalt  }
.Lfunc_end0:
.L_simem_size_0:
called_computation.2_lowered:
.L_overlay_start_0:
0x88: {  	s2 =	sld [smem:$0x3FD9]  }
0x89: {  	s3 =	sld [smem:$0x3FFE];
	_ =	sdelay $0x1  }
0x8a: {  	s1 =	srdreg.scid  }
0x8b: {  	s0 =	sand.u32 $0x1, s1  }
0x8c: {  	s16 =	sshll.u32 s0, $0xA;
	s2 =	sadd.s32 s3, s2  }
0x8d: {  	s2 =	sadd.s32 s2, s16  }
0x8e: {  	[smem:$0x3FC2] =	sst s2  }
0x8f: {  	_ = 	snop  }
0x90: {  	(tm) =	ssettm $0x1  }
0x91: {  	s17 =	sld [smem:$0x3FFB];
	_ =	sdelay $0x3  }
0x92: {  	_ =	strace s17  }
0x93: {  	s2 =	sld [smem:$0x3FFC];
	_ =	sdelay $0x3  }
0x94: {  	_ =	strace s2  }
0x95: {  	s2 =	sld [smem:$0x3FFD];
	_ =	sdelay $0x3  }
0x96: {  	_ =	strace s2  }
0x97: {  	_ =	strace $0x8FFFFFFF  }
0x98: {  	s18 =	sld [smem:$0x3FDB];
	_ =	sdelay $0x1  }
0x99: {  	s19 =	simm.s32 $_scs_section_size  }
0x9a: {  	s4 =	simm.s32 $_size__tile_overlayer_lowered;
	s5 =	simm.s32 $_tile_overlayer_lowered  }
0x9b: {  	s22 =	simm.s32 $0x1BFF;
	s21 =	sshll.u32 s5, $0x1;
	s2 =	sadd.s32 s19, s18  }
0x9c: {  	s6 =	simm.s32 $0x0;
	s20 =	sshll.u32 s4, $0x1;
	s4 =	sadd.s32 s21, s2  }
0x9d: {  	[timem:s6], [sflag:s22] =	dma.local [hbm:s4], s20  }
0x9e: {  	_ =	swait.ge [sflag:s22], s20  }
0x9f: {  	s3 =	ssub.s32 $0x0, s20;
	[sflag:s22] =	ssyncset.done $0x0  }
0xa0: {  	[sflag:s22] =	ssyncadd.s32 s3;
	_ =	sdelay $0x1  }
0xa1: {  	s23 =	simm.s32 $0x1B8B  }
0xa2: {  	_ =	swait.ge [sflag:s23], $0x1  }
0xa3: {  	[sflag:s23] =	ssyncset.done $0x0  }
0xa4: {  	s25 =	simm.s32 $0x1B8E;
	s24 =	sld [smem:$0x3FFE];
	[sflag:s23] =	ssyncadd.s32 $0xFFFFFFFF  }
0xa5: {  	s26 =	simm.s32 $execute0_lowered;
	[smem:$0x3FD2] =	sst s25  }
0xa6: {  	s4 =	sshll.u32 s26, $0x1;
	_ =	strace $0x8000004C;
	[dreg:$0x1] =	wrdreg $0xFFFFFFFF  }
0xa7: {  	s28 =	simm.s32 $_size_execute0_lowered;
	s2 =	sadd.s32 s2, s4;
	[dreg:$0x0] =	wrdreg $0x0  }
0xa8: {  	s4 =	sshll.u32 s28, $0x1;
	[dreg:$0x2] =	wrdreg s2  }
0xa9: {  	[dreg:$0x3] =	wrdreg s4  }
0xaa: {  	[dreg:$0x4] =	wrdreg $0xC0  }
0xab: {  	_ =	task [dreg:s6], $0x5FFFF  }
0xac: {  	[dreg:$0x1] =	wrdreg $0xFFFFFFFF  }
0xad: {  	[dreg:$0x0] =	wrdreg $0x60  }
0xae: {  	[dreg:$0x2] =	wrdreg s24  }
0xaf: {  	[dreg:$0x3] =	wrdreg $0x8E800  }
0xb0: {  	[dreg:$0x4] =	wrdreg $0xB6800  }
0xb1: {  	[dreg:$0x5] =	wrdreg $0x9  }
0xb2: {  	_ =	task.clear_ibuf [dreg:s6], $0x6FFFF;
	_ =	strace $0x9000004C  }
0xb3: {  	s29 =	simm.s32 $0x9;
	_ =	strace $0x8000004E  }
0xb4: {  	_ =	swait.ge [sflag:s29], $0x1  }
0xb5: {  	[sflag:s29] =	ssyncadd.s32 $0xFFFFFFFF  }
0xb6: {  	_ =	strace $0x9000004E  }
0xb7: {  	_ =	sfence  }
0xb8: {  	s30 =	sld [smem:$0x0];
	_ =	sdelay $0x2  }
0xb9: {  	s31 =	sshll.u32 s1, $0xD;
	s1 =	sshrl.u32 s1, $0x2  }
0xba: {  	s3 =	sand.u32 $0x4000, s31;
	s1 =	sadd.s32 s1, s30  }
0xbb: {  	s0 =	sor.u32 s3, s0;
	s1 =	sshll.u32 s1, $0x11  }
0xbc: {  	s0 =	sor.u32 s1, s0  }
0xbd: {  	s0 =	sadd.s32 $0x8F2B, s0  }
0xbe: {  	[sflag:s0] =	ssyncadd.remote.s32 $0x1  }
0xbf: {  	_ =	sfence.sel $0xFFFF  }
0xc0: {  	[dreg:$0x0] =	wrdreg $0xFFFFFFFF;
	(pc) =	sbr.abs _section_cstart, $3  }
0xc1: {  	[dreg:$0x1] =	wrdreg $0xFFFFFFFF  }
0xc2: {  	_ =	task.clear_ibuf [dreg:s6], $0x2FFFF;
	_ =	strace $0x9FFFFFFF  }
0xc3: {  	(tm) =	ssettm $0x7FFFFFFF  }
tec
execute0_lowered:
.L_overlay_start_1:
0x0: {  	(tag) =	ssettag $0x1  }
0x1: {  	s1 =	srdreg.scid  }
0x2: {  	s0 =	stileid.u32;
	s5 =	rddreg [dreg:$0x0];
	s4 =	simm.s32 $0x0  }
0x3: {  	s11 =	simm.s32 $0x3;
	s12 =	simm.s32 $0x2800;
	s16 =	simm.s32 $0x7D  }
0x4: {  	s17 =	simm.s32 $0x5000;
	s18 =	simm.s32 $0x57D0;
	s19 =	simm.s32 $0x5FA0  }
0x5: {  	s20 =	simm.s32 $0x6770;
	s21 =	simm.s32 $0x6F40;
	s22 =	simm.s32 $0x7710  }
0x6: {  	s23 =	simm.s32 $0x7EE0;
	s24 =	simm.s32 $0x86B0;
	s25 =	simm.s32 $0x1  }
0x7: {  	s26 =	simm.s32 $0x2;
	s28 =	simm.s32 $0x0;
	s1 =	sand.u32 $0x1, s1  }
0x8: {  	s2 =	sshll.u32 s0, $0x1;
	s8 =	smul.u32 $0x2800, s0;
	[smem:$0x7FF] =	sst s4  }
0x9: {  	s31 =	sshll.u32 s0, $0x6;
	s3 =	sor.u32 s1, s2;
	s2 =	rddreg [dreg:$0x1]  }
0xa: {  	s7 =	smul.u32 $0x28000, s1;
	s1 =	ssub.s32 $0x2, s1;
	s13 =	sor.u32 $0x1C03, s31  }
0xb: {  	s6 =	smul.u32 $0x500, s3;
	s3 =	rddreg [dreg:$0x2];
	_ =	strace $0x8000004D  }
0xc: {  	s9 =	sshrl.u32 s8, $0x3;
	s30 =	sshrl.u32 s1, $0x1;
	s14 =	sadd.s32 s8, s2  }
0xd: {  	s7 =	sadd.s32 s8, s7;
	s9 =	sadd.s32 s9, s5;
	s1 =	ssub.s32 s1, s30  }
0xe: {  	s15 =	sadd.s32 s8, s3;
	s14 =	sshrl.u32 s14, $0x3;
	s6 =	sadd.s32 s6, s5  }
0xf: {  	s7 =	sshrl.u32 s7, $0x3;
	s8 =	sadd.s32 $0x11600, s9;
	s15 =	sshrl.u32 s15, $0x3  }
0x10: {  	s10 =	sadd.s32 s7, s5;
	s5 =	sadd.s32 $0x20600, s6;
	s6 =	sadd.s32 $0x2600, s6  }
0x11: {  	s7 =	sadd.s32 $0xC600, s9;
	s9 =	sadd.s32 $0x16600, s10;
	s10 =	smax.u32 s1, $0x1  }
.LBB2_1:
0x12: {  	[tilespmem:s4], [sflag:$0x3] =	stream.linear.gather [hbm4b:s5+s4], $0x2800, $0x38;
	[tilespmem:$0xDE80] =	vst v63  }
0x13: {  	_ =	swait.ge [sflag:s11], $0x2800  }
0x14: {  	[sflag:s11] =	ssyncset.done $0x0  }
0x15: {  	[sflag:s11] =	ssyncadd.s32 $0xFFFFD800  }
0x16: {  	[tilespmem:s12], [sflag:$0x3] =	stream.linear.gather [hbm4b:s6+s4], $0x2800, $0x38;
	[tilespmem:$0xDE80] =	vst v63  }
0x17: {  	_ =	swait.ge [sflag:s11], $0x2800  }
0x18: {  	[sflag:s11] =	ssyncset.done $0x0  }
0x19: {  	[sflag:s11] =	ssyncadd.s32 $0xFFFFD800  }
0x1a: {  	[spmem:s14], [sflag:s13] =	dma.local [hbm:s7], $0x500  }
0x1b: {  	_ =	swait.ge [sflag:s11], $0x500  }
0x1c: {  	[sflag:s11] =	ssyncset.done $0x0  }
0x1d: {  	[sflag:s11] =	ssyncadd.s32 $0xFFFFFB00  }
0x1e: {  	[spmem:s15], [sflag:s13] =	dma.local [hbm:s8], $0x500  }
0x1f: {  	_ =	swait.ge [sflag:s11], $0x500  }
0x20: {  	[sflag:s11] =	ssyncset.done $0x0  }
0x21: {  	[sflag:s11] =	ssyncadd.s32 $0xFFFFFB00  }
0x22: {  	s1 =	simm.s32 $0x0;
	[bflag:$0x0] =	sbarrier.arrive $0xFFFF  }
0x23: {  	[tilespmem:s17], [sflag:$0x1] =	stream.indirect.gather [spmem:s2], $0x10, s1, s16, $0xb8;
	[tilespmem:$0xDE80] =	vst v63  }
0x24: {  	s31 =	simm.s32 $0x80  }
0x25: {  	[tilespmem:s18], [sflag:$0x1] =	stream.indirect.gather [spmem:s2], $0x10, s31, s16, $0xb8;
	[tilespmem:$0xDE80] =	vst v63  }
0x26: {  	s31 =	simm.s32 $0x100  }
0x27: {  	[tilespmem:s19], [sflag:$0x1] =	stream.indirect.gather [spmem:s2], $0x10, s31, s16, $0xb8;
	[tilespmem:$0xDE80] =	vst v63  }
0x28: {  	s31 =	simm.s32 $0x180  }
0x29: {  	[tilespmem:s20], [sflag:$0x1] =	stream.indirect.gather [spmem:s2], $0x10, s31, s16, $0xb8;
	[tilespmem:$0xDE80] =	vst v63  }
0x2a: {  	s31 =	simm.s32 $0x200  }
0x2b: {  	[tilespmem:s21], [sflag:$0x1] =	stream.indirect.gather [spmem:s2], $0x10, s31, s16, $0xb8;
	[tilespmem:$0xDE80] =	vst v63  }
0x2c: {  	s31 =	simm.s32 $0x280  }
0x2d: {  	[tilespmem:s22], [sflag:$0x1] =	stream.indirect.gather [spmem:s2], $0x10, s31, s16, $0xb8;
	[tilespmem:$0xDE80] =	vst v63  }
0x2e: {  	s31 =	simm.s32 $0x300  }
0x2f: {  	[tilespmem:s23], [sflag:$0x1] =	stream.indirect.gather [spmem:s2], $0x10, s31, s16, $0xb8;
	[tilespmem:$0xDE80] =	vst v63  }
0x30: {  	s31 =	simm.s32 $0x380  }
0x31: {  	[tilespmem:s24], [sflag:$0x1] =	stream.indirect.gather [spmem:s2], $0x10, s31, s16, $0xb8;
	[tilespmem:$0xDE80] =	vst v63  }
0x32: {  	_ =	swait.ge [sflag:s25], $0x7D0  }
0x33: {  	[sflag:s25] =	ssyncset.done $0x0  }
0x34: {  	s31 =	simm.s32 $0x2800;
	[sflag:s25] =	ssyncadd.s32 $0xFFFFF830  }
0x35: {  	[spmem:s3] =	stream.indirect.scatter.add.f32 [tilespmem:s17], [sflag:$0x2], $0x10, s31, s16, $0xb8;
	[tilespmem:$0xDE80] =	vst v63  }
0x36: {  	_ =	swait.ge [sflag:s25], $0x7D0  }
0x37: {  	[sflag:s25] =	ssyncset.done $0x0  }
0x38: {  	s31 =	simm.s32 $0x2880;
	[sflag:s25] =	ssyncadd.s32 $0xFFFFF830  }
0x39: {  	[spmem:s3] =	stream.indirect.scatter.add.f32 [tilespmem:s18], [sflag:$0x2], $0x10, s31, s16, $0xb8;
	[tilespmem:$0xDE80] =	vst v63  }
0x3a: {  	_ =	swait.ge [sflag:s25], $0x7D0  }
0x3b: {  	[sflag:s25] =	ssyncset.done $0x0  }
0x3c: {  	s31 =	simm.s32 $0x2900;
	[sflag:s25] =	ssyncadd.s32 $0xFFFFF830  }
0x3d: {  	[spmem:s3] =	stream.indirect.scatter.add.f32 [tilespmem:s19], [sflag:$0x2], $0x10, s31, s16, $0xb8;
	[tilespmem:$0xDE80] =	vst v63  }
0x3e: {  	_ =	swait.ge [sflag:s25], $0x7D0  }
0x3f: {  	[sflag:s25] =	ssyncset.done $0x0  }
0x40: {  	s31 =	simm.s32 $0x2980;
	[sflag:s25] =	ssyncadd.s32 $0xFFFFF830  }
0x41: {  	[spmem:s3] =	stream.indirect.scatter.add.f32 [tilespmem:s20], [sflag:$0x2], $0x10, s31, s16, $0xb8;
	[tilespmem:$0xDE80] =	vst v63  }
0x42: {  	_ =	swait.ge [sflag:s25], $0x7D0  }
0x43: {  	[sflag:s25] =	ssyncset.done $0x0  }
0x44: {  	s31 =	simm.s32 $0x2A00;
	[sflag:s25] =	ssyncadd.s32 $0xFFFFF830  }
0x45: {  	[spmem:s3] =	stream.indirect.scatter.add.f32 [tilespmem:s21], [sflag:$0x2], $0x10, s31, s16, $0xb8;
	[tilespmem:$0xDE80] =	vst v63  }
0x46: {  	_ =	swait.ge [sflag:s25], $0x7D0  }
0x47: {  	[sflag:s25] =	ssyncset.done $0x0  }
0x48: {  	s31 =	simm.s32 $0x2A80;
	[sflag:s25] =	ssyncadd.s32 $0xFFFFF830  }
0x49: {  	[spmem:s3] =	stream.indirect.scatter.add.f32 [tilespmem:s22], [sflag:$0x2], $0x10, s31, s16, $0xb8;
	[tilespmem:$0xDE80] =	vst v63  }
0x4a: {  	_ =	swait.ge [sflag:s25], $0x7D0  }
0x4b: {  	[sflag:s25] =	ssyncset.done $0x0  }
0x4c: {  	s31 =	simm.s32 $0x2B00;
	[sflag:s25] =	ssyncadd.s32 $0xFFFFF830  }
0x4d: {  	[spmem:s3] =	stream.indirect.scatter.add.f32 [tilespmem:s23], [sflag:$0x2], $0x10, s31, s16, $0xb8;
	[tilespmem:$0xDE80] =	vst v63  }
0x4e: {  	_ =	swait.ge [sflag:s25], $0x7D0  }
0x4f: {  	[sflag:s25] =	ssyncset.done $0x0  }
0x50: {  	s31 =	simm.s32 $0x2B80;
	[sflag:s25] =	ssyncadd.s32 $0xFFFFF830  }
0x51: {  	[spmem:s3] =	stream.indirect.scatter.add.f32 [tilespmem:s24], [sflag:$0x2], $0x10, s31, s16, $0xb8;
	[tilespmem:$0xDE80] =	vst v63  }
0x52: {  	_ =	swait.ge [sflag:s26], $0x7D0  }
0x53: {  	[sflag:s26] =	ssyncset.done $0x0  }
0x54: {  	[sflag:s26] =	ssyncadd.s32 $0xFFFFF830  }
0x55: {  	_ =	swait.ge [sflag:s26], $0x7D0  }
0x56: {  	[sflag:s26] =	ssyncset.done $0x0  }
0x57: {  	[sflag:s26] =	ssyncadd.s32 $0xFFFFF830  }
0x58: {  	_ =	swait.ge [sflag:s26], $0x7D0  }
0x59: {  	[sflag:s26] =	ssyncset.done $0x0  }
0x5a: {  	[sflag:s26] =	ssyncadd.s32 $0xFFFFF830  }
0x5b: {  	_ =	swait.ge [sflag:s26], $0x7D0  }
0x5c: {  	[sflag:s26] =	ssyncset.done $0x0  }
0x5d: {  	[sflag:s26] =	ssyncadd.s32 $0xFFFFF830  }
0x5e: {  	_ =	swait.ge [sflag:s26], $0x7D0  }
0x5f: {  	[sflag:s26] =	ssyncset.done $0x0  }
0x60: {  	[sflag:s26] =	ssyncadd.s32 $0xFFFFF830  }
0x61: {  	_ =	swait.ge [sflag:s26], $0x7D0  }
0x62: {  	[sflag:s26] =	ssyncset.done $0x0  }
0x63: {  	[sflag:s26] =	ssyncadd.s32 $0xFFFFF830  }
0x64: {  	_ =	swait.ge [sflag:s26], $0x7D0  }
0x65: {  	[sflag:s26] =	ssyncset.done $0x0  }
0x66: {  	[sflag:s26] =	ssyncadd.s32 $0xFFFFF830  }
0x67: {  	_ =	swait.ge [sflag:s26], $0x7D0  }
0x68: {  	s29 =	simm.s32 $0x1000;
	s30 =	simm.s32 $0x2000;
	[sflag:s26] =	ssyncset.done $0x0  }
.LBB2_2:
0x69: {  	s31 =	sshra.s32 s29, $0x2  }
0x6a: {  	[sflag:s26] =	ssyncadd.s32 $0xFFFFF830;
	s29 =	smov.u32 s30;
	s1 =	sadd.s32 $0x1000, s30  }
0x6b: {  	[tilespmem:s17], [sflag:$0x1] =	stream.indirect.gather [spmem:s2], $0x10, s31, s16, $0xb8;
	[tilespmem:$0xDE80] =	vst v63  }
0x6c: {  	p0 =	sne.s32 s30, $0x9000;
	s30 =	sadd.s32 $0x80, s31  }
0x6d: {  	[tilespmem:s18], [sflag:$0x1] =	stream.indirect.gather [spmem:s2], $0x10, s30, s16, $0xb8;
	[tilespmem:$0xDE80] =	vst v63  }
0x6e: {  	s30 =	sadd.s32 $0x100, s31  }
0x6f: {  	[tilespmem:s19], [sflag:$0x1] =	stream.indirect.gather [spmem:s2], $0x10, s30, s16, $0xb8;
	[tilespmem:$0xDE80] =	vst v63  }
0x70: {  	s30 =	sadd.s32 $0x180, s31  }
0x71: {  	[tilespmem:s20], [sflag:$0x1] =	stream.indirect.gather [spmem:s2], $0x10, s30, s16, $0xb8;
	[tilespmem:$0xDE80] =	vst v63  }
0x72: {  	s30 =	sadd.s32 $0x200, s31  }
0x73: {  	[tilespmem:s21], [sflag:$0x1] =	stream.indirect.gather [spmem:s2], $0x10, s30, s16, $0xb8;
	[tilespmem:$0xDE80] =	vst v63  }
0x74: {  	s30 =	sadd.s32 $0x280, s31  }
0x75: {  	[tilespmem:s22], [sflag:$0x1] =	stream.indirect.gather [spmem:s2], $0x10, s30, s16, $0xb8;
	[tilespmem:$0xDE80] =	vst v63  }
0x76: {  	s30 =	sadd.s32 $0x300, s31  }
0x77: {  	[tilespmem:s23], [sflag:$0x1] =	stream.indirect.gather [spmem:s2], $0x10, s30, s16, $0xb8;
	[tilespmem:$0xDE80] =	vst v63  }
0x78: {  	s30 =	sadd.s32 $0x380, s31  }
0x79: {  	[tilespmem:s24], [sflag:$0x1] =	stream.indirect.gather [spmem:s2], $0x10, s30, s16, $0xb8;
	[tilespmem:$0xDE80] =	vst v63  }
0x7a: {  	_ =	swait.ge [sflag:s25], $0x7D0  }
0x7b: {  	[sflag:s25] =	ssyncset.done $0x0  }
0x7c: {  	s30 =	sadd.s32 $0x2800, s31;
	[sflag:s25] =	ssyncadd.s32 $0xFFFFF830  }
0x7d: {  	[spmem:s3] =	stream.indirect.scatter.add.f32 [tilespmem:s17], [sflag:$0x2], $0x10, s30, s16, $0xb8;
	[tilespmem:$0xDE80] =	vst v63  }
0x7e: {  	_ =	swait.ge [sflag:s25], $0x7D0  }
0x7f: {  	[sflag:s25] =	ssyncset.done $0x0  }
0x80: {  	s30 =	sadd.s32 $0x2880, s31;
	[sflag:s25] =	ssyncadd.s32 $0xFFFFF830  }
0x81: {  	[spmem:s3] =	stream.indirect.scatter.add.f32 [tilespmem:s18], [sflag:$0x2], $0x10, s30, s16, $0xb8;
	[tilespmem:$0xDE80] =	vst v63  }
0x82: {  	_ =	swait.ge [sflag:s25], $0x7D0  }
0x83: {  	[sflag:s25] =	ssyncset.done $0x0  }
0x84: {  	s30 =	sadd.s32 $0x2900, s31;
	[sflag:s25] =	ssyncadd.s32 $0xFFFFF830  }
0x85: {  	[spmem:s3] =	stream.indirect.scatter.add.f32 [tilespmem:s19], [sflag:$0x2], $0x10, s30, s16, $0xb8;
	[tilespmem:$0xDE80] =	vst v63  }
0x86: {  	_ =	swait.ge [sflag:s25], $0x7D0  }
0x87: {  	[sflag:s25] =	ssyncset.done $0x0  }
0x88: {  	s30 =	sadd.s32 $0x2980, s31;
	[sflag:s25] =	ssyncadd.s32 $0xFFFFF830  }
0x89: {  	[spmem:s3] =	stream.indirect.scatter.add.f32 [tilespmem:s20], [sflag:$0x2], $0x10, s30, s16, $0xb8;
	[tilespmem:$0xDE80] =	vst v63  }
0x8a: {  	_ =	swait.ge [sflag:s25], $0x7D0  }
0x8b: {  	[sflag:s25] =	ssyncset.done $0x0  }
0x8c: {  	s30 =	sadd.s32 $0x2A00, s31;
	[sflag:s25] =	ssyncadd.s32 $0xFFFFF830  }
0x8d: {  	[spmem:s3] =	stream.indirect.scatter.add.f32 [tilespmem:s21], [sflag:$0x2], $0x10, s30, s16, $0xb8;
	[tilespmem:$0xDE80] =	vst v63  }
0x8e: {  	_ =	swait.ge [sflag:s25], $0x7D0  }
0x8f: {  	[sflag:s25] =	ssyncset.done $0x0  }
0x90: {  	s30 =	sadd.s32 $0x2A80, s31;
	[sflag:s25] =	ssyncadd.s32 $0xFFFFF830  }
0x91: {  	[spmem:s3] =	stream.indirect.scatter.add.f32 [tilespmem:s22], [sflag:$0x2], $0x10, s30, s16, $0xb8;
	[tilespmem:$0xDE80] =	vst v63  }
0x92: {  	_ =	swait.ge [sflag:s25], $0x7D0  }
0x93: {  	[sflag:s25] =	ssyncset.done $0x0  }
0x94: {  	s30 =	sadd.s32 $0x2B00, s31;
	[sflag:s25] =	ssyncadd.s32 $0xFFFFF830  }
0x95: {  	[spmem:s3] =	stream.indirect.scatter.add.f32 [tilespmem:s23], [sflag:$0x2], $0x10, s30, s16, $0xb8;
	[tilespmem:$0xDE80] =	vst v63  }
0x96: {  	_ =	swait.ge [sflag:s25], $0x7D0  }
0x97: {  	[sflag:s25] =	ssyncset.done $0x0  }
0x98: {  	s30 =	sadd.s32 $0x2B80, s31;
	[sflag:s25] =	ssyncadd.s32 $0xFFFFF830  }
0x99: {  	[spmem:s3] =	stream.indirect.scatter.add.f32 [tilespmem:s24], [sflag:$0x2], $0x10, s30, s16, $0xb8;
	[tilespmem:$0xDE80] =	vst v63  }
0x9a: {  	_ =	swait.ge [sflag:s26], $0x7D0  }
0x9b: {  	[sflag:s26] =	ssyncset.done $0x0  }
0x9c: {  	[sflag:s26] =	ssyncadd.s32 $0xFFFFF830  }
0x9d: {  	_ =	swait.ge [sflag:s26], $0x7D0  }
0x9e: {  	[sflag:s26] =	ssyncset.done $0x0  }
0x9f: {  	[sflag:s26] =	ssyncadd.s32 $0xFFFFF830  }
0xa0: {  	_ =	swait.ge [sflag:s26], $0x7D0  }
0xa1: {  	[sflag:s26] =	ssyncset.done $0x0  }
0xa2: {  	[sflag:s26] =	ssyncadd.s32 $0xFFFFF830  }
0xa3: {  	_ =	swait.ge [sflag:s26], $0x7D0  }
0xa4: {  	[sflag:s26] =	ssyncset.done $0x0  }
0xa5: {  	[sflag:s26] =	ssyncadd.s32 $0xFFFFF830  }
0xa6: {  	_ =	swait.ge [sflag:s26], $0x7D0  }
0xa7: {  	[sflag:s26] =	ssyncset.done $0x0  }
0xa8: {  	[sflag:s26] =	ssyncadd.s32 $0xFFFFF830  }
0xa9: {  	_ =	swait.ge [sflag:s26], $0x7D0  }
0xaa: {  	[sflag:s26] =	ssyncset.done $0x0  }
0xab: {  	[sflag:s26] =	ssyncadd.s32 $0xFFFFF830  }
.Ltmp0:
0xac: {  	_ =	swait.ge [sflag:s26], $0x7D0;
	(pc) =	sbr.rel @p0 .LBB2_2-.Ltmp0, $4  }
0xad: {  	[sflag:s26] =	ssyncset.done $0x0  }
0xae: {  	[sflag:s26] =	ssyncadd.s32 $0xFFFFF830  }
0xaf: {  	_ =	swait.ge [sflag:s26], $0x7D0  }
0xb0: {  	s30 =	smov.u32 s1;
	[sflag:s26] =	ssyncset.done $0x0  }
0xb1: {  	s1 =	sshra.s32 s29, $0x2;
	[sflag:s26] =	ssyncadd.s32 $0xFFFFF830  }
0xb2: {  	[tilespmem:s17], [sflag:$0x1] =	stream.indirect.gather [spmem:s2], $0x10, s1, s16, $0xb8;
	[tilespmem:$0xDE80] =	vst v63  }
0xb3: {  	s29 =	sadd.s32 $0x80, s1  }
0xb4: {  	[tilespmem:s18], [sflag:$0x1] =	stream.indirect.gather [spmem:s2], $0x10, s29, s16, $0xb8;
	[tilespmem:$0xDE80] =	vst v63  }
0xb5: {  	s31 =	sadd.s32 $0x100, s1  }
0xb6: {  	[tilespmem:s19], [sflag:$0x1] =	stream.indirect.gather [spmem:s2], $0x10, s31, s16, $0xb8;
	[tilespmem:$0xDE80] =	vst v63  }
0xb7: {  	s30 =	sadd.s32 $0x180, s1  }
0xb8: {  	[tilespmem:s20], [sflag:$0x1] =	stream.indirect.gather [spmem:s2], $0x10, s30, s16, $0xb8;
	[tilespmem:$0xDE80] =	vst v63  }
0xb9: {  	s31 =	sadd.s32 $0x200, s1  }
0xba: {  	[tilespmem:s21], [sflag:$0x1] =	stream.indirect.gather [spmem:s2], $0x10, s31, s16, $0xb8;
	[tilespmem:$0xDE80] =	vst v63  }
0xbb: {  	s30 =	sadd.s32 $0x280, s1  }
0xbc: {  	[tilespmem:s22], [sflag:$0x1] =	stream.indirect.gather [spmem:s2], $0x10, s30, s16, $0xb8;
	[tilespmem:$0xDE80] =	vst v63  }
0xbd: {  	s31 =	sadd.s32 $0x300, s1  }
0xbe: {  	[tilespmem:s23], [sflag:$0x1] =	stream.indirect.gather [spmem:s2], $0x10, s31, s16, $0xb8;
	[tilespmem:$0xDE80] =	vst v63  }
0xbf: {  	s30 =	sadd.s32 $0x380, s1  }
0xc0: {  	[tilespmem:s24], [sflag:$0x1] =	stream.indirect.gather [spmem:s2], $0x10, s30, s16, $0xb8;
	[tilespmem:$0xDE80] =	vst v63  }
0xc1: {  	_ =	swait.ge [sflag:s25], $0x7D0  }
0xc2: {  	[sflag:s25] =	ssyncset.done $0x0  }
0xc3: {  	s31 =	sadd.s32 $0x2800, s1;
	[sflag:s25] =	ssyncadd.s32 $0xFFFFF830  }
0xc4: {  	[spmem:s3] =	stream.indirect.scatter.add.f32 [tilespmem:s17], [sflag:$0x2], $0x10, s31, s16, $0xb8;
	[tilespmem:$0xDE80] =	vst v63  }
0xc5: {  	_ =	swait.ge [sflag:s25], $0x7D0  }
0xc6: {  	[sflag:s25] =	ssyncset.done $0x0  }
0xc7: {  	s30 =	sadd.s32 $0x2880, s1;
	[sflag:s25] =	ssyncadd.s32 $0xFFFFF830  }
0xc8: {  	[spmem:s3] =	stream.indirect.scatter.add.f32 [tilespmem:s18], [sflag:$0x2], $0x10, s30, s16, $0xb8;
	[tilespmem:$0xDE80] =	vst v63  }
0xc9: {  	_ =	swait.ge [sflag:s25], $0x7D0  }
0xca: {  	[sflag:s25] =	ssyncset.done $0x0  }
0xcb: {  	s31 =	sadd.s32 $0x2900, s1;
	[sflag:s25] =	ssyncadd.s32 $0xFFFFF830  }
0xcc: {  	[spmem:s3] =	stream.indirect.scatter.add.f32 [tilespmem:s19], [sflag:$0x2], $0x10, s31, s16, $0xb8;
	[tilespmem:$0xDE80] =	vst v63  }
0xcd: {  	_ =	swait.ge [sflag:s25], $0x7D0  }
0xce: {  	[sflag:s25] =	ssyncset.done $0x0  }
0xcf: {  	s30 =	sadd.s32 $0x2980, s1;
	[sflag:s25] =	ssyncadd.s32 $0xFFFFF830  }
0xd0: {  	[spmem:s3] =	stream.indirect.scatter.add.f32 [tilespmem:s20], [sflag:$0x2], $0x10, s30, s16, $0xb8;
	[tilespmem:$0xDE80] =	vst v63  }
0xd1: {  	_ =	swait.ge [sflag:s25], $0x7D0  }
0xd2: {  	[sflag:s25] =	ssyncset.done $0x0  }
0xd3: {  	s31 =	sadd.s32 $0x2A00, s1;
	[sflag:s25] =	ssyncadd.s32 $0xFFFFF830  }
0xd4: {  	[spmem:s3] =	stream.indirect.scatter.add.f32 [tilespmem:s21], [sflag:$0x2], $0x10, s31, s16, $0xb8;
	[tilespmem:$0xDE80] =	vst v63  }
0xd5: {  	_ =	swait.ge [sflag:s25], $0x7D0  }
0xd6: {  	[sflag:s25] =	ssyncset.done $0x0  }
0xd7: {  	s30 =	sadd.s32 $0x2A80, s1;
	[sflag:s25] =	ssyncadd.s32 $0xFFFFF830  }
0xd8: {  	[spmem:s3] =	stream.indirect.scatter.add.f32 [tilespmem:s22], [sflag:$0x2], $0x10, s30, s16, $0xb8;
	[tilespmem:$0xDE80] =	vst v63  }
0xd9: {  	_ =	swait.ge [sflag:s25], $0x7D0  }
0xda: {  	[sflag:s25] =	ssyncset.done $0x0  }
0xdb: {  	s31 =	sadd.s32 $0x2B00, s1;
	[sflag:s25] =	ssyncadd.s32 $0xFFFFF830  }
0xdc: {  	[spmem:s3] =	stream.indirect.scatter.add.f32 [tilespmem:s23], [sflag:$0x2], $0x10, s31, s16, $0xb8;
	[tilespmem:$0xDE80] =	vst v63  }
0xdd: {  	_ =	swait.ge [sflag:s25], $0x7D0  }
0xde: {  	[sflag:s25] =	ssyncset.done $0x0  }
0xdf: {  	s1 =	sadd.s32 $0x2B80, s1;
	[sflag:s25] =	ssyncadd.s32 $0xFFFFF830  }
0xe0: {  	[spmem:s3] =	stream.indirect.scatter.add.f32 [tilespmem:s24], [sflag:$0x2], $0x10, s1, s16, $0xb8;
	[tilespmem:$0xDE80] =	vst v63  }
0xe1: {  	_ =	swait.ge [sflag:s26], $0x7D0  }
0xe2: {  	[sflag:s26] =	ssyncset.done $0x0  }
0xe3: {  	[sflag:s26] =	ssyncadd.s32 $0xFFFFF830  }
0xe4: {  	_ =	swait.ge [sflag:s26], $0x7D0  }
0xe5: {  	[sflag:s26] =	ssyncset.done $0x0  }
0xe6: {  	[sflag:s26] =	ssyncadd.s32 $0xFFFFF830  }
0xe7: {  	_ =	swait.ge [sflag:s26], $0x7D0  }
0xe8: {  	[sflag:s26] =	ssyncset.done $0x0  }
0xe9: {  	[sflag:s26] =	ssyncadd.s32 $0xFFFFF830  }
0xea: {  	_ =	swait.ge [sflag:s26], $0x7D0  }
0xeb: {  	[sflag:s26] =	ssyncset.done $0x0  }
0xec: {  	[sflag:s26] =	ssyncadd.s32 $0xFFFFF830  }
0xed: {  	_ =	swait.ge [sflag:s26], $0x7D0  }
0xee: {  	[sflag:s26] =	ssyncset.done $0x0  }
0xef: {  	[sflag:s26] =	ssyncadd.s32 $0xFFFFF830  }
0xf0: {  	_ =	swait.ge [sflag:s26], $0x7D0  }
0xf1: {  	[sflag:s26] =	ssyncset.done $0x0  }
0xf2: {  	[sflag:s26] =	ssyncadd.s32 $0xFFFFF830  }
0xf3: {  	_ =	swait.ge [sflag:s26], $0x7D0  }
0xf4: {  	[sflag:s26] =	ssyncset.done $0x0  }
0xf5: {  	[sflag:s26] =	ssyncadd.s32 $0xFFFFF830  }
0xf6: {  	_ =	swait.ge [sflag:s26], $0x7D0  }
0xf7: {  	s28 =	sadd.s32 $0x1, s28;
	[sflag:s26] =	ssyncset.done $0x0  }
0xf8: {  	p0 =	sne.s32 s28, s10;
	[sflag:s26] =	ssyncadd.s32 $0xFFFFF830  }
.Ltmp1:
0xf9: {  	[bflag:$0x0] =	sbarrier.arrive $0xFFFF;
	(pc) =	sbr.rel @p0 .LBB2_1-.Ltmp1, $4  }
0xfa: {  	[hbm:s9], [sflag:s13] =	dma.local [spmem:s15], $0x500  }
0xfb: {  	_ =	swait.ge [sflag:s11], $0x500  }
0xfc: {  	[sflag:s11] =	ssyncset.done $0x0  }
0xfd: {  	[sflag:s11] =	ssyncadd.s32 $0xFFFFFB00  }
0xfe: {  	_ =	sfence.sel $0x180000  }
0xff: {  	[bflag:$0x0] =	sbarrier.arrive $0xFFFF  }
0x100: {  	_ =	strace $0x9000004D  }
0x101: {  	[bflag:$0x2] =	sbarrier.arrive $0xFFFF  }
0x102: {  	p0 =	sne.s32 s0, $0x0;
	s0 =	rddreg [dreg:$0x3]  }
0x103: {  	s0 =	sadd.s32 @!p0 $0x100000, s0  }
0x104: {  	[sflag:s0] =	ssyncadd.tile.s32 @!p0 $0x1;
	_ =	shalt  }
.Lfunc_end2:
_tile_overlayer_lowered:
.L_overlay_start_2:
0x105: {  	(tag) =	ssettag $0x2  }
0x106: {  	s0 =	rddreg [dreg:$0x0];
	s2 =	stileid.u32  }
0x107: {  	s1 =	rddreg [dreg:$0x1];
	p0 =	sne.s32 s2, $0x0  }
0x108: {  	s3 =	rddreg [dreg:$0x2];
	[bflag:$0x3] =	sbarrier.arrive $0xFFFF;
	s2 =	simm.s32 @!p0 $0x1C03  }
0x109: {  	[timem:s3], [sflag:s2] =	dma.local @!p0 [hbm:s0], s1  }
0x10a: {  	s0 =	simm.s32 @!p0 $0x3  }
0x10b: {  	_ =	swait.ge @!p0 [sflag:s0], s1  }
0x10c: {  	s1 =	ssub.s32 @!p0 $0x0, s1;
	[sflag:s0] =	ssyncset.done @!p0 $0x0  }
0x10d: {  	[sflag:s0] =	ssyncadd.s32 @!p0 s1  }
0x10e: {  	[bflag:$0x3] =	sbarrier.arrive $0xFFFF  }
0x10f: {  	_ =	shalt  }

// kernel: kernel.9.cloned.1.call-start
scs
__scs_entry_jumppad:
0x0: {  	(pc) =	sbr.rel $0x88, $3  }
0x1: {  	(tag) =	ssettag $0x0;
	lr =	simm.s32 $0x1  }
0x2: {  	[smem:$0x3F9B] =	sst lr;
	_ =	strace $0xD0000000  }
0x3: {  	_ = 	snop  }
0x4: {  	_ = 	snop  }
0x5: {  	_ = 	snop  }
0x6: {  	_ = 	snop  }
0x7: {  	_ = 	snop  }
__scs_overlays_trampoline_lowered:
0x8: {  	[smem:$0x3FAA] =	sst s0  }
0x9: {  	[smem:$0x3FAB] =	sst s1  }
0xa: {  	[smem:$0x3FAC] =	sst s2  }
0xb: {  	[smem:$0x3FAD] =	sst s3  }
0xc: {  	[smem:$0x3FAE] =	sst s4  }
0xd: {  	[smem:$0x3FAF] =	sst s5  }
0xe: {  	[smem:$0x3FB0] =	sst s6  }
0xf: {  	[smem:$0x3FB1] =	sst s7  }
0x10: {  	[smem:$0x3FB2] =	sst s8  }
0x11: {  	[smem:$0x3FB3] =	sst s9;
	s0 =	simm.s32 @!p0 $0x0  }
0x12: {  	s1 =	sld [smem:$0x3F99];
	s0 =	simm.s32 @p0 $0x1  }
0x13: {  	[smem:$0x3FB4] =	sst s0;
	s0 =	simm.s32 @!p1 $0x0  }
0x14: {  	s2 =	sld [smem:$0x3F98];
	s0 =	simm.s32 @p1 $0x1  }
0x15: {  	[smem:$0x3FB5] =	sst s0;
	s0 =	simm.s32 @!p2 $0x0  }
0x16: {  	s3 =	sld [smem:$0x3FDB];
	s0 =	simm.s32 @p2 $0x1  }
0x17: {  	s4 =	simm.s32 $0x1BF5;
	[smem:$0x3FB7] =	sst s0  }
0x18: {  	s0 =	sld [smem:$0x3F9A];
	_ =	swait.ge [sflag:s4], $0x0  }
0x19: {  	s7 =	sld [smem:$0x3F9B]  }
0x1a: {  	s8 =	sadd.s32 $0xFFFFE003, lr  }
0x1b: {  	s9 =	sadd.s32 $0xFFFFFEF7, lr;
	s5 =	simm.s32 $0xFFFFFFFF;
	p2 =	slt.u32 s8, $0xFFFFF086  }
0x1c: {  	p1 =	slt.u32 s9, $0xF7A;
	s5 =	simm.s32 @!p2 $0x0  }
0x1d: {  	s5 =	simm.s32 @p1 $0x1;
	p0 =	seq.s32 s7, s2  }
0x1e: {  	s7 =	smul.u32 @!p0 $0xF7A, s2;
	p2 =	seq.s32 @!p0 s5, $0x0  }
0x1f: {  	s9 =	smul.u32 $0xF7A, s1;
	s8 =	simm.s32 @!p0 $0x1BF5;
	p2 =	por !p2, p0  }
0x20: {  	[sflag:s8] =	ssyncset.s32 @!p0 $0xFFFFF086;
	s6 =	sadd.s32 @!p0 s3, s7;
	s7 =	simm.s32 @!p0 $0x108  }
0x21: {  	s3 =	sadd.s32 s3, s9;
	s6 =	sadd.s32 @!p0 $0x88, s6;
	s7 =	simm.s32 @p2 $0x1082  }
0x22: {  	[simem:s7], [sflag:s8] =	dma.local @!p0 [hbm:s6], $0xF7A  }
0x23: {  	s9 =	sor.u32 $0xD0000000, s2;
	s6 =	simm.s32 $0x108;
	_ =	swait.ge @!p0 [sflag:s8], $0x0  }
0x24: {  	s3 =	sadd.s32 $0x88, s3;
	s6 =	simm.s32 @!p1 $0x1082;
	[sflag:s4] =	ssyncset.s32 $0xFFFFF086  }
0x25: {  	[simem:s6], [sflag:s4] =	dma.local [hbm:s3], $0xF7A  }
0x26: {  	[smem:$0x3F9B] =	sst s1;
	(tag) =	ssettag s2;
	_ =	strace s9  }
0x27: {  	s1 =	sld [smem:$0x3FAB]  }
0x28: {  	s2 =	sld [smem:$0x3FAC]  }
0x29: {  	s4 =	sld [smem:$0x3FAE]  }
0x2a: {  	p0 =	seq.s32 s5, $0x0;
	s5 =	sld [smem:$0x3FAF]  }
0x2b: {  	s6 =	sld [smem:$0x3FB0]  }
0x2c: {  	s7 =	sld [smem:$0x3FB1]  }
0x2d: {  	s3 =	simm.s32 $0x108;
	s8 =	sld [smem:$0x3FB2]  }
0x2e: {  	s3 =	simm.s32 @!p0 $0x1082;
	s9 =	sld [smem:$0x3FB3]  }
0x2f: {  	lr =	sadd.s32 s0, s3;
	s0 =	sld [smem:$0x3FAA]  }
0x30: {  	s3 =	sld [smem:$0x3FAD]  }
0x31: {  	[smem:$0x3FB6] =	sst s10  }
0x32: {  	s10 =	sld [smem:$0x3FB4];
	_ =	sdelay $0x3  }
0x33: {  	p0 =	seq.s32 s10, $0x1;
	s10 =	sld [smem:$0x3FB6];
	_ =	sdelay $0x3  }
0x34: {  	[smem:$0x3FB6] =	sst s10  }
0x35: {  	s10 =	sld [smem:$0x3FB5];
	_ =	sdelay $0x3  }
0x36: {  	p1 =	seq.s32 s10, $0x1;
	s10 =	sld [smem:$0x3FB6];
	_ =	sdelay $0x3  }
0x37: {  	[smem:$0x3FB6] =	sst s10  }
0x38: {  	s10 =	sld [smem:$0x3FB7]  }
0x39: {  	_ = 	snop;
	(pc) =	sbr.ind lr, $3  }
0x3a: {  	_ = 	snop  }
0x3b: {  	_ = 	snop  }
0x3c: {  	p2 =	seq.s32 s10, $0x1;
	s10 =	sld [smem:$0x3FB6]  }
0x3d: {  	_ =	shalt  }
0x3e: {  	_ =	shalt  }
0x3f: {  	_ =	shalt  }
0x40: {  	_ =	shalt  }
0x41: {  	_ =	shalt  }
0x42: {  	_ =	shalt  }
0x43: {  	_ =	shalt  }
0x44: {  	_ =	shalt  }
0x45: {  	_ =	shalt  }
0x46: {  	_ =	shalt  }
0x47: {  	_ =	shalt  }
0x48: {  	_ =	shalt  }
0x49: {  	_ =	shalt  }
0x4a: {  	_ =	shalt  }
0x4b: {  	_ =	shalt  }
0x4c: {  	_ =	shalt  }
0x4d: {  	_ =	shalt  }
0x4e: {  	_ =	shalt  }
0x4f: {  	_ =	shalt  }
0x50: {  	_ =	shalt  }
0x51: {  	_ =	shalt  }
0x52: {  	_ =	shalt  }
0x53: {  	_ =	shalt  }
0x54: {  	_ =	shalt  }
0x55: {  	_ =	shalt  }
0x56: {  	_ =	shalt  }
0x57: {  	_ =	shalt  }
0x58: {  	_ =	shalt  }
0x59: {  	_ =	shalt  }
0x5a: {  	_ =	shalt  }
0x5b: {  	_ =	shalt  }
0x5c: {  	_ =	shalt  }
0x5d: {  	_ =	shalt  }
0x5e: {  	_ =	shalt  }
0x5f: {  	_ =	shalt  }
0x60: {  	_ =	shalt  }
0x61: {  	_ =	shalt  }
0x62: {  	_ =	shalt  }
0x63: {  	_ =	shalt  }
0x64: {  	_ =	shalt  }
0x65: {  	_ =	shalt  }
0x66: {  	_ =	shalt  }
0x67: {  	_ =	shalt  }
0x68: {  	_ =	shalt  }
0x69: {  	_ =	shalt  }
0x6a: {  	_ =	shalt  }
0x6b: {  	_ =	shalt  }
0x6c: {  	_ =	shalt  }
0x6d: {  	_ =	shalt  }
0x6e: {  	_ =	shalt  }
0x6f: {  	_ =	shalt  }
0x70: {  	_ =	shalt  }
0x71: {  	_ =	shalt  }
0x72: {  	_ =	shalt  }
0x73: {  	_ =	shalt  }
0x74: {  	_ =	shalt  }
0x75: {  	_ =	shalt  }
0x76: {  	_ =	shalt  }
0x77: {  	_ =	shalt  }
0x78: {  	_ =	shalt  }
0x79: {  	_ =	shalt  }
0x7a: {  	_ =	shalt  }
0x7b: {  	_ =	shalt  }
0x7c: {  	_ =	shalt  }
0x7d: {  	_ =	shalt  }
0x7e: {  	_ =	shalt  }
0x7f: {  	_ =	shalt  }
0x80: {  	_ =	shalt  }
0x81: {  	_ =	shalt  }
0x82: {  	_ =	shalt  }
0x83: {  	_ =	shalt  }
0x84: {  	_ =	shalt  }
0x85: {  	_ =	shalt  }
0x86: {  	_ =	shalt  }
0x87: {  	_ =	shalt  }
.Lfunc_end0:
.L_simem_size_0:
called_computation_lowered:
.L_overlay_start_0:
0x88: {  	s2 =	sld [smem:$0x3FD9]  }
0x89: {  	s3 =	sld [smem:$0x3FFE];
	_ =	sdelay $0x1  }
0x8a: {  	s1 =	srdreg.scid  }
0x8b: {  	s0 =	sand.u32 $0x1, s1  }
0x8c: {  	s16 =	sshll.u32 s0, $0xA;
	s2 =	sadd.s32 s3, s2  }
0x8d: {  	s2 =	sadd.s32 s2, s16  }
0x8e: {  	[smem:$0x3FC2] =	sst s2  }
0x8f: {  	_ = 	snop  }
0x90: {  	(tm) =	ssettm $0x1  }
0x91: {  	s17 =	sld [smem:$0x3FFB];
	_ =	sdelay $0x3  }
0x92: {  	_ =	strace s17  }
0x93: {  	s2 =	sld [smem:$0x3FFC];
	_ =	sdelay $0x3  }
0x94: {  	_ =	strace s2  }
0x95: {  	s2 =	sld [smem:$0x3FFD];
	_ =	sdelay $0x3  }
0x96: {  	_ =	strace s2  }
0x97: {  	_ =	strace $0x8FFFFFFF  }
0x98: {  	s18 =	sld [smem:$0x3FDB];
	_ =	sdelay $0x1  }
0x99: {  	s19 =	simm.s32 $_scs_section_size  }
0x9a: {  	s4 =	simm.s32 $_size__tile_overlayer_lowered;
	s5 =	simm.s32 $_tile_overlayer_lowered  }
0x9b: {  	s22 =	simm.s32 $0x1BFF;
	s21 =	sshll.u32 s5, $0x1;
	s2 =	sadd.s32 s19, s18  }
0x9c: {  	s6 =	simm.s32 $0x0;
	s20 =	sshll.u32 s4, $0x1;
	s4 =	sadd.s32 s21, s2  }
0x9d: {  	[timem:s6], [sflag:s22] =	dma.local [hbm:s4], s20  }
0x9e: {  	_ =	swait.ge [sflag:s22], s20  }
0x9f: {  	s3 =	ssub.s32 $0x0, s20;
	[sflag:s22] =	ssyncset.done $0x0  }
0xa0: {  	[sflag:s22] =	ssyncadd.s32 s3;
	_ =	sdelay $0x1  }
0xa1: {  	s23 =	simm.s32 $0x1B8B  }
0xa2: {  	_ =	swait.ge [sflag:s23], $0x1  }
0xa3: {  	[sflag:s23] =	ssyncset.done $0x0  }
0xa4: {  	s25 =	simm.s32 $0x1B8E;
	s24 =	sld [smem:$0x3FFE];
	[sflag:s23] =	ssyncadd.s32 $0xFFFFFFFF  }
0xa5: {  	s26 =	simm.s32 $execute0_lowered;
	[smem:$0x3FD2] =	sst s25  }
0xa6: {  	s4 =	sshll.u32 s26, $0x1;
	_ =	strace $0x80000046;
	[dreg:$0x1] =	wrdreg $0xFFFFFFFF  }
0xa7: {  	s28 =	simm.s32 $_size_execute0_lowered;
	s2 =	sadd.s32 s2, s4;
	[dreg:$0x0] =	wrdreg $0x0  }
0xa8: {  	s4 =	sshll.u32 s28, $0x1;
	[dreg:$0x2] =	wrdreg s2  }
0xa9: {  	[dreg:$0x3] =	wrdreg s4  }
0xaa: {  	[dreg:$0x4] =	wrdreg $0xC0  }
0xab: {  	_ =	task [dreg:s6], $0x5FFFF  }
0xac: {  	[dreg:$0x1] =	wrdreg $0xFFFFFFFF  }
0xad: {  	[dreg:$0x0] =	wrdreg $0x60  }
0xae: {  	[dreg:$0x2] =	wrdreg s24  }
0xaf: {  	[dreg:$0x3] =	wrdreg $0x2FD00  }
0xb0: {  	[dreg:$0x4] =	wrdreg $0x9  }
0xb1: {  	_ =	task.clear_ibuf [dreg:s6], $0x5FFFF;
	_ =	strace $0x90000046  }
0xb2: {  	s29 =	simm.s32 $0x9;
	_ =	strace $0x80000048  }
0xb3: {  	_ =	swait.ge [sflag:s29], $0x1  }
0xb4: {  	[sflag:s29] =	ssyncadd.s32 $0xFFFFFFFF  }
0xb5: {  	_ =	strace $0x90000048  }
0xb6: {  	_ =	sfence  }
0xb7: {  	s30 =	sld [smem:$0x0];
	_ =	sdelay $0x2  }
0xb8: {  	s31 =	sshll.u32 s1, $0xD;
	s1 =	sshrl.u32 s1, $0x2  }
0xb9: {  	s3 =	sand.u32 $0x4000, s31;
	s1 =	sadd.s32 s1, s30  }
0xba: {  	s0 =	sor.u32 s3, s0;
	s1 =	sshll.u32 s1, $0x11  }
0xbb: {  	s0 =	sor.u32 s1, s0  }
0xbc: {  	s0 =	sadd.s32 $0x8F2B, s0  }
0xbd: {  	[sflag:s0] =	ssyncadd.remote.s32 $0x1  }
0xbe: {  	_ =	sfence.sel $0xFFFF  }
0xbf: {  	[dreg:$0x0] =	wrdreg $0xFFFFFFFF;
	(pc) =	sbr.abs _section_cstart, $3  }
0xc0: {  	[dreg:$0x1] =	wrdreg $0xFFFFFFFF  }
0xc1: {  	_ =	task.clear_ibuf [dreg:s6], $0x2FFFF;
	_ =	strace $0x9FFFFFFF  }
0xc2: {  	(tm) =	ssettm $0x7FFFFFFF  }
0xc3: {  	_ =	shalt  }
tec
execute0_lowered:
.L_overlay_start_1:
0x0: {  	(tag) =	ssettag $0x1  }
0x1: {  	s1 =	srdreg.scid;
	s6 =	rddreg [dreg:$0x0]  }
0x2: {  	s0 =	stileid.u32;
	s2 =	rddreg [dreg:$0x1]  }
0x3: {  	s3 =	simm.s32 $0x0;
	s13 =	simm.s32 $0x7D;
	s14 =	simm.s32 $0x1  }
0x4: {  	s15 =	simm.s32 $0x0;
	s5 =	sand.u32 $0x1, s1;
	s30 =	sshll.u32 s0, $0x1  }
0x5: {  	s8 =	smul.u32 $0x2800, s0;
	[smem:$0x7FF] =	sst s3;
	s4 =	sadd.s32 $0xC600, s6  }
0x6: {  	s31 =	sshll.u32 s0, $0x6;
	s1 =	sor.u32 s5, s30;
	s9 =	smul.u32 $0x28000, s5  }
0x7: {  	s5 =	ssub.s32 $0x2, s5;
	s7 =	smul.u32 $0x500, s1;
	s1 =	rddreg [dreg:$0x2]  }
0x8: {  	_ =	strace $0x80000047;
	s10 =	sshrl.u32 s8, $0x3;
	s11 =	sshrl.u32 s5, $0x1  }
0x9: {  	s12 =	sadd.s32 s8, s2;
	s9 =	sadd.s32 s8, s9;
	s10 =	sadd.s32 s10, s6  }
0xa: {  	s11 =	ssub.s32 s5, s11;
	s12 =	sshrl.u32 s12, $0x3;
	s7 =	sadd.s32 s7, s6  }
0xb: {  	s9 =	sshrl.u32 s9, $0x3;
	s8 =	smax.u32 s11, $0x1;
	s11 =	sor.u32 $0x1C02, s31  }
0xc: {  	s9 =	sadd.s32 s9, s6;
	s5 =	sadd.s32 $0x2600, s7;
	s6 =	sadd.s32 $0x11600, s10  }
0xd: {  	s10 =	simm.s32 $0x2800;
	s7 =	sadd.s32 $0x16600, s9;
	s9 =	simm.s32 $0x2  }
.LBB2_1:
0xe: {  	[tilespmem:s3], [sflag:$0x2] =	stream.linear.gather [hbm4b:s5+s3], $0x2800, $0x38;
	[tilespmem:$0x57D0] =	vst v63  }
0xf: {  	_ =	swait.ge [sflag:s9], $0x2800  }
0x10: {  	[sflag:s9] =	ssyncset.done $0x0  }
0x11: {  	[sflag:s9] =	ssyncadd.s32 $0xFFFFD800  }
0x12: {  	[tilespmem:s10], [sflag:$0x2] =	stream.linear.gather [hbm4b:s4+s3], $0x7D0, $0x38;
	[tilespmem:$0x57D0] =	vst v63  }
0x13: {  	_ =	swait.ge [sflag:s9], $0x7D0  }
0x14: {  	[sflag:s9] =	ssyncset.done $0x0  }
0x15: {  	[sflag:s9] =	ssyncadd.s32 $0xFFFFF830  }
0x16: {  	[spmem:s12], [sflag:s11] =	dma.local [hbm:s6], $0x500  }
0x17: {  	_ =	swait.ge [sflag:s9], $0x500  }
0x18: {  	[sflag:s9] =	ssyncset.done $0x0  }
0x19: {  	[sflag:s9] =	ssyncadd.s32 $0xFFFFFB00  }
0x1a: {  	s16 =	simm.s32 $0x0;
	[bflag:$0x0] =	sbarrier.arrive $0xFFFF  }
0x1b: {  	[spmem:s2] =	stream.indirect.scatter.add.f32 [tilespmem:s10], [sflag:$0x1], $0x10, s16, s13, $0xb8;
	[tilespmem:$0x57D0] =	vst v63  }
0x1c: {  	s24 =	simm.s32 $0x80  }
0x1d: {  	[spmem:s2] =	stream.indirect.scatter.add.f32 [tilespmem:s10], [sflag:$0x1], $0x10, s24, s13, $0xb8;
	[tilespmem:$0x57D0] =	vst v63  }
0x1e: {  	s25 =	simm.s32 $0x100  }
0x1f: {  	[spmem:s2] =	stream.indirect.scatter.add.f32 [tilespmem:s10], [sflag:$0x1], $0x10, s25, s13, $0xb8;
	[tilespmem:$0x57D0] =	vst v63  }
0x20: {  	s26 =	simm.s32 $0x180  }
0x21: {  	[spmem:s2] =	stream.indirect.scatter.add.f32 [tilespmem:s10], [sflag:$0x1], $0x10, s26, s13, $0xb8;
	[tilespmem:$0x57D0] =	vst v63  }
0x22: {  	s28 =	simm.s32 $0x200  }
0x23: {  	[spmem:s2] =	stream.indirect.scatter.add.f32 [tilespmem:s10], [sflag:$0x1], $0x10, s28, s13, $0xb8;
	[tilespmem:$0x57D0] =	vst v63  }
0x24: {  	s29 =	simm.s32 $0x280  }
0x25: {  	[spmem:s2] =	stream.indirect.scatter.add.f32 [tilespmem:s10], [sflag:$0x1], $0x10, s29, s13, $0xb8;
	[tilespmem:$0x57D0] =	vst v63  }
0x26: {  	s30 =	simm.s32 $0x300  }
0x27: {  	[spmem:s2] =	stream.indirect.scatter.add.f32 [tilespmem:s10], [sflag:$0x1], $0x10, s30, s13, $0xb8;
	[tilespmem:$0x57D0] =	vst v63  }
0x28: {  	s31 =	simm.s32 $0x380  }
0x29: {  	[spmem:s2] =	stream.indirect.scatter.add.f32 [tilespmem:s10], [sflag:$0x1], $0x10, s31, s13, $0xb8;
	[tilespmem:$0x57D0] =	vst v63  }
0x2a: {  	_ =	swait.ge [sflag:s14], $0x7D0  }
0x2b: {  	[sflag:s14] =	ssyncset.done $0x0  }
0x2c: {  	[sflag:s14] =	ssyncadd.s32 $0xFFFFF830  }
0x2d: {  	_ =	swait.ge [sflag:s14], $0x7D0  }
0x2e: {  	[sflag:s14] =	ssyncset.done $0x0  }
0x2f: {  	[sflag:s14] =	ssyncadd.s32 $0xFFFFF830  }
0x30: {  	_ =	swait.ge [sflag:s14], $0x7D0  }
0x31: {  	[sflag:s14] =	ssyncset.done $0x0  }
0x32: {  	[sflag:s14] =	ssyncadd.s32 $0xFFFFF830  }
0x33: {  	_ =	swait.ge [sflag:s14], $0x7D0  }
0x34: {  	[sflag:s14] =	ssyncset.done $0x0  }
0x35: {  	[sflag:s14] =	ssyncadd.s32 $0xFFFFF830  }
0x36: {  	_ =	swait.ge [sflag:s14], $0x7D0  }
0x37: {  	[sflag:s14] =	ssyncset.done $0x0  }
0x38: {  	[sflag:s14] =	ssyncadd.s32 $0xFFFFF830  }
0x39: {  	_ =	swait.ge [sflag:s14], $0x7D0  }
0x3a: {  	[sflag:s14] =	ssyncset.done $0x0  }
0x3b: {  	[sflag:s14] =	ssyncadd.s32 $0xFFFFF830  }
0x3c: {  	_ =	swait.ge [sflag:s14], $0x7D0  }
0x3d: {  	[sflag:s14] =	ssyncset.done $0x0  }
0x3e: {  	[sflag:s14] =	ssyncadd.s32 $0xFFFFF830  }
0x3f: {  	_ =	swait.ge [sflag:s14], $0x7D0  }
0x40: {  	s18 =	simm.s32 $0x2000;
	s16 =	simm.s32 $0x1000;
	[sflag:s14] =	ssyncset.done $0x0  }
.LBB2_2:
0x41: {  	s19 =	sshra.s32 s16, $0x2  }
0x42: {  	[sflag:s14] =	ssyncadd.s32 $0xFFFFF830;
	s16 =	smov.u32 s18;
	s17 =	sadd.s32 $0x1000, s18  }
0x43: {  	[spmem:s2] =	stream.indirect.scatter.add.f32 [tilespmem:s10], [sflag:$0x1], $0x10, s19, s13, $0xb8;
	[tilespmem:$0x57D0] =	vst v63  }
0x44: {  	p0 =	sne.s32 s18, $0x9000;
	s18 =	sadd.s32 $0x80, s19  }
0x45: {  	[spmem:s2] =	stream.indirect.scatter.add.f32 [tilespmem:s10], [sflag:$0x1], $0x10, s18, s13, $0xb8;
	[tilespmem:$0x57D0] =	vst v63  }
0x46: {  	s18 =	sadd.s32 $0x100, s19  }
0x47: {  	[spmem:s2] =	stream.indirect.scatter.add.f32 [tilespmem:s10], [sflag:$0x1], $0x10, s18, s13, $0xb8;
	[tilespmem:$0x57D0] =	vst v63  }
0x48: {  	s18 =	sadd.s32 $0x180, s19  }
0x49: {  	[spmem:s2] =	stream.indirect.scatter.add.f32 [tilespmem:s10], [sflag:$0x1], $0x10, s18, s13, $0xb8;
	[tilespmem:$0x57D0] =	vst v63  }
0x4a: {  	s18 =	sadd.s32 $0x200, s19  }
0x4b: {  	[spmem:s2] =	stream.indirect.scatter.add.f32 [tilespmem:s10], [sflag:$0x1], $0x10, s18, s13, $0xb8;
	[tilespmem:$0x57D0] =	vst v63  }
0x4c: {  	s18 =	sadd.s32 $0x280, s19  }
0x4d: {  	[spmem:s2] =	stream.indirect.scatter.add.f32 [tilespmem:s10], [sflag:$0x1], $0x10, s18, s13, $0xb8;
	[tilespmem:$0x57D0] =	vst v63  }
0x4e: {  	s18 =	sadd.s32 $0x300, s19  }
0x4f: {  	[spmem:s2] =	stream.indirect.scatter.add.f32 [tilespmem:s10], [sflag:$0x1], $0x10, s18, s13, $0xb8;
	[tilespmem:$0x57D0] =	vst v63  }
0x50: {  	s18 =	sadd.s32 $0x380, s19  }
0x51: {  	[spmem:s2] =	stream.indirect.scatter.add.f32 [tilespmem:s10], [sflag:$0x1], $0x10, s18, s13, $0xb8;
	[tilespmem:$0x57D0] =	vst v63  }
0x52: {  	_ =	swait.ge [sflag:s14], $0x7D0  }
0x53: {  	[sflag:s14] =	ssyncset.done $0x0  }
0x54: {  	[sflag:s14] =	ssyncadd.s32 $0xFFFFF830  }
0x55: {  	_ =	swait.ge [sflag:s14], $0x7D0  }
0x56: {  	[sflag:s14] =	ssyncset.done $0x0  }
0x57: {  	[sflag:s14] =	ssyncadd.s32 $0xFFFFF830  }
0x58: {  	_ =	swait.ge [sflag:s14], $0x7D0  }
0x59: {  	[sflag:s14] =	ssyncset.done $0x0  }
0x5a: {  	[sflag:s14] =	ssyncadd.s32 $0xFFFFF830  }
0x5b: {  	_ =	swait.ge [sflag:s14], $0x7D0  }
0x5c: {  	[sflag:s14] =	ssyncset.done $0x0  }
0x5d: {  	[sflag:s14] =	ssyncadd.s32 $0xFFFFF830  }
0x5e: {  	_ =	swait.ge [sflag:s14], $0x7D0  }
0x5f: {  	[sflag:s14] =	ssyncset.done $0x0  }
0x60: {  	[sflag:s14] =	ssyncadd.s32 $0xFFFFF830  }
0x61: {  	_ =	swait.ge [sflag:s14], $0x7D0  }
0x62: {  	[sflag:s14] =	ssyncset.done $0x0  }
0x63: {  	[sflag:s14] =	ssyncadd.s32 $0xFFFFF830  }
.Ltmp0:
0x64: {  	_ =	swait.ge [sflag:s14], $0x7D0;
	(pc) =	sbr.rel @p0 .LBB2_2-.Ltmp0, $4  }
0x65: {  	[sflag:s14] =	ssyncset.done $0x0  }
0x66: {  	[sflag:s14] =	ssyncadd.s32 $0xFFFFF830  }
0x67: {  	_ =	swait.ge [sflag:s14], $0x7D0  }
0x68: {  	s18 =	smov.u32 s17;
	[sflag:s14] =	ssyncset.done $0x0  }
0x69: {  	s16 =	sshra.s32 s16, $0x2;
	[sflag:s14] =	ssyncadd.s32 $0xFFFFF830  }
0x6a: {  	[spmem:s2] =	stream.indirect.scatter.add.f32 [tilespmem:s10], [sflag:$0x1], $0x10, s16, s13, $0xb8;
	[tilespmem:$0x57D0] =	vst v63  }
0x6b: {  	s17 =	sadd.s32 $0x80, s16  }
0x6c: {  	[spmem:s2] =	stream.indirect.scatter.add.f32 [tilespmem:s10], [sflag:$0x1], $0x10, s17, s13, $0xb8;
	[tilespmem:$0x57D0] =	vst v63  }
0x6d: {  	s26 =	sadd.s32 $0x100, s16  }
0x6e: {  	[spmem:s2] =	stream.indirect.scatter.add.f32 [tilespmem:s10], [sflag:$0x1], $0x10, s26, s13, $0xb8;
	[tilespmem:$0x57D0] =	vst v63  }
0x6f: {  	s28 =	sadd.s32 $0x180, s16  }
0x70: {  	[spmem:s2] =	stream.indirect.scatter.add.f32 [tilespmem:s10], [sflag:$0x1], $0x10, s28, s13, $0xb8;
	[tilespmem:$0x57D0] =	vst v63  }
0x71: {  	s29 =	sadd.s32 $0x200, s16  }
0x72: {  	[spmem:s2] =	stream.indirect.scatter.add.f32 [tilespmem:s10], [sflag:$0x1], $0x10, s29, s13, $0xb8;
	[tilespmem:$0x57D0] =	vst v63  }
0x73: {  	s30 =	sadd.s32 $0x280, s16  }
0x74: {  	[spmem:s2] =	stream.indirect.scatter.add.f32 [tilespmem:s10], [sflag:$0x1], $0x10, s30, s13, $0xb8;
	[tilespmem:$0x57D0] =	vst v63  }
0x75: {  	s31 =	sadd.s32 $0x300, s16  }
0x76: {  	[spmem:s2] =	stream.indirect.scatter.add.f32 [tilespmem:s10], [sflag:$0x1], $0x10, s31, s13, $0xb8;
	[tilespmem:$0x57D0] =	vst v63  }
0x77: {  	s16 =	sadd.s32 $0x380, s16  }
0x78: {  	[spmem:s2] =	stream.indirect.scatter.add.f32 [tilespmem:s10], [sflag:$0x1], $0x10, s16, s13, $0xb8;
	[tilespmem:$0x57D0] =	vst v63  }
0x79: {  	_ =	swait.ge [sflag:s14], $0x7D0  }
0x7a: {  	[sflag:s14] =	ssyncset.done $0x0  }
0x7b: {  	[sflag:s14] =	ssyncadd.s32 $0xFFFFF830  }
0x7c: {  	_ =	swait.ge [sflag:s14], $0x7D0  }
0x7d: {  	[sflag:s14] =	ssyncset.done $0x0  }
0x7e: {  	[sflag:s14] =	ssyncadd.s32 $0xFFFFF830  }
0x7f: {  	_ =	swait.ge [sflag:s14], $0x7D0  }
0x80: {  	[sflag:s14] =	ssyncset.done $0x0  }
0x81: {  	[sflag:s14] =	ssyncadd.s32 $0xFFFFF830  }
0x82: {  	_ =	swait.ge [sflag:s14], $0x7D0  }
0x83: {  	[sflag:s14] =	ssyncset.done $0x0  }
0x84: {  	[sflag:s14] =	ssyncadd.s32 $0xFFFFF830  }
0x85: {  	_ =	swait.ge [sflag:s14], $0x7D0  }
0x86: {  	[sflag:s14] =	ssyncset.done $0x0  }
0x87: {  	[sflag:s14] =	ssyncadd.s32 $0xFFFFF830  }
0x88: {  	_ =	swait.ge [sflag:s14], $0x7D0  }
0x89: {  	[sflag:s14] =	ssyncset.done $0x0  }
0x8a: {  	[sflag:s14] =	ssyncadd.s32 $0xFFFFF830  }
0x8b: {  	_ =	swait.ge [sflag:s14], $0x7D0  }
0x8c: {  	[sflag:s14] =	ssyncset.done $0x0  }
0x8d: {  	[sflag:s14] =	ssyncadd.s32 $0xFFFFF830  }
0x8e: {  	_ =	swait.ge [sflag:s14], $0x7D0  }
0x8f: {  	s15 =	sadd.s32 $0x1, s15;
	[sflag:s14] =	ssyncset.done $0x0  }
0x90: {  	p0 =	sne.s32 s15, s8;
	[sflag:s14] =	ssyncadd.s32 $0xFFFFF830  }
.Ltmp1:
0x91: {  	[bflag:$0x0] =	sbarrier.arrive $0xFFFF;
	(pc) =	sbr.rel @p0 .LBB2_1-.Ltmp1, $4  }
0x92: {  	[hbm:s7], [sflag:s11] =	dma.local [spmem:s12], $0x500  }
0x93: {  	_ =	swait.ge [sflag:s9], $0x500  }
0x94: {  	[sflag:s9] =	ssyncset.done $0x0  }
0x95: {  	[sflag:s9] =	ssyncadd.s32 $0xFFFFFB00  }
0x96: {  	_ =	sfence.sel $0x180000  }
0x97: {  	[bflag:$0x0] =	sbarrier.arrive $0xFFFF  }
0x98: {  	p0 =	sne.s32 s0, $0x0;
	_ =	strace $0x90000047  }
0x99: {  	s0 =	sadd.s32 @!p0 $0x100000, s1;
	[bflag:$0x2] =	sbarrier.arrive $0xFFFF  }
0x9a: {  	[sflag:s0] =	ssyncadd.tile.s32 @!p0 $0x1;
	_ =	shalt  }
.Lfunc_end2:
_tile_overlayer_lowered:
.L_overlay_start_2:
0x9b: {  	(tag) =	ssettag $0x2  }
0x9c: {  	s0 =	rddreg [dreg:$0x0];
	s2 =	stileid.u32  }
0x9d: {  	s1 =	rddreg [dreg:$0x1];
	p0 =	sne.s32 s2, $0x0  }
0x9e: {  	s3 =	rddreg [dreg:$0x2];
	[bflag:$0x3] =	sbarrier.arrive $0xFFFF;
	s2 =	simm.s32 @!p0 $0x1C02  }
0x9f: {  	[timem:s3], [sflag:s2] =	dma.local @!p0 [hbm:s0], s1  }
0xa0: {  	s0 =	simm.s32 @!p0 $0x2  }
0xa1: {  	_ =	swait.ge @!p0 [sflag:s0], s1  }
0xa2: {  	s1 =	ssub.s32 @!p0 $0x0, s1;
	[sflag:s0] =	ssyncset.done @!p0 $0x0  }
0xa3: {  	[sflag:s0] =	ssyncadd.s32 @!p0 s1  }
0xa4: {  	[bflag:$0x3] =	sbarrier.arrive $0xFFFF  }
0xa5: {  	_ =	shalt  }

</sc_bundles>
